<compile_context>
chip_gen: v7x
topology: tpu7x:2x2x1
jax: 0.10.2.dev20260603
libtpu: 0.0.44.dev20260713+nightly
codegen_flags: <defaults>
</compile_context>

<pallas_src>
import functools

import jax
import jax.numpy as jnp
from jax import lax
from jax.experimental import pallas as pl
from jax.experimental.pallas import tpu as pltpu
from jax.experimental.pallas import tpu_sc as plsc

_L = 16


@functools.lru_cache(maxsize=None)
def _make_sc_kjt(F: int, B: int, T: int):
    assert B % _L == 0
    C = B // _L
    CP = C + 1
    mesh = plsc.VectorSubcoreMesh(
        core_axis_name="c", subcore_axis_name="s", num_cores=2, num_subcores=16
    )

    @functools.partial(
        pl.kernel,
        out_type=(
            jax.ShapeDtypeStruct((F * B,), jnp.int32),
            jax.ShapeDtypeStruct((F * B + 1,), jnp.int32),
            jax.ShapeDtypeStruct((F, 1), jnp.int32),
        ),
        mesh=mesh,
        compiler_params=pltpu.CompilerParams(
            needs_layout_passes=False, use_tc_tiling_on_sc=False
        ),
        scratch_types=[
            pltpu.VMEM((_L, CP), jnp.int32),
            pltpu.VMEM((_L, CP), jnp.int32),
            pltpu.VMEM((2 * _L,), jnp.int32),
            pltpu.VMEM((_L,), jnp.int32),
            pltpu.SemaphoreType.DMA,
        ],
    )
    def sc_kjt(
        len_hbm,
        len_out, off_hbm, lpk_hbm,
        in_v, out_v, scan_v, t_v, sem,
    ):
        w = lax.axis_index("s") * 2 + lax.axis_index("c")

        @pl.when(w < F)
        def _():
            copies = [
                pltpu.async_copy(
                    len_hbm.at[w, pl.ds(l * C, C)], in_v.at[l, pl.ds(0, C)], sem
                )
                for l in range(_L)
            ]
            for cp in copies:
                cp.wait()

            lcp = [
                pltpu.async_copy(
                    in_v.at[l, pl.ds(0, C)], len_out.at[pl.ds(w * B + l * C, C)], sem
                )
                for l in range(_L)
            ]

            lane = lax.iota(jnp.int32, _L)

            def body_a(i, acc):
                return acc + plsc.load_gather(in_v, [lane, jnp.full((_L,), i, jnp.int32)])

            acc = lax.fori_loop(0, C, body_a, jnp.zeros((_L,), jnp.int32), unroll=16)

            scan_v[pl.ds(0, _L)] = jnp.zeros((_L,), jnp.int32)
            x = acc
            for k in (1, 2, 4, 8):
                scan_v[pl.ds(_L, _L)] = x
                x = x + plsc.load_gather(scan_v, [lane + (_L - k)])
            base = x - acc + w * T

            def body_b(i, run):
                iv = jnp.full((_L,), i, jnp.int32)
                v = plsc.load_gather(in_v, [lane, iv])
                plsc.store_scatter(out_v, [lane, iv], run)
                return run + v

            lax.fori_loop(0, C, body_b, base, unroll=16)

            scan_v[pl.ds(_L, _L)] = x
            tot = plsc.load_gather(scan_v, [jnp.full((_L,), 2 * _L - 1, jnp.int32)])
            t_v[...] = tot
            tcp = pltpu.async_copy(t_v.at[pl.ds(0, 1)], lpk_hbm.at[w], sem)

            wcopies = [
                pltpu.async_copy(
                    out_v.at[l, pl.ds(0, C)],
                    off_hbm.at[pl.ds(w * B + l * C, C)],
                    sem,
                )
                for l in range(_L)
            ]

            @pl.when(w == F - 1)
            def _():
                scan_v[pl.ds(0, _L)] = tot + w * T
                pltpu.sync_copy(scan_v.at[pl.ds(0, 1)], off_hbm.at[pl.ds(F * B, 1)])

            for cp in wcopies:
                cp.wait()
            tcp.wait()
            for cp in lcp:
                cp.wait()

    return sc_kjt


def kernel(values, weights, lengths):
    F, T = values.shape
    B = lengths.shape[1]
    kjt_values = values.reshape(F * T)
    kjt_weights = weights.reshape(F * T)
    kjt_lengths, kjt_offsets, lpk = _make_sc_kjt(F, B, T)(lengths)
    return kjt_values, kjt_weights, kjt_lengths, kjt_offsets, lpk.reshape(F)

# --- scband reference (transcript-rebuilt; emitter-appended) ---
"""Pipeline reference for scband-compute-jtdict-to-kjt-79955111182586 (READ-ONLY COPY).

The authoritative reference and input builder live on the scoring server;
editing this copy changes nothing except your own understanding.
"""

import jax, jax.numpy as jnp
import numpy as np

F, B, T = 26, 4096, 204800


def setup_inputs(seed: int = 0) -> dict:
    key = jax.random.key(seed)
    k1, k2, k3 = jax.random.split(key, 3)
    values = jax.random.normal(k1, (F, T), dtype=jnp.float32)
    weights = jax.random.uniform(k2, (F, T), dtype=jnp.float32)
    # Build per-key lengths that are consistent with T total values per key:
    # sample interior offsets, sort, fix endpoints at 0 and T, then diff.
    inner = jnp.sort(jax.random.randint(k3, (F, B - 1), 0, T + 1, dtype=jnp.int32), axis=1)
    offsets = jnp.concatenate(
        [jnp.zeros((F, 1), jnp.int32), inner, jnp.full((F, 1), T, jnp.int32)], axis=1
    )
    lengths = jnp.diff(offsets, axis=1).astype(jnp.int32)
    return {"values": values, "weights": weights, "lengths": lengths}


def reference(values, weights, lengths):
    # Faithful translation of ComputeJTDictToKJT.forward == jt_dict_to_kjt(jt_dict):
    # jt_dict is {key_i: JaggedTensor(values=values[i], weights=weights[i], lengths=lengths[i])}
    # 1) kjt values  = torch.concat([jt.values()  for jt in jt_dict.values()])
    kjt_values = jnp.concatenate([values[i] for i in range(F)], axis=0)
    # 2) kjt weights = torch.concat([jt.weights() for jt in jt_dict.values()])
    kjt_weights = jnp.concatenate([weights[i] for i in range(F)], axis=0)
    # 3) kjt lengths = torch.cat([jt.lengths() for jt in jt_dict.values()])
    kjt_lengths = jnp.concatenate([lengths[i] for i in range(F)], axis=0)
    # 4) KeyedJaggedTensor construction: offsets = asynchronous_complete_cumsum(lengths)
    kjt_offsets = jnp.concatenate(
        [jnp.zeros((1,), dtype=jnp.int32), jnp.cumsum(kjt_lengths).astype(jnp.int32)]
    )
    # 5) length_per_key (sum of lengths per key, via segment sum over stride_per_key)
    length_per_key = jnp.sum(lengths.astype(jnp.int64), axis=1)
    return kjt_values, kjt_weights, kjt_lengths, kjt_offsets, length_per_key

if __name__ == "__main__":
    import jax
    _d = setup_inputs()
    print(jax.jit(kernel)(*tuple(_d.values())))

</pallas_src>

<mosaic_0001>
#map = affine_map<(d0, d1) -> (0, 0)>
#map1 = affine_map<(d0, d1) -> (0)>
module attributes {stable_mosaic.version = 14 : i64} {
  func.func @sc_kjt(%arg0: i32, %arg1: i32, %arg2: memref<26x4096xi32, #tpu.memory_space<hbm>>, %arg3: memref<106496xi32, #tpu.memory_space<hbm>>, %arg4: memref<106497xi32, #tpu.memory_space<hbm>>, %arg5: memref<26x1xi32, #tpu.memory_space<hbm>>, %arg6: memref<16x257xi32, #tpu.memory_space<vmem>>, %arg7: memref<16x257xi32, #tpu.memory_space<vmem>>, %arg8: memref<32xi32, #tpu.memory_space<vmem>>, %arg9: memref<16xi32, #tpu.memory_space<vmem>>, %arg10: memref<!tpu.dma_semaphore, #tpu.memory_space<semaphore_mem>>) attributes {dimension_semantics = [#tpu.dimension_semantics<core_parallel>, #tpu.dimension_semantics<subcore_parallel>], iteration_bounds = array<i64: 2, 16>, scalar_prefetch = 0 : i64, scratch_operands = 5 : i64, tpu.core_type = #tpu.core_type<sc_vector_subcore>, window_params = [{transform_indices = #map}, {transform_indices = #map1}, {transform_indices = #map1}, {transform_indices = #map}]} {
    %mul3A = arith.constant 2 : i32
    %mul3A_0 = arith.muli %arg1, %mul3A : i32
    %add3A = arith.addi %mul3A_0, %arg0 : i32
    %lt3A = arith.constant 26 : i32
    %lt3A_1 = arith.cmpi slt, %add3A, %lt3A : i32
    %convert_element_type3A = arith.extui %lt3A_1 : i1 to i32
    %cond3A = arith.constant 0 : i32
    %cond3A_2 = arith.cmpi ne, %convert_element_type3A, %cond3A : i32
    scf.if %cond3A_2 {
      %dma_start3A = arith.constant 0 : i32
      %dma_start3A_3 = arith.constant 0 : i32
      %dma_start3A_4 = tpu.memref_slice %arg6[%dma_start3A, %dma_start3A_3] : memref<16x257xi32, #tpu.memory_space<vmem>> -> memref<1x256xi32, #tpu.memory_space<vmem>>
      %dma_start3A_5 = tpu.memref_squeeze %dma_start3A_4 : memref<1x256xi32, #tpu.memory_space<vmem>> -> memref<256xi32, #tpu.memory_space<vmem>>
      %dma_start3A_6 = arith.constant 0 : i32
      %dma_start3A_7 = tpu.memref_slice %arg2[%add3A, %dma_start3A_6] : memref<26x4096xi32, #tpu.memory_space<hbm>> -> memref<1x256xi32, #tpu.memory_space<hbm>>
      %dma_start3A_8 = tpu.memref_squeeze %dma_start3A_7 : memref<1x256xi32, #tpu.memory_space<hbm>> -> memref<256xi32, #tpu.memory_space<hbm>>
      %dma_start3A_9 = arith.constant 0 : i32
      %dma_start3A_10 = tpu.memref_slice %arg6[%dma_start3A, %dma_start3A_9] : memref<16x257xi32, #tpu.memory_space<vmem>> -> memref<1x256xi32, #tpu.memory_space<vmem>>
      %dma_start3A_11 = tpu.memref_squeeze %dma_start3A_10 : memref<1x256xi32, #tpu.memory_space<vmem>> -> memref<256xi32, #tpu.memory_space<vmem>>
      %dma_start3A_12 = arith.constant 0 : i32
      %dma_start3A_13 = tpu.memref_slice %arg2[%add3A, %dma_start3A_12] : memref<26x4096xi32, #tpu.memory_space<hbm>> -> memref<1x256xi32, #tpu.memory_space<hbm>>
      %dma_start3A_14 = tpu.memref_squeeze %dma_start3A_13 : memref<1x256xi32, #tpu.memory_space<hbm>> -> memref<256xi32, #tpu.memory_space<hbm>>
      tpu.enqueue_dma source(%dma_start3A_14 : memref<256xi32, #tpu.memory_space<hbm>>) target(%dma_start3A_11 : memref<256xi32, #tpu.memory_space<vmem>>) target_semaphore(%arg10 : memref<!tpu.dma_semaphore, #tpu.memory_space<semaphore_mem>>)
      %dma_start3A_15 = arith.constant 1 : i32
      %dma_start3A_16 = arith.constant 0 : i32
      %dma_start3A_17 = tpu.memref_slice %arg6[%dma_start3A_15, %dma_start3A_16] : memref<16x257xi32, #tpu.memory_space<vmem>> -> memref<1x256xi32, #tpu.memory_space<vmem>>
      %dma_start3A_18 = tpu.memref_squeeze %dma_start3A_17 : memref<1x256xi32, #tpu.memory_space<vmem>> -> memref<256xi32, #tpu.memory_space<vmem>>
      %dma_start3A_19 = arith.constant 256 : i32
      %dma_start3A_20 = tpu.memref_slice %arg2[%add3A, %dma_start3A_19] : memref<26x4096xi32, #tpu.memory_space<hbm>> -> memref<1x256xi32, #tpu.memory_space<hbm>>
      %dma_start3A_21 = tpu.memref_squeeze %dma_start3A_20 : memref<1x256xi32, #tpu.memory_space<hbm>> -> memref<256xi32, #tpu.memory_space<hbm>>
      %dma_start3A_22 = arith.constant 0 : i32
      %dma_start3A_23 = tpu.memref_slice %arg6[%dma_start3A_15, %dma_start3A_22] : memref<16x257xi32, #tpu.memory_space<vmem>> -> memref<1x256xi32, #tpu.memory_space<vmem>>
      %dma_start3A_24 = tpu.memref_squeeze %dma_start3A_23 : memref<1x256xi32, #tpu.memory_space<vmem>> -> memref<256xi32, #tpu.memory_space<vmem>>
      %dma_start3A_25 = arith.constant 256 : i32
      %dma_start3A_26 = tpu.memref_slice %arg2[%add3A, %dma_start3A_25] : memref<26x4096xi32, #tpu.memory_space<hbm>> -> memref<1x256xi32, #tpu.memory_space<hbm>>
      %dma_start3A_27 = tpu.memref_squeeze %dma_start3A_26 : memref<1x256xi32, #tpu.memory_space<hbm>> -> memref<256xi32, #tpu.memory_space<hbm>>
      tpu.enqueue_dma source(%dma_start3A_27 : memref<256xi32, #tpu.memory_space<hbm>>) target(%dma_start3A_24 : memref<256xi32, #tpu.memory_space<vmem>>) target_semaphore(%arg10 : memref<!tpu.dma_semaphore, #tpu.memory_space<semaphore_mem>>)
      %dma_start3A_28 = arith.constant 2 : i32
      %dma_start3A_29 = arith.constant 0 : i32
      %dma_start3A_30 = tpu.memref_slice %arg6[%dma_start3A_28, %dma_start3A_29] : memref<16x257xi32, #tpu.memory_space<vmem>> -> memref<1x256xi32, #tpu.memory_space<vmem>>
      %dma_start3A_31 = tpu.memref_squeeze %dma_start3A_30 : memref<1x256xi32, #tpu.memory_space<vmem>> -> memref<256xi32, #tpu.memory_space<vmem>>
      %dma_start3A_32 = arith.constant 512 : i32
      %dma_start3A_33 = tpu.memref_slice %arg2[%add3A, %dma_start3A_32] : memref<26x4096xi32, #tpu.memory_space<hbm>> -> memref<1x256xi32, #tpu.memory_space<hbm>>
      %dma_start3A_34 = tpu.memref_squeeze %dma_start3A_33 : memref<1x256xi32, #tpu.memory_space<hbm>> -> memref<256xi32, #tpu.memory_space<hbm>>
      %dma_start3A_35 = arith.constant 0 : i32
      %dma_start3A_36 = tpu.memref_slice %arg6[%dma_start3A_28, %dma_start3A_35] : memref<16x257xi32, #tpu.memory_space<vmem>> -> memref<1x256xi32, #tpu.memory_space<vmem>>
      %dma_start3A_37 = tpu.memref_squeeze %dma_start3A_36 : memref<1x256xi32, #tpu.memory_space<vmem>> -> memref<256xi32, #tpu.memory_space<vmem>>
      %dma_start3A_38 = arith.constant 512 : i32
      %dma_start3A_39 = tpu.memref_slice %arg2[%add3A, %dma_start3A_38] : memref<26x4096xi32, #tpu.memory_space<hbm>> -> memref<1x256xi32, #tpu.memory_space<hbm>>
      %dma_start3A_40 = tpu.memref_squeeze %dma_start3A_39 : memref<1x256xi32, #tpu.memory_space<hbm>> -> memref<256xi32, #tpu.memory_space<hbm>>
      tpu.enqueue_dma source(%dma_start3A_40 : memref<256xi32, #tpu.memory_space<hbm>>) target(%dma_start3A_37 : memref<256xi32, #tpu.memory_space<vmem>>) target_semaphore(%arg10 : memref<!tpu.dma_semaphore, #tpu.memory_space<semaphore_mem>>)
      %dma_start3A_41 = arith.constant 3 : i32
      %dma_start3A_42 = arith.constant 0 : i32
      %dma_start3A_43 = tpu.memref_slice %arg6[%dma_start3A_41, %dma_start3A_42] : memref<16x257xi32, #tpu.memory_space<vmem>> -> memref<1x256xi32, #tpu.memory_space<vmem>>
      %dma_start3A_44 = tpu.memref_squeeze %dma_start3A_43 : memref<1x256xi32, #tpu.memory_space<vmem>> -> memref<256xi32, #tpu.memory_space<vmem>>
      %dma_start3A_45 = arith.constant 768 : i32
      %dma_start3A_46 = tpu.memref_slice %arg2[%add3A, %dma_start3A_45] : memref<26x4096xi32, #tpu.memory_space<hbm>> -> memref<1x256xi32, #tpu.memory_space<hbm>>
      %dma_start3A_47 = tpu.memref_squeeze %dma_start3A_46 : memref<1x256xi32, #tpu.memory_space<hbm>> -> memref<256xi32, #tpu.memory_space<hbm>>
      %dma_start3A_48 = arith.constant 0 : i32
      %dma_start3A_49 = tpu.memref_slice %arg6[%dma_start3A_41, %dma_start3A_48] : memref<16x257xi32, #tpu.memory_space<vmem>> -> memref<1x256xi32, #tpu.memory_space<vmem>>
      %dma_start3A_50 = tpu.memref_squeeze %dma_start3A_49 : memref<1x256xi32, #tpu.memory_space<vmem>> -> memref<256xi32, #tpu.memory_space<vmem>>
      %dma_start3A_51 = arith.constant 768 : i32
      %dma_start3A_52 = tpu.memref_slice %arg2[%add3A, %dma_start3A_51] : memref<26x4096xi32, #tpu.memory_space<hbm>> -> memref<1x256xi32, #tpu.memory_space<hbm>>
      %dma_start3A_53 = tpu.memref_squeeze %dma_start3A_52 : memref<1x256xi32, #tpu.memory_space<hbm>> -> memref<256xi32, #tpu.memory_space<hbm>>
      tpu.enqueue_dma source(%dma_start3A_53 : memref<256xi32, #tpu.memory_space<hbm>>) target(%dma_start3A_50 : memref<256xi32, #tpu.memory_space<vmem>>) target_semaphore(%arg10 : memref<!tpu.dma_semaphore, #tpu.memory_space<semaphore_mem>>)
      %dma_start3A_54 = arith.constant 4 : i32
      %dma_start3A_55 = arith.constant 0 : i32
      %dma_start3A_56 = tpu.memref_slice %arg6[%dma_start3A_54, %dma_start3A_55] : memref<16x257xi32, #tpu.memory_space<vmem>> -> memref<1x256xi32, #tpu.memory_space<vmem>>
      %dma_start3A_57 = tpu.memref_squeeze %dma_start3A_56 : memref<1x256xi32, #tpu.memory_space<vmem>> -> memref<256xi32, #tpu.memory_space<vmem>>
      %dma_start3A_58 = arith.constant 1024 : i32
      %dma_start3A_59 = tpu.memref_slice %arg2[%add3A, %dma_start3A_58] : memref<26x4096xi32, #tpu.memory_space<hbm>> -> memref<1x256xi32, #tpu.memory_space<hbm>>
      %dma_start3A_60 = tpu.memref_squeeze %dma_start3A_59 : memref<1x256xi32, #tpu.memory_space<hbm>> -> memref<256xi32, #tpu.memory_space<hbm>>
      %dma_start3A_61 = arith.constant 0 : i32
      %dma_start3A_62 = tpu.memref_slice %arg6[%dma_start3A_54, %dma_start3A_61] : memref<16x257xi32, #tpu.memory_space<vmem>> -> memref<1x256xi32, #tpu.memory_space<vmem>>
      %dma_start3A_63 = tpu.memref_squeeze %dma_start3A_62 : memref<1x256xi32, #tpu.memory_space<vmem>> -> memref<256xi32, #tpu.memory_space<vmem>>
      %dma_start3A_64 = arith.constant 1024 : i32
      %dma_start3A_65 = tpu.memref_slice %arg2[%add3A, %dma_start3A_64] : memref<26x4096xi32, #tpu.memory_space<hbm>> -> memref<1x256xi32, #tpu.memory_space<hbm>>
      %dma_start3A_66 = tpu.memref_squeeze %dma_start3A_65 : memref<1x256xi32, #tpu.memory_space<hbm>> -> memref<256xi32, #tpu.memory_space<hbm>>
      tpu.enqueue_dma source(%dma_start3A_66 : memref<256xi32, #tpu.memory_space<hbm>>) target(%dma_start3A_63 : memref<256xi32, #tpu.memory_space<vmem>>) target_semaphore(%arg10 : memref<!tpu.dma_semaphore, #tpu.memory_space<semaphore_mem>>)
      %dma_start3A_67 = arith.constant 5 : i32
      %dma_start3A_68 = arith.constant 0 : i32
      %dma_start3A_69 = tpu.memref_slice %arg6[%dma_start3A_67, %dma_start3A_68] : memref<16x257xi32, #tpu.memory_space<vmem>> -> memref<1x256xi32, #tpu.memory_space<vmem>>
      %dma_start3A_70 = tpu.memref_squeeze %dma_start3A_69 : memref<1x256xi32, #tpu.memory_space<vmem>> -> memref<256xi32, #tpu.memory_space<vmem>>
      %dma_start3A_71 = arith.constant 1280 : i32
      %dma_start3A_72 = tpu.memref_slice %arg2[%add3A, %dma_start3A_71] : memref<26x4096xi32, #tpu.memory_space<hbm>> -> memref<1x256xi32, #tpu.memory_space<hbm>>
      %dma_start3A_73 = tpu.memref_squeeze %dma_start3A_72 : memref<1x256xi32, #tpu.memory_space<hbm>> -> memref<256xi32, #tpu.memory_space<hbm>>
      %dma_start3A_74 = arith.constant 0 : i32
      %dma_start3A_75 = tpu.memref_slice %arg6[%dma_start3A_67, %dma_start3A_74] : memref<16x257xi32, #tpu.memory_space<vmem>> -> memref<1x256xi32, #tpu.memory_space<vmem>>
      %dma_start3A_76 = tpu.memref_squeeze %dma_start3A_75 : memref<1x256xi32, #tpu.memory_space<vmem>> -> memref<256xi32, #tpu.memory_space<vmem>>
      %dma_start3A_77 = arith.constant 1280 : i32
      %dma_start3A_78 = tpu.memref_slice %arg2[%add3A, %dma_start3A_77] : memref<26x4096xi32, #tpu.memory_space<hbm>> -> memref<1x256xi32, #tpu.memory_space<hbm>>
      %dma_start3A_79 = tpu.memref_squeeze %dma_start3A_78 : memref<1x256xi32, #tpu.memory_space<hbm>> -> memref<256xi32, #tpu.memory_space<hbm>>
      tpu.enqueue_dma source(%dma_start3A_79 : memref<256xi32, #tpu.memory_space<hbm>>) target(%dma_start3A_76 : memref<256xi32, #tpu.memory_space<vmem>>) target_semaphore(%arg10 : memref<!tpu.dma_semaphore, #tpu.memory_space<semaphore_mem>>)
      %dma_start3A_80 = arith.constant 6 : i32
      %dma_start3A_81 = arith.constant 0 : i32
      %dma_start3A_82 = tpu.memref_slice %arg6[%dma_start3A_80, %dma_start3A_81] : memref<16x257xi32, #tpu.memory_space<vmem>> -> memref<1x256xi32, #tpu.memory_space<vmem>>
      %dma_start3A_83 = tpu.memref_squeeze %dma_start3A_82 : memref<1x256xi32, #tpu.memory_space<vmem>> -> memref<256xi32, #tpu.memory_space<vmem>>
      %dma_start3A_84 = arith.constant 1536 : i32
      %dma_start3A_85 = tpu.memref_slice %arg2[%add3A, %dma_start3A_84] : memref<26x4096xi32, #tpu.memory_space<hbm>> -> memref<1x256xi32, #tpu.memory_space<hbm>>
      %dma_start3A_86 = tpu.memref_squeeze %dma_start3A_85 : memref<1x256xi32, #tpu.memory_space<hbm>> -> memref<256xi32, #tpu.memory_space<hbm>>
      %dma_start3A_87 = arith.constant 0 : i32
      %dma_start3A_88 = tpu.memref_slice %arg6[%dma_start3A_80, %dma_start3A_87] : memref<16x257xi32, #tpu.memory_space<vmem>> -> memref<1x256xi32, #tpu.memory_space<vmem>>
      %dma_start3A_89 = tpu.memref_squeeze %dma_start3A_88 : memref<1x256xi32, #tpu.memory_space<vmem>> -> memref<256xi32, #tpu.memory_space<vmem>>
      %dma_start3A_90 = arith.constant 1536 : i32
      %dma_start3A_91 = tpu.memref_slice %arg2[%add3A, %dma_start3A_90] : memref<26x4096xi32, #tpu.memory_space<hbm>> -> memref<1x256xi32, #tpu.memory_space<hbm>>
      %dma_start3A_92 = tpu.memref_squeeze %dma_start3A_91 : memref<1x256xi32, #tpu.memory_space<hbm>> -> memref<256xi32, #tpu.memory_space<hbm>>
      tpu.enqueue_dma source(%dma_start3A_92 : memref<256xi32, #tpu.memory_space<hbm>>) target(%dma_start3A_89 : memref<256xi32, #tpu.memory_space<vmem>>) target_semaphore(%arg10 : memref<!tpu.dma_semaphore, #tpu.memory_space<semaphore_mem>>)
      %dma_start3A_93 = arith.constant 7 : i32
      %dma_start3A_94 = arith.constant 0 : i32
      %dma_start3A_95 = tpu.memref_slice %arg6[%dma_start3A_93, %dma_start3A_94] : memref<16x257xi32, #tpu.memory_space<vmem>> -> memref<1x256xi32, #tpu.memory_space<vmem>>
      %dma_start3A_96 = tpu.memref_squeeze %dma_start3A_95 : memref<1x256xi32, #tpu.memory_space<vmem>> -> memref<256xi32, #tpu.memory_space<vmem>>
      %dma_start3A_97 = arith.constant 1792 : i32
      %dma_start3A_98 = tpu.memref_slice %arg2[%add3A, %dma_start3A_97] : memref<26x4096xi32, #tpu.memory_space<hbm>> -> memref<1x256xi32, #tpu.memory_space<hbm>>
      %dma_start3A_99 = tpu.memref_squeeze %dma_start3A_98 : memref<1x256xi32, #tpu.memory_space<hbm>> -> memref<256xi32, #tpu.memory_space<hbm>>
      %dma_start3A_100 = arith.constant 0 : i32
      %dma_start3A_101 = tpu.memref_slice %arg6[%dma_start3A_93, %dma_start3A_100] : memref<16x257xi32, #tpu.memory_space<vmem>> -> memref<1x256xi32, #tpu.memory_space<vmem>>
      %dma_start3A_102 = tpu.memref_squeeze %dma_start3A_101 : memref<1x256xi32, #tpu.memory_space<vmem>> -> memref<256xi32, #tpu.memory_space<vmem>>
      %dma_start3A_103 = arith.constant 1792 : i32
      %dma_start3A_104 = tpu.memref_slice %arg2[%add3A, %dma_start3A_103] : memref<26x4096xi32, #tpu.memory_space<hbm>> -> memref<1x256xi32, #tpu.memory_space<hbm>>
      %dma_start3A_105 = tpu.memref_squeeze %dma_start3A_104 : memref<1x256xi32, #tpu.memory_space<hbm>> -> memref<256xi32, #tpu.memory_space<hbm>>
      tpu.enqueue_dma source(%dma_start3A_105 : memref<256xi32, #tpu.memory_space<hbm>>) target(%dma_start3A_102 : memref<256xi32, #tpu.memory_space<vmem>>) target_semaphore(%arg10 : memref<!tpu.dma_semaphore, #tpu.memory_space<semaphore_mem>>)
      %dma_start3A_106 = arith.constant 8 : i32
      %dma_start3A_107 = arith.constant 0 : i32
      %dma_start3A_108 = tpu.memref_slice %arg6[%dma_start3A_106, %dma_start3A_107] : memref<16x257xi32, #tpu.memory_space<vmem>> -> memref<1x256xi32, #tpu.memory_space<vmem>>
      %dma_start3A_109 = tpu.memref_squeeze %dma_start3A_108 : memref<1x256xi32, #tpu.memory_space<vmem>> -> memref<256xi32, #tpu.memory_space<vmem>>
      %dma_start3A_110 = arith.constant 2048 : i32
      %dma_start3A_111 = tpu.memref_slice %arg2[%add3A, %dma_start3A_110] : memref<26x4096xi32, #tpu.memory_space<hbm>> -> memref<1x256xi32, #tpu.memory_space<hbm>>
      %dma_start3A_112 = tpu.memref_squeeze %dma_start3A_111 : memref<1x256xi32, #tpu.memory_space<hbm>> -> memref<256xi32, #tpu.memory_space<hbm>>
      %dma_start3A_113 = arith.constant 0 : i32
      %dma_start3A_114 = tpu.memref_slice %arg6[%dma_start3A_106, %dma_start3A_113] : memref<16x257xi32, #tpu.memory_space<vmem>> -> memref<1x256xi32, #tpu.memory_space<vmem>>
      %dma_start3A_115 = tpu.memref_squeeze %dma_start3A_114 : memref<1x256xi32, #tpu.memory_space<vmem>> -> memref<256xi32, #tpu.memory_space<vmem>>
      %dma_start3A_116 = arith.constant 2048 : i32
      %dma_start3A_117 = tpu.memref_slice %arg2[%add3A, %dma_start3A_116] : memref<26x4096xi32, #tpu.memory_space<hbm>> -> memref<1x256xi32, #tpu.memory_space<hbm>>
      %dma_start3A_118 = tpu.memref_squeeze %dma_start3A_117 : memref<1x256xi32, #tpu.memory_space<hbm>> -> memref<256xi32, #tpu.memory_space<hbm>>
      tpu.enqueue_dma source(%dma_start3A_118 : memref<256xi32, #tpu.memory_space<hbm>>) target(%dma_start3A_115 : memref<256xi32, #tpu.memory_space<vmem>>) target_semaphore(%arg10 : memref<!tpu.dma_semaphore, #tpu.memory_space<semaphore_mem>>)
      %dma_start3A_119 = arith.constant 9 : i32
      %dma_start3A_120 = arith.constant 0 : i32
      %dma_start3A_121 = tpu.memref_slice %arg6[%dma_start3A_119, %dma_start3A_120] : memref<16x257xi32, #tpu.memory_space<vmem>> -> memref<1x256xi32, #tpu.memory_space<vmem>>
      %dma_start3A_122 = tpu.memref_squeeze %dma_start3A_121 : memref<1x256xi32, #tpu.memory_space<vmem>> -> memref<256xi32, #tpu.memory_space<vmem>>
      %dma_start3A_123 = arith.constant 2304 : i32
      %dma_start3A_124 = tpu.memref_slice %arg2[%add3A, %dma_start3A_123] : memref<26x4096xi32, #tpu.memory_space<hbm>> -> memref<1x256xi32, #tpu.memory_space<hbm>>
      %dma_start3A_125 = tpu.memref_squeeze %dma_start3A_124 : memref<1x256xi32, #tpu.memory_space<hbm>> -> memref<256xi32, #tpu.memory_space<hbm>>
      %dma_start3A_126 = arith.constant 0 : i32
      %dma_start3A_127 = tpu.memref_slice %arg6[%dma_start3A_119, %dma_start3A_126] : memref<16x257xi32, #tpu.memory_space<vmem>> -> memref<1x256xi32, #tpu.memory_space<vmem>>
      %dma_start3A_128 = tpu.memref_squeeze %dma_start3A_127 : memref<1x256xi32, #tpu.memory_space<vmem>> -> memref<256xi32, #tpu.memory_space<vmem>>
      %dma_start3A_129 = arith.constant 2304 : i32
      %dma_start3A_130 = tpu.memref_slice %arg2[%add3A, %dma_start3A_129] : memref<26x4096xi32, #tpu.memory_space<hbm>> -> memref<1x256xi32, #tpu.memory_space<hbm>>
      %dma_start3A_131 = tpu.memref_squeeze %dma_start3A_130 : memref<1x256xi32, #tpu.memory_space<hbm>> -> memref<256xi32, #tpu.memory_space<hbm>>
      tpu.enqueue_dma source(%dma_start3A_131 : memref<256xi32, #tpu.memory_space<hbm>>) target(%dma_start3A_128 : memref<256xi32, #tpu.memory_space<vmem>>) target_semaphore(%arg10 : memref<!tpu.dma_semaphore, #tpu.memory_space<semaphore_mem>>)
      %dma_start3A_132 = arith.constant 10 : i32
      %dma_start3A_133 = arith.constant 0 : i32
      %dma_start3A_134 = tpu.memref_slice %arg6[%dma_start3A_132, %dma_start3A_133] : memref<16x257xi32, #tpu.memory_space<vmem>> -> memref<1x256xi32, #tpu.memory_space<vmem>>
      %dma_start3A_135 = tpu.memref_squeeze %dma_start3A_134 : memref<1x256xi32, #tpu.memory_space<vmem>> -> memref<256xi32, #tpu.memory_space<vmem>>
      %dma_start3A_136 = arith.constant 2560 : i32
      %dma_start3A_137 = tpu.memref_slice %arg2[%add3A, %dma_start3A_136] : memref<26x4096xi32, #tpu.memory_space<hbm>> -> memref<1x256xi32, #tpu.memory_space<hbm>>
      %dma_start3A_138 = tpu.memref_squeeze %dma_start3A_137 : memref<1x256xi32, #tpu.memory_space<hbm>> -> memref<256xi32, #tpu.memory_space<hbm>>
      %dma_start3A_139 = arith.constant 0 : i32
      %dma_start3A_140 = tpu.memref_slice %arg6[%dma_start3A_132, %dma_start3A_139] : memref<16x257xi32, #tpu.memory_space<vmem>> -> memref<1x256xi32, #tpu.memory_space<vmem>>
      %dma_start3A_141 = tpu.memref_squeeze %dma_start3A_140 : memref<1x256xi32, #tpu.memory_space<vmem>> -> memref<256xi32, #tpu.memory_space<vmem>>
      %dma_start3A_142 = arith.constant 2560 : i32
      %dma_start3A_143 = tpu.memref_slice %arg2[%add3A, %dma_start3A_142] : memref<26x4096xi32, #tpu.memory_space<hbm>> -> memref<1x256xi32, #tpu.memory_space<hbm>>
      %dma_start3A_144 = tpu.memref_squeeze %dma_start3A_143 : memref<1x256xi32, #tpu.memory_space<hbm>> -> memref<256xi32, #tpu.memory_space<hbm>>
      tpu.enqueue_dma source(%dma_start3A_144 : memref<256xi32, #tpu.memory_space<hbm>>) target(%dma_start3A_141 : memref<256xi32, #tpu.memory_space<vmem>>) target_semaphore(%arg10 : memref<!tpu.dma_semaphore, #tpu.memory_space<semaphore_mem>>)
      %dma_start3A_145 = arith.constant 11 : i32
      %dma_start3A_146 = arith.constant 0 : i32
      %dma_start3A_147 = tpu.memref_slice %arg6[%dma_start3A_145, %dma_start3A_146] : memref<16x257xi32, #tpu.memory_space<vmem>> -> memref<1x256xi32, #tpu.memory_space<vmem>>
      %dma_start3A_148 = tpu.memref_squeeze %dma_start3A_147 : memref<1x256xi32, #tpu.memory_space<vmem>> -> memref<256xi32, #tpu.memory_space<vmem>>
      %dma_start3A_149 = arith.constant 2816 : i32
      %dma_start3A_150 = tpu.memref_slice %arg2[%add3A, %dma_start3A_149] : memref<26x4096xi32, #tpu.memory_space<hbm>> -> memref<1x256xi32, #tpu.memory_space<hbm>>
      %dma_start3A_151 = tpu.memref_squeeze %dma_start3A_150 : memref<1x256xi32, #tpu.memory_space<hbm>> -> memref<256xi32, #tpu.memory_space<hbm>>
      %dma_start3A_152 = arith.constant 0 : i32
      %dma_start3A_153 = tpu.memref_slice %arg6[%dma_start3A_145, %dma_start3A_152] : memref<16x257xi32, #tpu.memory_space<vmem>> -> memref<1x256xi32, #tpu.memory_space<vmem>>
      %dma_start3A_154 = tpu.memref_squeeze %dma_start3A_153 : memref<1x256xi32, #tpu.memory_space<vmem>> -> memref<256xi32, #tpu.memory_space<vmem>>
      %dma_start3A_155 = arith.constant 2816 : i32
      %dma_start3A_156 = tpu.memref_slice %arg2[%add3A, %dma_start3A_155] : memref<26x4096xi32, #tpu.memory_space<hbm>> -> memref<1x256xi32, #tpu.memory_space<hbm>>
      %dma_start3A_157 = tpu.memref_squeeze %dma_start3A_156 : memref<1x256xi32, #tpu.memory_space<hbm>> -> memref<256xi32, #tpu.memory_space<hbm>>
      tpu.enqueue_dma source(%dma_start3A_157 : memref<256xi32, #tpu.memory_space<hbm>>) target(%dma_start3A_154 : memref<256xi32, #tpu.memory_space<vmem>>) target_semaphore(%arg10 : memref<!tpu.dma_semaphore, #tpu.memory_space<semaphore_mem>>)
      %dma_start3A_158 = arith.constant 12 : i32
      %dma_start3A_159 = arith.constant 0 : i32
      %dma_start3A_160 = tpu.memref_slice %arg6[%dma_start3A_158, %dma_start3A_159] : memref<16x257xi32, #tpu.memory_space<vmem>> -> memref<1x256xi32, #tpu.memory_space<vmem>>
      %dma_start3A_161 = tpu.memref_squeeze %dma_start3A_160 : memref<1x256xi32, #tpu.memory_space<vmem>> -> memref<256xi32, #tpu.memory_space<vmem>>
      %dma_start3A_162 = arith.constant 3072 : i32
      %dma_start3A_163 = tpu.memref_slice %arg2[%add3A, %dma_start3A_162] : memref<26x4096xi32, #tpu.memory_space<hbm>> -> memref<1x256xi32, #tpu.memory_space<hbm>>
      %dma_start3A_164 = tpu.memref_squeeze %dma_start3A_163 : memref<1x256xi32, #tpu.memory_space<hbm>> -> memref<256xi32, #tpu.memory_space<hbm>>
      %dma_start3A_165 = arith.constant 0 : i32
      %dma_start3A_166 = tpu.memref_slice %arg6[%dma_start3A_158, %dma_start3A_165] : memref<16x257xi32, #tpu.memory_space<vmem>> -> memref<1x256xi32, #tpu.memory_space<vmem>>
      %dma_start3A_167 = tpu.memref_squeeze %dma_start3A_166 : memref<1x256xi32, #tpu.memory_space<vmem>> -> memref<256xi32, #tpu.memory_space<vmem>>
      %dma_start3A_168 = arith.constant 3072 : i32
      %dma_start3A_169 = tpu.memref_slice %arg2[%add3A, %dma_start3A_168] : memref<26x4096xi32, #tpu.memory_space<hbm>> -> memref<1x256xi32, #tpu.memory_space<hbm>>
      %dma_start3A_170 = tpu.memref_squeeze %dma_start3A_169 : memref<1x256xi32, #tpu.memory_space<hbm>> -> memref<256xi32, #tpu.memory_space<hbm>>
      tpu.enqueue_dma source(%dma_start3A_170 : memref<256xi32, #tpu.memory_space<hbm>>) target(%dma_start3A_167 : memref<256xi32, #tpu.memory_space<vmem>>) target_semaphore(%arg10 : memref<!tpu.dma_semaphore, #tpu.memory_space<semaphore_mem>>)
      %dma_start3A_171 = arith.constant 13 : i32
      %dma_start3A_172 = arith.constant 0 : i32
      %dma_start3A_173 = tpu.memref_slice %arg6[%dma_start3A_171, %dma_start3A_172] : memref<16x257xi32, #tpu.memory_space<vmem>> -> memref<1x256xi32, #tpu.memory_space<vmem>>
      %dma_start3A_174 = tpu.memref_squeeze %dma_start3A_173 : memref<1x256xi32, #tpu.memory_space<vmem>> -> memref<256xi32, #tpu.memory_space<vmem>>
      %dma_start3A_175 = arith.constant 3328 : i32
      %dma_start3A_176 = tpu.memref_slice %arg2[%add3A, %dma_start3A_175] : memref<26x4096xi32, #tpu.memory_space<hbm>> -> memref<1x256xi32, #tpu.memory_space<hbm>>
      %dma_start3A_177 = tpu.memref_squeeze %dma_start3A_176 : memref<1x256xi32, #tpu.memory_space<hbm>> -> memref<256xi32, #tpu.memory_space<hbm>>
      %dma_start3A_178 = arith.constant 0 : i32
      %dma_start3A_179 = tpu.memref_slice %arg6[%dma_start3A_171, %dma_start3A_178] : memref<16x257xi32, #tpu.memory_space<vmem>> -> memref<1x256xi32, #tpu.memory_space<vmem>>
      %dma_start3A_180 = tpu.memref_squeeze %dma_start3A_179 : memref<1x256xi32, #tpu.memory_space<vmem>> -> memref<256xi32, #tpu.memory_space<vmem>>
      %dma_start3A_181 = arith.constant 3328 : i32
      %dma_start3A_182 = tpu.memref_slice %arg2[%add3A, %dma_start3A_181] : memref<26x4096xi32, #tpu.memory_space<hbm>> -> memref<1x256xi32, #tpu.memory_space<hbm>>
      %dma_start3A_183 = tpu.memref_squeeze %dma_start3A_182 : memref<1x256xi32, #tpu.memory_space<hbm>> -> memref<256xi32, #tpu.memory_space<hbm>>
      tpu.enqueue_dma source(%dma_start3A_183 : memref<256xi32, #tpu.memory_space<hbm>>) target(%dma_start3A_180 : memref<256xi32, #tpu.memory_space<vmem>>) target_semaphore(%arg10 : memref<!tpu.dma_semaphore, #tpu.memory_space<semaphore_mem>>)
      %dma_start3A_184 = arith.constant 14 : i32
      %dma_start3A_185 = arith.constant 0 : i32
      %dma_start3A_186 = tpu.memref_slice %arg6[%dma_start3A_184, %dma_start3A_185] : memref<16x257xi32, #tpu.memory_space<vmem>> -> memref<1x256xi32, #tpu.memory_space<vmem>>
      %dma_start3A_187 = tpu.memref_squeeze %dma_start3A_186 : memref<1x256xi32, #tpu.memory_space<vmem>> -> memref<256xi32, #tpu.memory_space<vmem>>
      %dma_start3A_188 = arith.constant 3584 : i32
      %dma_start3A_189 = tpu.memref_slice %arg2[%add3A, %dma_start3A_188] : memref<26x4096xi32, #tpu.memory_space<hbm>> -> memref<1x256xi32, #tpu.memory_space<hbm>>
      %dma_start3A_190 = tpu.memref_squeeze %dma_start3A_189 : memref<1x256xi32, #tpu.memory_space<hbm>> -> memref<256xi32, #tpu.memory_space<hbm>>
      %dma_start3A_191 = arith.constant 0 : i32
      %dma_start3A_192 = tpu.memref_slice %arg6[%dma_start3A_184, %dma_start3A_191] : memref<16x257xi32, #tpu.memory_space<vmem>> -> memref<1x256xi32, #tpu.memory_space<vmem>>
      %dma_start3A_193 = tpu.memref_squeeze %dma_start3A_192 : memref<1x256xi32, #tpu.memory_space<vmem>> -> memref<256xi32, #tpu.memory_space<vmem>>
      %dma_start3A_194 = arith.constant 3584 : i32
      %dma_start3A_195 = tpu.memref_slice %arg2[%add3A, %dma_start3A_194] : memref<26x4096xi32, #tpu.memory_space<hbm>> -> memref<1x256xi32, #tpu.memory_space<hbm>>
      %dma_start3A_196 = tpu.memref_squeeze %dma_start3A_195 : memref<1x256xi32, #tpu.memory_space<hbm>> -> memref<256xi32, #tpu.memory_space<hbm>>
      tpu.enqueue_dma source(%dma_start3A_196 : memref<256xi32, #tpu.memory_space<hbm>>) target(%dma_start3A_193 : memref<256xi32, #tpu.memory_space<vmem>>) target_semaphore(%arg10 : memref<!tpu.dma_semaphore, #tpu.memory_space<semaphore_mem>>)
      %dma_start3A_197 = arith.constant 15 : i32
      %dma_start3A_198 = arith.constant 0 : i32
      %dma_start3A_199 = tpu.memref_slice %arg6[%dma_start3A_197, %dma_start3A_198] : memref<16x257xi32, #tpu.memory_space<vmem>> -> memref<1x256xi32, #tpu.memory_space<vmem>>
      %dma_start3A_200 = tpu.memref_squeeze %dma_start3A_199 : memref<1x256xi32, #tpu.memory_space<vmem>> -> memref<256xi32, #tpu.memory_space<vmem>>
      %dma_start3A_201 = arith.constant 3840 : i32
      %dma_start3A_202 = tpu.memref_slice %arg2[%add3A, %dma_start3A_201] : memref<26x4096xi32, #tpu.memory_space<hbm>> -> memref<1x256xi32, #tpu.memory_space<hbm>>
      %dma_start3A_203 = tpu.memref_squeeze %dma_start3A_202 : memref<1x256xi32, #tpu.memory_space<hbm>> -> memref<256xi32, #tpu.memory_space<hbm>>
      %dma_start3A_204 = arith.constant 0 : i32
      %dma_start3A_205 = tpu.memref_slice %arg6[%dma_start3A_197, %dma_start3A_204] : memref<16x257xi32, #tpu.memory_space<vmem>> -> memref<1x256xi32, #tpu.memory_space<vmem>>
      %dma_start3A_206 = tpu.memref_squeeze %dma_start3A_205 : memref<1x256xi32, #tpu.memory_space<vmem>> -> memref<256xi32, #tpu.memory_space<vmem>>
      %dma_start3A_207 = arith.constant 3840 : i32
      %dma_start3A_208 = tpu.memref_slice %arg2[%add3A, %dma_start3A_207] : memref<26x4096xi32, #tpu.memory_space<hbm>> -> memref<1x256xi32, #tpu.memory_space<hbm>>
      %dma_start3A_209 = tpu.memref_squeeze %dma_start3A_208 : memref<1x256xi32, #tpu.memory_space<hbm>> -> memref<256xi32, #tpu.memory_space<hbm>>
      tpu.enqueue_dma source(%dma_start3A_209 : memref<256xi32, #tpu.memory_space<hbm>>) target(%dma_start3A_206 : memref<256xi32, #tpu.memory_space<vmem>>) target_semaphore(%arg10 : memref<!tpu.dma_semaphore, #tpu.memory_space<semaphore_mem>>)
      %dma_wait3A = arith.constant 0 : i32
      %dma_wait3A_210 = arith.constant 0 : i32
      %dma_wait3A_211 = tpu.memref_slice %arg6[%dma_wait3A, %dma_wait3A_210] : memref<16x257xi32, #tpu.memory_space<vmem>> -> memref<1x256xi32, #tpu.memory_space<vmem>>
      %dma_wait3A_212 = tpu.memref_squeeze %dma_wait3A_211 : memref<1x256xi32, #tpu.memory_space<vmem>> -> memref<256xi32, #tpu.memory_space<vmem>>
      %dma_wait3A_213 = arith.constant 0 : i32
      %dma_wait3A_214 = tpu.memref_slice %arg2[%add3A, %dma_wait3A_213] : memref<26x4096xi32, #tpu.memory_space<hbm>> -> memref<1x256xi32, #tpu.memory_space<hbm>>
      %dma_wait3A_215 = tpu.memref_squeeze %dma_wait3A_214 : memref<1x256xi32, #tpu.memory_space<hbm>> -> memref<256xi32, #tpu.memory_space<hbm>>
      %dma_wait3A_216 = arith.constant 0 : i32
      %dma_wait3A_217 = tpu.memref_slice %arg6[%dma_wait3A, %dma_wait3A_216] : memref<16x257xi32, #tpu.memory_space<vmem>> -> memref<1x256xi32, #tpu.memory_space<vmem>>
      %dma_wait3A_218 = tpu.memref_squeeze %dma_wait3A_217 : memref<1x256xi32, #tpu.memory_space<vmem>> -> memref<256xi32, #tpu.memory_space<vmem>>
      %dma_wait3A_219 = arith.constant 0 : i32
      %dma_wait3A_220 = tpu.memref_slice %arg2[%add3A, %dma_wait3A_219] : memref<26x4096xi32, #tpu.memory_space<hbm>> -> memref<1x256xi32, #tpu.memory_space<hbm>>
      %dma_wait3A_221 = tpu.memref_squeeze %dma_wait3A_220 : memref<1x256xi32, #tpu.memory_space<hbm>> -> memref<256xi32, #tpu.memory_space<hbm>>
      tpu.wait_dma2 semaphore(%arg10 : memref<!tpu.dma_semaphore, #tpu.memory_space<semaphore_mem>>) src(%dma_wait3A_221 : memref<256xi32, #tpu.memory_space<hbm>>) dst(%dma_wait3A_218 : memref<256xi32, #tpu.memory_space<vmem>>)
      %dma_wait3A_222 = arith.constant 1 : i32
      %dma_wait3A_223 = arith.constant 0 : i32
      %dma_wait3A_224 = tpu.memref_slice %arg6[%dma_wait3A_222, %dma_wait3A_223] : memref<16x257xi32, #tpu.memory_space<vmem>> -> memref<1x256xi32, #tpu.memory_space<vmem>>
      %dma_wait3A_225 = tpu.memref_squeeze %dma_wait3A_224 : memref<1x256xi32, #tpu.memory_space<vmem>> -> memref<256xi32, #tpu.memory_space<vmem>>
      %dma_wait3A_226 = arith.constant 256 : i32
      %dma_wait3A_227 = tpu.memref_slice %arg2[%add3A, %dma_wait3A_226] : memref<26x4096xi32, #tpu.memory_space<hbm>> -> memref<1x256xi32, #tpu.memory_space<hbm>>
      %dma_wait3A_228 = tpu.memref_squeeze %dma_wait3A_227 : memref<1x256xi32, #tpu.memory_space<hbm>> -> memref<256xi32, #tpu.memory_space<hbm>>
      %dma_wait3A_229 = arith.constant 0 : i32
      %dma_wait3A_230 = tpu.memref_slice %arg6[%dma_wait3A_222, %dma_wait3A_229] : memref<16x257xi32, #tpu.memory_space<vmem>> -> memref<1x256xi32, #tpu.memory_space<vmem>>
      %dma_wait3A_231 = tpu.memref_squeeze %dma_wait3A_230 : memref<1x256xi32, #tpu.memory_space<vmem>> -> memref<256xi32, #tpu.memory_space<vmem>>
      %dma_wait3A_232 = arith.constant 256 : i32
      %dma_wait3A_233 = tpu.memref_slice %arg2[%add3A, %dma_wait3A_232] : memref<26x4096xi32, #tpu.memory_space<hbm>> -> memref<1x256xi32, #tpu.memory_space<hbm>>
      %dma_wait3A_234 = tpu.memref_squeeze %dma_wait3A_233 : memref<1x256xi32, #tpu.memory_space<hbm>> -> memref<256xi32, #tpu.memory_space<hbm>>
      tpu.wait_dma2 semaphore(%arg10 : memref<!tpu.dma_semaphore, #tpu.memory_space<semaphore_mem>>) src(%dma_wait3A_234 : memref<256xi32, #tpu.memory_space<hbm>>) dst(%dma_wait3A_231 : memref<256xi32, #tpu.memory_space<vmem>>)
      %dma_wait3A_235 = arith.constant 2 : i32
      %dma_wait3A_236 = arith.constant 0 : i32
      %dma_wait3A_237 = tpu.memref_slice %arg6[%dma_wait3A_235, %dma_wait3A_236] : memref<16x257xi32, #tpu.memory_space<vmem>> -> memref<1x256xi32, #tpu.memory_space<vmem>>
      %dma_wait3A_238 = tpu.memref_squeeze %dma_wait3A_237 : memref<1x256xi32, #tpu.memory_space<vmem>> -> memref<256xi32, #tpu.memory_space<vmem>>
      %dma_wait3A_239 = arith.constant 512 : i32
      %dma_wait3A_240 = tpu.memref_slice %arg2[%add3A, %dma_wait3A_239] : memref<26x4096xi32, #tpu.memory_space<hbm>> -> memref<1x256xi32, #tpu.memory_space<hbm>>
      %dma_wait3A_241 = tpu.memref_squeeze %dma_wait3A_240 : memref<1x256xi32, #tpu.memory_space<hbm>> -> memref<256xi32, #tpu.memory_space<hbm>>
      %dma_wait3A_242 = arith.constant 0 : i32
      %dma_wait3A_243 = tpu.memref_slice %arg6[%dma_wait3A_235, %dma_wait3A_242] : memref<16x257xi32, #tpu.memory_space<vmem>> -> memref<1x256xi32, #tpu.memory_space<vmem>>
      %dma_wait3A_244 = tpu.memref_squeeze %dma_wait3A_243 : memref<1x256xi32, #tpu.memory_space<vmem>> -> memref<256xi32, #tpu.memory_space<vmem>>
      %dma_wait3A_245 = arith.constant 512 : i32
      %dma_wait3A_246 = tpu.memref_slice %arg2[%add3A, %dma_wait3A_245] : memref<26x4096xi32, #tpu.memory_space<hbm>> -> memref<1x256xi32, #tpu.memory_space<hbm>>
      %dma_wait3A_247 = tpu.memref_squeeze %dma_wait3A_246 : memref<1x256xi32, #tpu.memory_space<hbm>> -> memref<256xi32, #tpu.memory_space<hbm>>
      tpu.wait_dma2 semaphore(%arg10 : memref<!tpu.dma_semaphore, #tpu.memory_space<semaphore_mem>>) src(%dma_wait3A_247 : memref<256xi32, #tpu.memory_space<hbm>>) dst(%dma_wait3A_244 : memref<256xi32, #tpu.memory_space<vmem>>)
      %dma_wait3A_248 = arith.constant 3 : i32
      %dma_wait3A_249 = arith.constant 0 : i32
      %dma_wait3A_250 = tpu.memref_slice %arg6[%dma_wait3A_248, %dma_wait3A_249] : memref<16x257xi32, #tpu.memory_space<vmem>> -> memref<1x256xi32, #tpu.memory_space<vmem>>
      %dma_wait3A_251 = tpu.memref_squeeze %dma_wait3A_250 : memref<1x256xi32, #tpu.memory_space<vmem>> -> memref<256xi32, #tpu.memory_space<vmem>>
      %dma_wait3A_252 = arith.constant 768 : i32
      %dma_wait3A_253 = tpu.memref_slice %arg2[%add3A, %dma_wait3A_252] : memref<26x4096xi32, #tpu.memory_space<hbm>> -> memref<1x256xi32, #tpu.memory_space<hbm>>
      %dma_wait3A_254 = tpu.memref_squeeze %dma_wait3A_253 : memref<1x256xi32, #tpu.memory_space<hbm>> -> memref<256xi32, #tpu.memory_space<hbm>>
      %dma_wait3A_255 = arith.constant 0 : i32
      %dma_wait3A_256 = tpu.memref_slice %arg6[%dma_wait3A_248, %dma_wait3A_255] : memref<16x257xi32, #tpu.memory_space<vmem>> -> memref<1x256xi32, #tpu.memory_space<vmem>>
      %dma_wait3A_257 = tpu.memref_squeeze %dma_wait3A_256 : memref<1x256xi32, #tpu.memory_space<vmem>> -> memref<256xi32, #tpu.memory_space<vmem>>
      %dma_wait3A_258 = arith.constant 768 : i32
      %dma_wait3A_259 = tpu.memref_slice %arg2[%add3A, %dma_wait3A_258] : memref<26x4096xi32, #tpu.memory_space<hbm>> -> memref<1x256xi32, #tpu.memory_space<hbm>>
      %dma_wait3A_260 = tpu.memref_squeeze %dma_wait3A_259 : memref<1x256xi32, #tpu.memory_space<hbm>> -> memref<256xi32, #tpu.memory_space<hbm>>
      tpu.wait_dma2 semaphore(%arg10 : memref<!tpu.dma_semaphore, #tpu.memory_space<semaphore_mem>>) src(%dma_wait3A_260 : memref<256xi32, #tpu.memory_space<hbm>>) dst(%dma_wait3A_257 : memref<256xi32, #tpu.memory_space<vmem>>)
      %dma_wait3A_261 = arith.constant 4 : i32
      %dma_wait3A_262 = arith.constant 0 : i32
      %dma_wait3A_263 = tpu.memref_slice %arg6[%dma_wait3A_261, %dma_wait3A_262] : memref<16x257xi32, #tpu.memory_space<vmem>> -> memref<1x256xi32, #tpu.memory_space<vmem>>
      %dma_wait3A_264 = tpu.memref_squeeze %dma_wait3A_263 : memref<1x256xi32, #tpu.memory_space<vmem>> -> memref<256xi32, #tpu.memory_space<vmem>>
      %dma_wait3A_265 = arith.constant 1024 : i32
      %dma_wait3A_266 = tpu.memref_slice %arg2[%add3A, %dma_wait3A_265] : memref<26x4096xi32, #tpu.memory_space<hbm>> -> memref<1x256xi32, #tpu.memory_space<hbm>>
      %dma_wait3A_267 = tpu.memref_squeeze %dma_wait3A_266 : memref<1x256xi32, #tpu.memory_space<hbm>> -> memref<256xi32, #tpu.memory_space<hbm>>
      %dma_wait3A_268 = arith.constant 0 : i32
      %dma_wait3A_269 = tpu.memref_slice %arg6[%dma_wait3A_261, %dma_wait3A_268] : memref<16x257xi32, #tpu.memory_space<vmem>> -> memref<1x256xi32, #tpu.memory_space<vmem>>
      %dma_wait3A_270 = tpu.memref_squeeze %dma_wait3A_269 : memref<1x256xi32, #tpu.memory_space<vmem>> -> memref<256xi32, #tpu.memory_space<vmem>>
      %dma_wait3A_271 = arith.constant 1024 : i32
      %dma_wait3A_272 = tpu.memref_slice %arg2[%add3A, %dma_wait3A_271] : memref<26x4096xi32, #tpu.memory_space<hbm>> -> memref<1x256xi32, #tpu.memory_space<hbm>>
      %dma_wait3A_273 = tpu.memref_squeeze %dma_wait3A_272 : memref<1x256xi32, #tpu.memory_space<hbm>> -> memref<256xi32, #tpu.memory_space<hbm>>
      tpu.wait_dma2 semaphore(%arg10 : memref<!tpu.dma_semaphore, #tpu.memory_space<semaphore_mem>>) src(%dma_wait3A_273 : memref<256xi32, #tpu.memory_space<hbm>>) dst(%dma_wait3A_270 : memref<256xi32, #tpu.memory_space<vmem>>)
      %dma_wait3A_274 = arith.constant 5 : i32
      %dma_wait3A_275 = arith.constant 0 : i32
      %dma_wait3A_276 = tpu.memref_slice %arg6[%dma_wait3A_274, %dma_wait3A_275] : memref<16x257xi32, #tpu.memory_space<vmem>> -> memref<1x256xi32, #tpu.memory_space<vmem>>
      %dma_wait3A_277 = tpu.memref_squeeze %dma_wait3A_276 : memref<1x256xi32, #tpu.memory_space<vmem>> -> memref<256xi32, #tpu.memory_space<vmem>>
      %dma_wait3A_278 = arith.constant 1280 : i32
      %dma_wait3A_279 = tpu.memref_slice %arg2[%add3A, %dma_wait3A_278] : memref<26x4096xi32, #tpu.memory_space<hbm>> -> memref<1x256xi32, #tpu.memory_space<hbm>>
      %dma_wait3A_280 = tpu.memref_squeeze %dma_wait3A_279 : memref<1x256xi32, #tpu.memory_space<hbm>> -> memref<256xi32, #tpu.memory_space<hbm>>
      %dma_wait3A_281 = arith.constant 0 : i32
      %dma_wait3A_282 = tpu.memref_slice %arg6[%dma_wait3A_274, %dma_wait3A_281] : memref<16x257xi32, #tpu.memory_space<vmem>> -> memref<1x256xi32, #tpu.memory_space<vmem>>
      %dma_wait3A_283 = tpu.memref_squeeze %dma_wait3A_282 : memref<1x256xi32, #tpu.memory_space<vmem>> -> memref<256xi32, #tpu.memory_space<vmem>>
      %dma_wait3A_284 = arith.constant 1280 : i32
      %dma_wait3A_285 = tpu.memref_slice %arg2[%add3A, %dma_wait3A_284] : memref<26x4096xi32, #tpu.memory_space<hbm>> -> memref<1x256xi32, #tpu.memory_space<hbm>>
      %dma_wait3A_286 = tpu.memref_squeeze %dma_wait3A_285 : memref<1x256xi32, #tpu.memory_space<hbm>> -> memref<256xi32, #tpu.memory_space<hbm>>
      tpu.wait_dma2 semaphore(%arg10 : memref<!tpu.dma_semaphore, #tpu.memory_space<semaphore_mem>>) src(%dma_wait3A_286 : memref<256xi32, #tpu.memory_space<hbm>>) dst(%dma_wait3A_283 : memref<256xi32, #tpu.memory_space<vmem>>)
      %dma_wait3A_287 = arith.constant 6 : i32
      %dma_wait3A_288 = arith.constant 0 : i32
      %dma_wait3A_289 = tpu.memref_slice %arg6[%dma_wait3A_287, %dma_wait3A_288] : memref<16x257xi32, #tpu.memory_space<vmem>> -> memref<1x256xi32, #tpu.memory_space<vmem>>
      %dma_wait3A_290 = tpu.memref_squeeze %dma_wait3A_289 : memref<1x256xi32, #tpu.memory_space<vmem>> -> memref<256xi32, #tpu.memory_space<vmem>>
      %dma_wait3A_291 = arith.constant 1536 : i32
      %dma_wait3A_292 = tpu.memref_slice %arg2[%add3A, %dma_wait3A_291] : memref<26x4096xi32, #tpu.memory_space<hbm>> -> memref<1x256xi32, #tpu.memory_space<hbm>>
      %dma_wait3A_293 = tpu.memref_squeeze %dma_wait3A_292 : memref<1x256xi32, #tpu.memory_space<hbm>> -> memref<256xi32, #tpu.memory_space<hbm>>
      %dma_wait3A_294 = arith.constant 0 : i32
      %dma_wait3A_295 = tpu.memref_slice %arg6[%dma_wait3A_287, %dma_wait3A_294] : memref<16x257xi32, #tpu.memory_space<vmem>> -> memref<1x256xi32, #tpu.memory_space<vmem>>
      %dma_wait3A_296 = tpu.memref_squeeze %dma_wait3A_295 : memref<1x256xi32, #tpu.memory_space<vmem>> -> memref<256xi32, #tpu.memory_space<vmem>>
      %dma_wait3A_297 = arith.constant 1536 : i32
      %dma_wait3A_298 = tpu.memref_slice %arg2[%add3A, %dma_wait3A_297] : memref<26x4096xi32, #tpu.memory_space<hbm>> -> memref<1x256xi32, #tpu.memory_space<hbm>>
      %dma_wait3A_299 = tpu.memref_squeeze %dma_wait3A_298 : memref<1x256xi32, #tpu.memory_space<hbm>> -> memref<256xi32, #tpu.memory_space<hbm>>
      tpu.wait_dma2 semaphore(%arg10 : memref<!tpu.dma_semaphore, #tpu.memory_space<semaphore_mem>>) src(%dma_wait3A_299 : memref<256xi32, #tpu.memory_space<hbm>>) dst(%dma_wait3A_296 : memref<256xi32, #tpu.memory_space<vmem>>)
      %dma_wait3A_300 = arith.constant 7 : i32
      %dma_wait3A_301 = arith.constant 0 : i32
      %dma_wait3A_302 = tpu.memref_slice %arg6[%dma_wait3A_300, %dma_wait3A_301] : memref<16x257xi32, #tpu.memory_space<vmem>> -> memref<1x256xi32, #tpu.memory_space<vmem>>
      %dma_wait3A_303 = tpu.memref_squeeze %dma_wait3A_302 : memref<1x256xi32, #tpu.memory_space<vmem>> -> memref<256xi32, #tpu.memory_space<vmem>>
      %dma_wait3A_304 = arith.constant 1792 : i32
      %dma_wait3A_305 = tpu.memref_slice %arg2[%add3A, %dma_wait3A_304] : memref<26x4096xi32, #tpu.memory_space<hbm>> -> memref<1x256xi32, #tpu.memory_space<hbm>>
      %dma_wait3A_306 = tpu.memref_squeeze %dma_wait3A_305 : memref<1x256xi32, #tpu.memory_space<hbm>> -> memref<256xi32, #tpu.memory_space<hbm>>
      %dma_wait3A_307 = arith.constant 0 : i32
      %dma_wait3A_308 = tpu.memref_slice %arg6[%dma_wait3A_300, %dma_wait3A_307] : memref<16x257xi32, #tpu.memory_space<vmem>> -> memref<1x256xi32, #tpu.memory_space<vmem>>
      %dma_wait3A_309 = tpu.memref_squeeze %dma_wait3A_308 : memref<1x256xi32, #tpu.memory_space<vmem>> -> memref<256xi32, #tpu.memory_space<vmem>>
      %dma_wait3A_310 = arith.constant 1792 : i32
      %dma_wait3A_311 = tpu.memref_slice %arg2[%add3A, %dma_wait3A_310] : memref<26x4096xi32, #tpu.memory_space<hbm>> -> memref<1x256xi32, #tpu.memory_space<hbm>>
      %dma_wait3A_312 = tpu.memref_squeeze %dma_wait3A_311 : memref<1x256xi32, #tpu.memory_space<hbm>> -> memref<256xi32, #tpu.memory_space<hbm>>
      tpu.wait_dma2 semaphore(%arg10 : memref<!tpu.dma_semaphore, #tpu.memory_space<semaphore_mem>>) src(%dma_wait3A_312 : memref<256xi32, #tpu.memory_space<hbm>>) dst(%dma_wait3A_309 : memref<256xi32, #tpu.memory_space<vmem>>)
      %dma_wait3A_313 = arith.constant 8 : i32
      %dma_wait3A_314 = arith.constant 0 : i32
      %dma_wait3A_315 = tpu.memref_slice %arg6[%dma_wait3A_313, %dma_wait3A_314] : memref<16x257xi32, #tpu.memory_space<vmem>> -> memref<1x256xi32, #tpu.memory_space<vmem>>
      %dma_wait3A_316 = tpu.memref_squeeze %dma_wait3A_315 : memref<1x256xi32, #tpu.memory_space<vmem>> -> memref<256xi32, #tpu.memory_space<vmem>>
      %dma_wait3A_317 = arith.constant 2048 : i32
      %dma_wait3A_318 = tpu.memref_slice %arg2[%add3A, %dma_wait3A_317] : memref<26x4096xi32, #tpu.memory_space<hbm>> -> memref<1x256xi32, #tpu.memory_space<hbm>>
      %dma_wait3A_319 = tpu.memref_squeeze %dma_wait3A_318 : memref<1x256xi32, #tpu.memory_space<hbm>> -> memref<256xi32, #tpu.memory_space<hbm>>
      %dma_wait3A_320 = arith.constant 0 : i32
      %dma_wait3A_321 = tpu.memref_slice %arg6[%dma_wait3A_313, %dma_wait3A_320] : memref<16x257xi32, #tpu.memory_space<vmem>> -> memref<1x256xi32, #tpu.memory_space<vmem>>
      %dma_wait3A_322 = tpu.memref_squeeze %dma_wait3A_321 : memref<1x256xi32, #tpu.memory_space<vmem>> -> memref<256xi32, #tpu.memory_space<vmem>>
      %dma_wait3A_323 = arith.constant 2048 : i32
      %dma_wait3A_324 = tpu.memref_slice %arg2[%add3A, %dma_wait3A_323] : memref<26x4096xi32, #tpu.memory_space<hbm>> -> memref<1x256xi32, #tpu.memory_space<hbm>>
      %dma_wait3A_325 = tpu.memref_squeeze %dma_wait3A_324 : memref<1x256xi32, #tpu.memory_space<hbm>> -> memref<256xi32, #tpu.memory_space<hbm>>
      tpu.wait_dma2 semaphore(%arg10 : memref<!tpu.dma_semaphore, #tpu.memory_space<semaphore_mem>>) src(%dma_wait3A_325 : memref<256xi32, #tpu.memory_space<hbm>>) dst(%dma_wait3A_322 : memref<256xi32, #tpu.memory_space<vmem>>)
      %dma_wait3A_326 = arith.constant 9 : i32
      %dma_wait3A_327 = arith.constant 0 : i32
      %dma_wait3A_328 = tpu.memref_slice %arg6[%dma_wait3A_326, %dma_wait3A_327] : memref<16x257xi32, #tpu.memory_space<vmem>> -> memref<1x256xi32, #tpu.memory_space<vmem>>
      %dma_wait3A_329 = tpu.memref_squeeze %dma_wait3A_328 : memref<1x256xi32, #tpu.memory_space<vmem>> -> memref<256xi32, #tpu.memory_space<vmem>>
      %dma_wait3A_330 = arith.constant 2304 : i32
      %dma_wait3A_331 = tpu.memref_slice %arg2[%add3A, %dma_wait3A_330] : memref<26x4096xi32, #tpu.memory_space<hbm>> -> memref<1x256xi32, #tpu.memory_space<hbm>>
      %dma_wait3A_332 = tpu.memref_squeeze %dma_wait3A_331 : memref<1x256xi32, #tpu.memory_space<hbm>> -> memref<256xi32, #tpu.memory_space<hbm>>
      %dma_wait3A_333 = arith.constant 0 : i32
      %dma_wait3A_334 = tpu.memref_slice %arg6[%dma_wait3A_326, %dma_wait3A_333] : memref<16x257xi32, #tpu.memory_space<vmem>> -> memref<1x256xi32, #tpu.memory_space<vmem>>
      %dma_wait3A_335 = tpu.memref_squeeze %dma_wait3A_334 : memref<1x256xi32, #tpu.memory_space<vmem>> -> memref<256xi32, #tpu.memory_space<vmem>>
      %dma_wait3A_336 = arith.constant 2304 : i32
      %dma_wait3A_337 = tpu.memref_slice %arg2[%add3A, %dma_wait3A_336] : memref<26x4096xi32, #tpu.memory_space<hbm>> -> memref<1x256xi32, #tpu.memory_space<hbm>>
      %dma_wait3A_338 = tpu.memref_squeeze %dma_wait3A_337 : memref<1x256xi32, #tpu.memory_space<hbm>> -> memref<256xi32, #tpu.memory_space<hbm>>
      tpu.wait_dma2 semaphore(%arg10 : memref<!tpu.dma_semaphore, #tpu.memory_space<semaphore_mem>>) src(%dma_wait3A_338 : memref<256xi32, #tpu.memory_space<hbm>>) dst(%dma_wait3A_335 : memref<256xi32, #tpu.memory_space<vmem>>)
      %dma_wait3A_339 = arith.constant 10 : i32
      %dma_wait3A_340 = arith.constant 0 : i32
      %dma_wait3A_341 = tpu.memref_slice %arg6[%dma_wait3A_339, %dma_wait3A_340] : memref<16x257xi32, #tpu.memory_space<vmem>> -> memref<1x256xi32, #tpu.memory_space<vmem>>
      %dma_wait3A_342 = tpu.memref_squeeze %dma_wait3A_341 : memref<1x256xi32, #tpu.memory_space<vmem>> -> memref<256xi32, #tpu.memory_space<vmem>>
      %dma_wait3A_343 = arith.constant 2560 : i32
      %dma_wait3A_344 = tpu.memref_slice %arg2[%add3A, %dma_wait3A_343] : memref<26x4096xi32, #tpu.memory_space<hbm>> -> memref<1x256xi32, #tpu.memory_space<hbm>>
      %dma_wait3A_345 = tpu.memref_squeeze %dma_wait3A_344 : memref<1x256xi32, #tpu.memory_space<hbm>> -> memref<256xi32, #tpu.memory_space<hbm>>
      %dma_wait3A_346 = arith.constant 0 : i32
      %dma_wait3A_347 = tpu.memref_slice %arg6[%dma_wait3A_339, %dma_wait3A_346] : memref<16x257xi32, #tpu.memory_space<vmem>> -> memref<1x256xi32, #tpu.memory_space<vmem>>
      %dma_wait3A_348 = tpu.memref_squeeze %dma_wait3A_347 : memref<1x256xi32, #tpu.memory_space<vmem>> -> memref<256xi32, #tpu.memory_space<vmem>>
      %dma_wait3A_349 = arith.constant 2560 : i32
      %dma_wait3A_350 = tpu.memref_slice %arg2[%add3A, %dma_wait3A_349] : memref<26x4096xi32, #tpu.memory_space<hbm>> -> memref<1x256xi32, #tpu.memory_space<hbm>>
      %dma_wait3A_351 = tpu.memref_squeeze %dma_wait3A_350 : memref<1x256xi32, #tpu.memory_space<hbm>> -> memref<256xi32, #tpu.memory_space<hbm>>
      tpu.wait_dma2 semaphore(%arg10 : memref<!tpu.dma_semaphore, #tpu.memory_space<semaphore_mem>>) src(%dma_wait3A_351 : memref<256xi32, #tpu.memory_space<hbm>>) dst(%dma_wait3A_348 : memref<256xi32, #tpu.memory_space<vmem>>)
      %dma_wait3A_352 = arith.constant 11 : i32
      %dma_wait3A_353 = arith.constant 0 : i32
      %dma_wait3A_354 = tpu.memref_slice %arg6[%dma_wait3A_352, %dma_wait3A_353] : memref<16x257xi32, #tpu.memory_space<vmem>> -> memref<1x256xi32, #tpu.memory_space<vmem>>
      %dma_wait3A_355 = tpu.memref_squeeze %dma_wait3A_354 : memref<1x256xi32, #tpu.memory_space<vmem>> -> memref<256xi32, #tpu.memory_space<vmem>>
      %dma_wait3A_356 = arith.constant 2816 : i32
      %dma_wait3A_357 = tpu.memref_slice %arg2[%add3A, %dma_wait3A_356] : memref<26x4096xi32, #tpu.memory_space<hbm>> -> memref<1x256xi32, #tpu.memory_space<hbm>>
      %dma_wait3A_358 = tpu.memref_squeeze %dma_wait3A_357 : memref<1x256xi32, #tpu.memory_space<hbm>> -> memref<256xi32, #tpu.memory_space<hbm>>
      %dma_wait3A_359 = arith.constant 0 : i32
      %dma_wait3A_360 = tpu.memref_slice %arg6[%dma_wait3A_352, %dma_wait3A_359] : memref<16x257xi32, #tpu.memory_space<vmem>> -> memref<1x256xi32, #tpu.memory_space<vmem>>
      %dma_wait3A_361 = tpu.memref_squeeze %dma_wait3A_360 : memref<1x256xi32, #tpu.memory_space<vmem>> -> memref<256xi32, #tpu.memory_space<vmem>>
      %dma_wait3A_362 = arith.constant 2816 : i32
      %dma_wait3A_363 = tpu.memref_slice %arg2[%add3A, %dma_wait3A_362] : memref<26x4096xi32, #tpu.memory_space<hbm>> -> memref<1x256xi32, #tpu.memory_space<hbm>>
      %dma_wait3A_364 = tpu.memref_squeeze %dma_wait3A_363 : memref<1x256xi32, #tpu.memory_space<hbm>> -> memref<256xi32, #tpu.memory_space<hbm>>
      tpu.wait_dma2 semaphore(%arg10 : memref<!tpu.dma_semaphore, #tpu.memory_space<semaphore_mem>>) src(%dma_wait3A_364 : memref<256xi32, #tpu.memory_space<hbm>>) dst(%dma_wait3A_361 : memref<256xi32, #tpu.memory_space<vmem>>)
      %dma_wait3A_365 = arith.constant 12 : i32
      %dma_wait3A_366 = arith.constant 0 : i32
      %dma_wait3A_367 = tpu.memref_slice %arg6[%dma_wait3A_365, %dma_wait3A_366] : memref<16x257xi32, #tpu.memory_space<vmem>> -> memref<1x256xi32, #tpu.memory_space<vmem>>
      %dma_wait3A_368 = tpu.memref_squeeze %dma_wait3A_367 : memref<1x256xi32, #tpu.memory_space<vmem>> -> memref<256xi32, #tpu.memory_space<vmem>>
      %dma_wait3A_369 = arith.constant 3072 : i32
      %dma_wait3A_370 = tpu.memref_slice %arg2[%add3A, %dma_wait3A_369] : memref<26x4096xi32, #tpu.memory_space<hbm>> -> memref<1x256xi32, #tpu.memory_space<hbm>>
      %dma_wait3A_371 = tpu.memref_squeeze %dma_wait3A_370 : memref<1x256xi32, #tpu.memory_space<hbm>> -> memref<256xi32, #tpu.memory_space<hbm>>
      %dma_wait3A_372 = arith.constant 0 : i32
      %dma_wait3A_373 = tpu.memref_slice %arg6[%dma_wait3A_365, %dma_wait3A_372] : memref<16x257xi32, #tpu.memory_space<vmem>> -> memref<1x256xi32, #tpu.memory_space<vmem>>
      %dma_wait3A_374 = tpu.memref_squeeze %dma_wait3A_373 : memref<1x256xi32, #tpu.memory_space<vmem>> -> memref<256xi32, #tpu.memory_space<vmem>>
      %dma_wait3A_375 = arith.constant 3072 : i32
      %dma_wait3A_376 = tpu.memref_slice %arg2[%add3A, %dma_wait3A_375] : memref<26x4096xi32, #tpu.memory_space<hbm>> -> memref<1x256xi32, #tpu.memory_space<hbm>>
      %dma_wait3A_377 = tpu.memref_squeeze %dma_wait3A_376 : memref<1x256xi32, #tpu.memory_space<hbm>> -> memref<256xi32, #tpu.memory_space<hbm>>
      tpu.wait_dma2 semaphore(%arg10 : memref<!tpu.dma_semaphore, #tpu.memory_space<semaphore_mem>>) src(%dma_wait3A_377 : memref<256xi32, #tpu.memory_space<hbm>>) dst(%dma_wait3A_374 : memref<256xi32, #tpu.memory_space<vmem>>)
      %dma_wait3A_378 = arith.constant 13 : i32
      %dma_wait3A_379 = arith.constant 0 : i32
      %dma_wait3A_380 = tpu.memref_slice %arg6[%dma_wait3A_378, %dma_wait3A_379] : memref<16x257xi32, #tpu.memory_space<vmem>> -> memref<1x256xi32, #tpu.memory_space<vmem>>
      %dma_wait3A_381 = tpu.memref_squeeze %dma_wait3A_380 : memref<1x256xi32, #tpu.memory_space<vmem>> -> memref<256xi32, #tpu.memory_space<vmem>>
      %dma_wait3A_382 = arith.constant 3328 : i32
      %dma_wait3A_383 = tpu.memref_slice %arg2[%add3A, %dma_wait3A_382] : memref<26x4096xi32, #tpu.memory_space<hbm>> -> memref<1x256xi32, #tpu.memory_space<hbm>>
      %dma_wait3A_384 = tpu.memref_squeeze %dma_wait3A_383 : memref<1x256xi32, #tpu.memory_space<hbm>> -> memref<256xi32, #tpu.memory_space<hbm>>
      %dma_wait3A_385 = arith.constant 0 : i32
      %dma_wait3A_386 = tpu.memref_slice %arg6[%dma_wait3A_378, %dma_wait3A_385] : memref<16x257xi32, #tpu.memory_space<vmem>> -> memref<1x256xi32, #tpu.memory_space<vmem>>
      %dma_wait3A_387 = tpu.memref_squeeze %dma_wait3A_386 : memref<1x256xi32, #tpu.memory_space<vmem>> -> memref<256xi32, #tpu.memory_space<vmem>>
      %dma_wait3A_388 = arith.constant 3328 : i32
      %dma_wait3A_389 = tpu.memref_slice %arg2[%add3A, %dma_wait3A_388] : memref<26x4096xi32, #tpu.memory_space<hbm>> -> memref<1x256xi32, #tpu.memory_space<hbm>>
      %dma_wait3A_390 = tpu.memref_squeeze %dma_wait3A_389 : memref<1x256xi32, #tpu.memory_space<hbm>> -> memref<256xi32, #tpu.memory_space<hbm>>
      tpu.wait_dma2 semaphore(%arg10 : memref<!tpu.dma_semaphore, #tpu.memory_space<semaphore_mem>>) src(%dma_wait3A_390 : memref<256xi32, #tpu.memory_space<hbm>>) dst(%dma_wait3A_387 : memref<256xi32, #tpu.memory_space<vmem>>)
      %dma_wait3A_391 = arith.constant 14 : i32
      %dma_wait3A_392 = arith.constant 0 : i32
      %dma_wait3A_393 = tpu.memref_slice %arg6[%dma_wait3A_391, %dma_wait3A_392] : memref<16x257xi32, #tpu.memory_space<vmem>> -> memref<1x256xi32, #tpu.memory_space<vmem>>
      %dma_wait3A_394 = tpu.memref_squeeze %dma_wait3A_393 : memref<1x256xi32, #tpu.memory_space<vmem>> -> memref<256xi32, #tpu.memory_space<vmem>>
      %dma_wait3A_395 = arith.constant 3584 : i32
      %dma_wait3A_396 = tpu.memref_slice %arg2[%add3A, %dma_wait3A_395] : memref<26x4096xi32, #tpu.memory_space<hbm>> -> memref<1x256xi32, #tpu.memory_space<hbm>>
      %dma_wait3A_397 = tpu.memref_squeeze %dma_wait3A_396 : memref<1x256xi32, #tpu.memory_space<hbm>> -> memref<256xi32, #tpu.memory_space<hbm>>
      %dma_wait3A_398 = arith.constant 0 : i32
      %dma_wait3A_399 = tpu.memref_slice %arg6[%dma_wait3A_391, %dma_wait3A_398] : memref<16x257xi32, #tpu.memory_space<vmem>> -> memref<1x256xi32, #tpu.memory_space<vmem>>
      %dma_wait3A_400 = tpu.memref_squeeze %dma_wait3A_399 : memref<1x256xi32, #tpu.memory_space<vmem>> -> memref<256xi32, #tpu.memory_space<vmem>>
      %dma_wait3A_401 = arith.constant 3584 : i32
      %dma_wait3A_402 = tpu.memref_slice %arg2[%add3A, %dma_wait3A_401] : memref<26x4096xi32, #tpu.memory_space<hbm>> -> memref<1x256xi32, #tpu.memory_space<hbm>>
      %dma_wait3A_403 = tpu.memref_squeeze %dma_wait3A_402 : memref<1x256xi32, #tpu.memory_space<hbm>> -> memref<256xi32, #tpu.memory_space<hbm>>
      tpu.wait_dma2 semaphore(%arg10 : memref<!tpu.dma_semaphore, #tpu.memory_space<semaphore_mem>>) src(%dma_wait3A_403 : memref<256xi32, #tpu.memory_space<hbm>>) dst(%dma_wait3A_400 : memref<256xi32, #tpu.memory_space<vmem>>)
      %dma_wait3A_404 = arith.constant 15 : i32
      %dma_wait3A_405 = arith.constant 0 : i32
      %dma_wait3A_406 = tpu.memref_slice %arg6[%dma_wait3A_404, %dma_wait3A_405] : memref<16x257xi32, #tpu.memory_space<vmem>> -> memref<1x256xi32, #tpu.memory_space<vmem>>
      %dma_wait3A_407 = tpu.memref_squeeze %dma_wait3A_406 : memref<1x256xi32, #tpu.memory_space<vmem>> -> memref<256xi32, #tpu.memory_space<vmem>>
      %dma_wait3A_408 = arith.constant 3840 : i32
      %dma_wait3A_409 = tpu.memref_slice %arg2[%add3A, %dma_wait3A_408] : memref<26x4096xi32, #tpu.memory_space<hbm>> -> memref<1x256xi32, #tpu.memory_space<hbm>>
      %dma_wait3A_410 = tpu.memref_squeeze %dma_wait3A_409 : memref<1x256xi32, #tpu.memory_space<hbm>> -> memref<256xi32, #tpu.memory_space<hbm>>
      %dma_wait3A_411 = arith.constant 0 : i32
      %dma_wait3A_412 = tpu.memref_slice %arg6[%dma_wait3A_404, %dma_wait3A_411] : memref<16x257xi32, #tpu.memory_space<vmem>> -> memref<1x256xi32, #tpu.memory_space<vmem>>
      %dma_wait3A_413 = tpu.memref_squeeze %dma_wait3A_412 : memref<1x256xi32, #tpu.memory_space<vmem>> -> memref<256xi32, #tpu.memory_space<vmem>>
      %dma_wait3A_414 = arith.constant 3840 : i32
      %dma_wait3A_415 = tpu.memref_slice %arg2[%add3A, %dma_wait3A_414] : memref<26x4096xi32, #tpu.memory_space<hbm>> -> memref<1x256xi32, #tpu.memory_space<hbm>>
      %dma_wait3A_416 = tpu.memref_squeeze %dma_wait3A_415 : memref<1x256xi32, #tpu.memory_space<hbm>> -> memref<256xi32, #tpu.memory_space<hbm>>
      tpu.wait_dma2 semaphore(%arg10 : memref<!tpu.dma_semaphore, #tpu.memory_space<semaphore_mem>>) src(%dma_wait3A_416 : memref<256xi32, #tpu.memory_space<hbm>>) dst(%dma_wait3A_413 : memref<256xi32, #tpu.memory_space<vmem>>)
      %mul3A_417 = arith.constant 4096 : i32
      %mul3A_418 = arith.muli %add3A, %mul3A_417 : i32
      %add3A_419 = arith.constant 0 : i32
      %add3A_420 = arith.addi %mul3A_418, %add3A_419 : i32
      %dma_start3A_421 = arith.constant 0 : i32
      %dma_start3A_422 = arith.constant 0 : i32
      %dma_start3A_423 = tpu.memref_slice %arg6[%dma_start3A_421, %dma_start3A_422] : memref<16x257xi32, #tpu.memory_space<vmem>> -> memref<1x256xi32, #tpu.memory_space<vmem>>
      %dma_start3A_424 = tpu.memref_squeeze %dma_start3A_423 : memref<1x256xi32, #tpu.memory_space<vmem>> -> memref<256xi32, #tpu.memory_space<vmem>>
      %dma_start3A_425 = tpu.memref_slice %arg3[%add3A_420] : memref<106496xi32, #tpu.memory_space<hbm>> -> memref<256xi32, #tpu.memory_space<hbm>>
      %dma_start3A_426 = tpu.memref_slice %arg3[%add3A_420] : memref<106496xi32, #tpu.memory_space<hbm>> -> memref<256xi32, #tpu.memory_space<hbm>>
      %dma_start3A_427 = arith.constant 0 : i32
      %dma_start3A_428 = tpu.memref_slice %arg6[%dma_start3A_421, %dma_start3A_427] : memref<16x257xi32, #tpu.memory_space<vmem>> -> memref<1x256xi32, #tpu.memory_space<vmem>>
      %dma_start3A_429 = tpu.memref_squeeze %dma_start3A_428 : memref<1x256xi32, #tpu.memory_space<vmem>> -> memref<256xi32, #tpu.memory_space<vmem>>
      tpu.enqueue_dma source(%dma_start3A_429 : memref<256xi32, #tpu.memory_space<vmem>>) target(%dma_start3A_426 : memref<256xi32, #tpu.memory_space<hbm>>) target_semaphore(%arg10 : memref<!tpu.dma_semaphore, #tpu.memory_space<semaphore_mem>>)
      %mul3A_430 = arith.constant 4096 : i32
      %mul3A_431 = arith.muli %add3A, %mul3A_430 : i32
      %add3A_432 = arith.constant 256 : i32
      %add3A_433 = arith.addi %mul3A_431, %add3A_432 : i32
      %dma_start3A_434 = arith.constant 1 : i32
      %dma_start3A_435 = arith.constant 0 : i32
      %dma_start3A_436 = tpu.memref_slice %arg6[%dma_start3A_434, %dma_start3A_435] : memref<16x257xi32, #tpu.memory_space<vmem>> -> memref<1x256xi32, #tpu.memory_space<vmem>>
      %dma_start3A_437 = tpu.memref_squeeze %dma_start3A_436 : memref<1x256xi32, #tpu.memory_space<vmem>> -> memref<256xi32, #tpu.memory_space<vmem>>
      %dma_start3A_438 = tpu.memref_slice %arg3[%add3A_433] : memref<106496xi32, #tpu.memory_space<hbm>> -> memref<256xi32, #tpu.memory_space<hbm>>
      %dma_start3A_439 = tpu.memref_slice %arg3[%add3A_433] : memref<106496xi32, #tpu.memory_space<hbm>> -> memref<256xi32, #tpu.memory_space<hbm>>
      %dma_start3A_440 = arith.constant 0 : i32
      %dma_start3A_441 = tpu.memref_slice %arg6[%dma_start3A_434, %dma_start3A_440] : memref<16x257xi32, #tpu.memory_space<vmem>> -> memref<1x256xi32, #tpu.memory_space<vmem>>
      %dma_start3A_442 = tpu.memref_squeeze %dma_start3A_441 : memref<1x256xi32, #tpu.memory_space<vmem>> -> memref<256xi32, #tpu.memory_space<vmem>>
      tpu.enqueue_dma source(%dma_start3A_442 : memref<256xi32, #tpu.memory_space<vmem>>) target(%dma_start3A_439 : memref<256xi32, #tpu.memory_space<hbm>>) target_semaphore(%arg10 : memref<!tpu.dma_semaphore, #tpu.memory_space<semaphore_mem>>)
      %mul3A_443 = arith.constant 4096 : i32
      %mul3A_444 = arith.muli %add3A, %mul3A_443 : i32
      %add3A_445 = arith.constant 512 : i32
      %add3A_446 = arith.addi %mul3A_444, %add3A_445 : i32
      %dma_start3A_447 = arith.constant 2 : i32
      %dma_start3A_448 = arith.constant 0 : i32
      %dma_start3A_449 = tpu.memref_slice %arg6[%dma_start3A_447, %dma_start3A_448] : memref<16x257xi32, #tpu.memory_space<vmem>> -> memref<1x256xi32, #tpu.memory_space<vmem>>
      %dma_start3A_450 = tpu.memref_squeeze %dma_start3A_449 : memref<1x256xi32, #tpu.memory_space<vmem>> -> memref<256xi32, #tpu.memory_space<vmem>>
      %dma_start3A_451 = tpu.memref_slice %arg3[%add3A_446] : memref<106496xi32, #tpu.memory_space<hbm>> -> memref<256xi32, #tpu.memory_space<hbm>>
      %dma_start3A_452 = tpu.memref_slice %arg3[%add3A_446] : memref<106496xi32, #tpu.memory_space<hbm>> -> memref<256xi32, #tpu.memory_space<hbm>>
      %dma_start3A_453 = arith.constant 0 : i32
      %dma_start3A_454 = tpu.memref_slice %arg6[%dma_start3A_447, %dma_start3A_453] : memref<16x257xi32, #tpu.memory_space<vmem>> -> memref<1x256xi32, #tpu.memory_space<vmem>>
      %dma_start3A_455 = tpu.memref_squeeze %dma_start3A_454 : memref<1x256xi32, #tpu.memory_space<vmem>> -> memref<256xi32, #tpu.memory_space<vmem>>
      tpu.enqueue_dma source(%dma_start3A_455 : memref<256xi32, #tpu.memory_space<vmem>>) target(%dma_start3A_452 : memref<256xi32, #tpu.memory_space<hbm>>) target_semaphore(%arg10 : memref<!tpu.dma_semaphore, #tpu.memory_space<semaphore_mem>>)
      %mul3A_456 = arith.constant 4096 : i32
      %mul3A_457 = arith.muli %add3A, %mul3A_456 : i32
      %add3A_458 = arith.constant 768 : i32
      %add3A_459 = arith.addi %mul3A_457, %add3A_458 : i32
      %dma_start3A_460 = arith.constant 3 : i32
      %dma_start3A_461 = arith.constant 0 : i32
      %dma_start3A_462 = tpu.memref_slice %arg6[%dma_start3A_460, %dma_start3A_461] : memref<16x257xi32, #tpu.memory_space<vmem>> -> memref<1x256xi32, #tpu.memory_space<vmem>>
      %dma_start3A_463 = tpu.memref_squeeze %dma_start3A_462 : memref<1x256xi32, #tpu.memory_space<vmem>> -> memref<256xi32, #tpu.memory_space<vmem>>
      %dma_start3A_464 = tpu.memref_slice %arg3[%add3A_459] : memref<106496xi32, #tpu.memory_space<hbm>> -> memref<256xi32, #tpu.memory_space<hbm>>
      %dma_start3A_465 = tpu.memref_slice %arg3[%add3A_459] : memref<106496xi32, #tpu.memory_space<hbm>> -> memref<256xi32, #tpu.memory_space<hbm>>
      %dma_start3A_466 = arith.constant 0 : i32
      %dma_start3A_467 = tpu.memref_slice %arg6[%dma_start3A_460, %dma_start3A_466] : memref<16x257xi32, #tpu.memory_space<vmem>> -> memref<1x256xi32, #tpu.memory_space<vmem>>
      %dma_start3A_468 = tpu.memref_squeeze %dma_start3A_467 : memref<1x256xi32, #tpu.memory_space<vmem>> -> memref<256xi32, #tpu.memory_space<vmem>>
      tpu.enqueue_dma source(%dma_start3A_468 : memref<256xi32, #tpu.memory_space<vmem>>) target(%dma_start3A_465 : memref<256xi32, #tpu.memory_space<hbm>>) target_semaphore(%arg10 : memref<!tpu.dma_semaphore, #tpu.memory_space<semaphore_mem>>)
      %mul3A_469 = arith.constant 4096 : i32
      %mul3A_470 = arith.muli %add3A, %mul3A_469 : i32
      %add3A_471 = arith.constant 1024 : i32
      %add3A_472 = arith.addi %mul3A_470, %add3A_471 : i32
      %dma_start3A_473 = arith.constant 4 : i32
      %dma_start3A_474 = arith.constant 0 : i32
      %dma_start3A_475 = tpu.memref_slice %arg6[%dma_start3A_473, %dma_start3A_474] : memref<16x257xi32, #tpu.memory_space<vmem>> -> memref<1x256xi32, #tpu.memory_space<vmem>>
      %dma_start3A_476 = tpu.memref_squeeze %dma_start3A_475 : memref<1x256xi32, #tpu.memory_space<vmem>> -> memref<256xi32, #tpu.memory_space<vmem>>
      %dma_start3A_477 = tpu.memref_slice %arg3[%add3A_472] : memref<106496xi32, #tpu.memory_space<hbm>> -> memref<256xi32, #tpu.memory_space<hbm>>
      %dma_start3A_478 = tpu.memref_slice %arg3[%add3A_472] : memref<106496xi32, #tpu.memory_space<hbm>> -> memref<256xi32, #tpu.memory_space<hbm>>
      %dma_start3A_479 = arith.constant 0 : i32
      %dma_start3A_480 = tpu.memref_slice %arg6[%dma_start3A_473, %dma_start3A_479] : memref<16x257xi32, #tpu.memory_space<vmem>> -> memref<1x256xi32, #tpu.memory_space<vmem>>
      %dma_start3A_481 = tpu.memref_squeeze %dma_start3A_480 : memref<1x256xi32, #tpu.memory_space<vmem>> -> memref<256xi32, #tpu.memory_space<vmem>>
      tpu.enqueue_dma source(%dma_start3A_481 : memref<256xi32, #tpu.memory_space<vmem>>) target(%dma_start3A_478 : memref<256xi32, #tpu.memory_space<hbm>>) target_semaphore(%arg10 : memref<!tpu.dma_semaphore, #tpu.memory_space<semaphore_mem>>)
      %mul3A_482 = arith.constant 4096 : i32
      %mul3A_483 = arith.muli %add3A, %mul3A_482 : i32
      %add3A_484 = arith.constant 1280 : i32
      %add3A_485 = arith.addi %mul3A_483, %add3A_484 : i32
      %dma_start3A_486 = arith.constant 5 : i32
      %dma_start3A_487 = arith.constant 0 : i32
      %dma_start3A_488 = tpu.memref_slice %arg6[%dma_start3A_486, %dma_start3A_487] : memref<16x257xi32, #tpu.memory_space<vmem>> -> memref<1x256xi32, #tpu.memory_space<vmem>>
      %dma_start3A_489 = tpu.memref_squeeze %dma_start3A_488 : memref<1x256xi32, #tpu.memory_space<vmem>> -> memref<256xi32, #tpu.memory_space<vmem>>
      %dma_start3A_490 = tpu.memref_slice %arg3[%add3A_485] : memref<106496xi32, #tpu.memory_space<hbm>> -> memref<256xi32, #tpu.memory_space<hbm>>
      %dma_start3A_491 = tpu.memref_slice %arg3[%add3A_485] : memref<106496xi32, #tpu.memory_space<hbm>> -> memref<256xi32, #tpu.memory_space<hbm>>
      %dma_start3A_492 = arith.constant 0 : i32
      %dma_start3A_493 = tpu.memref_slice %arg6[%dma_start3A_486, %dma_start3A_492] : memref<16x257xi32, #tpu.memory_space<vmem>> -> memref<1x256xi32, #tpu.memory_space<vmem>>
      %dma_start3A_494 = tpu.memref_squeeze %dma_start3A_493 : memref<1x256xi32, #tpu.memory_space<vmem>> -> memref<256xi32, #tpu.memory_space<vmem>>
      tpu.enqueue_dma source(%dma_start3A_494 : memref<256xi32, #tpu.memory_space<vmem>>) target(%dma_start3A_491 : memref<256xi32, #tpu.memory_space<hbm>>) target_semaphore(%arg10 : memref<!tpu.dma_semaphore, #tpu.memory_space<semaphore_mem>>)
      %mul3A_495 = arith.constant 4096 : i32
      %mul3A_496 = arith.muli %add3A, %mul3A_495 : i32
      %add3A_497 = arith.constant 1536 : i32
      %add3A_498 = arith.addi %mul3A_496, %add3A_497 : i32
      %dma_start3A_499 = arith.constant 6 : i32
      %dma_start3A_500 = arith.constant 0 : i32
      %dma_start3A_501 = tpu.memref_slice %arg6[%dma_start3A_499, %dma_start3A_500] : memref<16x257xi32, #tpu.memory_space<vmem>> -> memref<1x256xi32, #tpu.memory_space<vmem>>
      %dma_start3A_502 = tpu.memref_squeeze %dma_start3A_501 : memref<1x256xi32, #tpu.memory_space<vmem>> -> memref<256xi32, #tpu.memory_space<vmem>>
      %dma_start3A_503 = tpu.memref_slice %arg3[%add3A_498] : memref<106496xi32, #tpu.memory_space<hbm>> -> memref<256xi32, #tpu.memory_space<hbm>>
      %dma_start3A_504 = tpu.memref_slice %arg3[%add3A_498] : memref<106496xi32, #tpu.memory_space<hbm>> -> memref<256xi32, #tpu.memory_space<hbm>>
      %dma_start3A_505 = arith.constant 0 : i32
      %dma_start3A_506 = tpu.memref_slice %arg6[%dma_start3A_499, %dma_start3A_505] : memref<16x257xi32, #tpu.memory_space<vmem>> -> memref<1x256xi32, #tpu.memory_space<vmem>>
      %dma_start3A_507 = tpu.memref_squeeze %dma_start3A_506 : memref<1x256xi32, #tpu.memory_space<vmem>> -> memref<256xi32, #tpu.memory_space<vmem>>
      tpu.enqueue_dma source(%dma_start3A_507 : memref<256xi32, #tpu.memory_space<vmem>>) target(%dma_start3A_504 : memref<256xi32, #tpu.memory_space<hbm>>) target_semaphore(%arg10 : memref<!tpu.dma_semaphore, #tpu.memory_space<semaphore_mem>>)
      %mul3A_508 = arith.constant 4096 : i32
      %mul3A_509 = arith.muli %add3A, %mul3A_508 : i32
      %add3A_510 = arith.constant 1792 : i32
      %add3A_511 = arith.addi %mul3A_509, %add3A_510 : i32
      %dma_start3A_512 = arith.constant 7 : i32
      %dma_start3A_513 = arith.constant 0 : i32
      %dma_start3A_514 = tpu.memref_slice %arg6[%dma_start3A_512, %dma_start3A_513] : memref<16x257xi32, #tpu.memory_space<vmem>> -> memref<1x256xi32, #tpu.memory_space<vmem>>
      %dma_start3A_515 = tpu.memref_squeeze %dma_start3A_514 : memref<1x256xi32, #tpu.memory_space<vmem>> -> memref<256xi32, #tpu.memory_space<vmem>>
      %dma_start3A_516 = tpu.memref_slice %arg3[%add3A_511] : memref<106496xi32, #tpu.memory_space<hbm>> -> memref<256xi32, #tpu.memory_space<hbm>>
      %dma_start3A_517 = tpu.memref_slice %arg3[%add3A_511] : memref<106496xi32, #tpu.memory_space<hbm>> -> memref<256xi32, #tpu.memory_space<hbm>>
      %dma_start3A_518 = arith.constant 0 : i32
      %dma_start3A_519 = tpu.memref_slice %arg6[%dma_start3A_512, %dma_start3A_518] : memref<16x257xi32, #tpu.memory_space<vmem>> -> memref<1x256xi32, #tpu.memory_space<vmem>>
      %dma_start3A_520 = tpu.memref_squeeze %dma_start3A_519 : memref<1x256xi32, #tpu.memory_space<vmem>> -> memref<256xi32, #tpu.memory_space<vmem>>
      tpu.enqueue_dma source(%dma_start3A_520 : memref<256xi32, #tpu.memory_space<vmem>>) target(%dma_start3A_517 : memref<256xi32, #tpu.memory_space<hbm>>) target_semaphore(%arg10 : memref<!tpu.dma_semaphore, #tpu.memory_space<semaphore_mem>>)
      %mul3A_521 = arith.constant 4096 : i32
      %mul3A_522 = arith.muli %add3A, %mul3A_521 : i32
      %add3A_523 = arith.constant 2048 : i32
      %add3A_524 = arith.addi %mul3A_522, %add3A_523 : i32
      %dma_start3A_525 = arith.constant 8 : i32
      %dma_start3A_526 = arith.constant 0 : i32
      %dma_start3A_527 = tpu.memref_slice %arg6[%dma_start3A_525, %dma_start3A_526] : memref<16x257xi32, #tpu.memory_space<vmem>> -> memref<1x256xi32, #tpu.memory_space<vmem>>
      %dma_start3A_528 = tpu.memref_squeeze %dma_start3A_527 : memref<1x256xi32, #tpu.memory_space<vmem>> -> memref<256xi32, #tpu.memory_space<vmem>>
      %dma_start3A_529 = tpu.memref_slice %arg3[%add3A_524] : memref<106496xi32, #tpu.memory_space<hbm>> -> memref<256xi32, #tpu.memory_space<hbm>>
      %dma_start3A_530 = tpu.memref_slice %arg3[%add3A_524] : memref<106496xi32, #tpu.memory_space<hbm>> -> memref<256xi32, #tpu.memory_space<hbm>>
      %dma_start3A_531 = arith.constant 0 : i32
      %dma_start3A_532 = tpu.memref_slice %arg6[%dma_start3A_525, %dma_start3A_531] : memref<16x257xi32, #tpu.memory_space<vmem>> -> memref<1x256xi32, #tpu.memory_space<vmem>>
      %dma_start3A_533 = tpu.memref_squeeze %dma_start3A_532 : memref<1x256xi32, #tpu.memory_space<vmem>> -> memref<256xi32, #tpu.memory_space<vmem>>
      tpu.enqueue_dma source(%dma_start3A_533 : memref<256xi32, #tpu.memory_space<vmem>>) target(%dma_start3A_530 : memref<256xi32, #tpu.memory_space<hbm>>) target_semaphore(%arg10 : memref<!tpu.dma_semaphore, #tpu.memory_space<semaphore_mem>>)
      %mul3A_534 = arith.constant 4096 : i32
      %mul3A_535 = arith.muli %add3A, %mul3A_534 : i32
      %add3A_536 = arith.constant 2304 : i32
      %add3A_537 = arith.addi %mul3A_535, %add3A_536 : i32
      %dma_start3A_538 = arith.constant 9 : i32
      %dma_start3A_539 = arith.constant 0 : i32
      %dma_start3A_540 = tpu.memref_slice %arg6[%dma_start3A_538, %dma_start3A_539] : memref<16x257xi32, #tpu.memory_space<vmem>> -> memref<1x256xi32, #tpu.memory_space<vmem>>
      %dma_start3A_541 = tpu.memref_squeeze %dma_start3A_540 : memref<1x256xi32, #tpu.memory_space<vmem>> -> memref<256xi32, #tpu.memory_space<vmem>>
      %dma_start3A_542 = tpu.memref_slice %arg3[%add3A_537] : memref<106496xi32, #tpu.memory_space<hbm>> -> memref<256xi32, #tpu.memory_space<hbm>>
      %dma_start3A_543 = tpu.memref_slice %arg3[%add3A_537] : memref<106496xi32, #tpu.memory_space<hbm>> -> memref<256xi32, #tpu.memory_space<hbm>>
      %dma_start3A_544 = arith.constant 0 : i32
      %dma_start3A_545 = tpu.memref_slice %arg6[%dma_start3A_538, %dma_start3A_544] : memref<16x257xi32, #tpu.memory_space<vmem>> -> memref<1x256xi32, #tpu.memory_space<vmem>>
      %dma_start3A_546 = tpu.memref_squeeze %dma_start3A_545 : memref<1x256xi32, #tpu.memory_space<vmem>> -> memref<256xi32, #tpu.memory_space<vmem>>
      tpu.enqueue_dma source(%dma_start3A_546 : memref<256xi32, #tpu.memory_space<vmem>>) target(%dma_start3A_543 : memref<256xi32, #tpu.memory_space<hbm>>) target_semaphore(%arg10 : memref<!tpu.dma_semaphore, #tpu.memory_space<semaphore_mem>>)
      %mul3A_547 = arith.constant 4096 : i32
      %mul3A_548 = arith.muli %add3A, %mul3A_547 : i32
      %add3A_549 = arith.constant 2560 : i32
      %add3A_550 = arith.addi %mul3A_548, %add3A_549 : i32
      %dma_start3A_551 = arith.constant 10 : i32
      %dma_start3A_552 = arith.constant 0 : i32
      %dma_start3A_553 = tpu.memref_slice %arg6[%dma_start3A_551, %dma_start3A_552] : memref<16x257xi32, #tpu.memory_space<vmem>> -> memref<1x256xi32, #tpu.memory_space<vmem>>
      %dma_start3A_554 = tpu.memref_squeeze %dma_start3A_553 : memref<1x256xi32, #tpu.memory_space<vmem>> -> memref<256xi32, #tpu.memory_space<vmem>>
      %dma_start3A_555 = tpu.memref_slice %arg3[%add3A_550] : memref<106496xi32, #tpu.memory_space<hbm>> -> memref<256xi32, #tpu.memory_space<hbm>>
      %dma_start3A_556 = tpu.memref_slice %arg3[%add3A_550] : memref<106496xi32, #tpu.memory_space<hbm>> -> memref<256xi32, #tpu.memory_space<hbm>>
      %dma_start3A_557 = arith.constant 0 : i32
      %dma_start3A_558 = tpu.memref_slice %arg6[%dma_start3A_551, %dma_start3A_557] : memref<16x257xi32, #tpu.memory_space<vmem>> -> memref<1x256xi32, #tpu.memory_space<vmem>>
      %dma_start3A_559 = tpu.memref_squeeze %dma_start3A_558 : memref<1x256xi32, #tpu.memory_space<vmem>> -> memref<256xi32, #tpu.memory_space<vmem>>
      tpu.enqueue_dma source(%dma_start3A_559 : memref<256xi32, #tpu.memory_space<vmem>>) target(%dma_start3A_556 : memref<256xi32, #tpu.memory_space<hbm>>) target_semaphore(%arg10 : memref<!tpu.dma_semaphore, #tpu.memory_space<semaphore_mem>>)
      %mul3A_560 = arith.constant 4096 : i32
      %mul3A_561 = arith.muli %add3A, %mul3A_560 : i32
      %add3A_562 = arith.constant 2816 : i32
      %add3A_563 = arith.addi %mul3A_561, %add3A_562 : i32
      %dma_start3A_564 = arith.constant 11 : i32
      %dma_start3A_565 = arith.constant 0 : i32
      %dma_start3A_566 = tpu.memref_slice %arg6[%dma_start3A_564, %dma_start3A_565] : memref<16x257xi32, #tpu.memory_space<vmem>> -> memref<1x256xi32, #tpu.memory_space<vmem>>
      %dma_start3A_567 = tpu.memref_squeeze %dma_start3A_566 : memref<1x256xi32, #tpu.memory_space<vmem>> -> memref<256xi32, #tpu.memory_space<vmem>>
      %dma_start3A_568 = tpu.memref_slice %arg3[%add3A_563] : memref<106496xi32, #tpu.memory_space<hbm>> -> memref<256xi32, #tpu.memory_space<hbm>>
      %dma_start3A_569 = tpu.memref_slice %arg3[%add3A_563] : memref<106496xi32, #tpu.memory_space<hbm>> -> memref<256xi32, #tpu.memory_space<hbm>>
      %dma_start3A_570 = arith.constant 0 : i32
      %dma_start3A_571 = tpu.memref_slice %arg6[%dma_start3A_564, %dma_start3A_570] : memref<16x257xi32, #tpu.memory_space<vmem>> -> memref<1x256xi32, #tpu.memory_space<vmem>>
      %dma_start3A_572 = tpu.memref_squeeze %dma_start3A_571 : memref<1x256xi32, #tpu.memory_space<vmem>> -> memref<256xi32, #tpu.memory_space<vmem>>
      tpu.enqueue_dma source(%dma_start3A_572 : memref<256xi32, #tpu.memory_space<vmem>>) target(%dma_start3A_569 : memref<256xi32, #tpu.memory_space<hbm>>) target_semaphore(%arg10 : memref<!tpu.dma_semaphore, #tpu.memory_space<semaphore_mem>>)
      %mul3A_573 = arith.constant 4096 : i32
      %mul3A_574 = arith.muli %add3A, %mul3A_573 : i32
      %add3A_575 = arith.constant 3072 : i32
      %add3A_576 = arith.addi %mul3A_574, %add3A_575 : i32
      %dma_start3A_577 = arith.constant 12 : i32
      %dma_start3A_578 = arith.constant 0 : i32
      %dma_start3A_579 = tpu.memref_slice %arg6[%dma_start3A_577, %dma_start3A_578] : memref<16x257xi32, #tpu.memory_space<vmem>> -> memref<1x256xi32, #tpu.memory_space<vmem>>
      %dma_start3A_580 = tpu.memref_squeeze %dma_start3A_579 : memref<1x256xi32, #tpu.memory_space<vmem>> -> memref<256xi32, #tpu.memory_space<vmem>>
      %dma_start3A_581 = tpu.memref_slice %arg3[%add3A_576] : memref<106496xi32, #tpu.memory_space<hbm>> -> memref<256xi32, #tpu.memory_space<hbm>>
      %dma_start3A_582 = tpu.memref_slice %arg3[%add3A_576] : memref<106496xi32, #tpu.memory_space<hbm>> -> memref<256xi32, #tpu.memory_space<hbm>>
      %dma_start3A_583 = arith.constant 0 : i32
      %dma_start3A_584 = tpu.memref_slice %arg6[%dma_start3A_577, %dma_start3A_583] : memref<16x257xi32, #tpu.memory_space<vmem>> -> memref<1x256xi32, #tpu.memory_space<vmem>>
      %dma_start3A_585 = tpu.memref_squeeze %dma_start3A_584 : memref<1x256xi32, #tpu.memory_space<vmem>> -> memref<256xi32, #tpu.memory_space<vmem>>
      tpu.enqueue_dma source(%dma_start3A_585 : memref<256xi32, #tpu.memory_space<vmem>>) target(%dma_start3A_582 : memref<256xi32, #tpu.memory_space<hbm>>) target_semaphore(%arg10 : memref<!tpu.dma_semaphore, #tpu.memory_space<semaphore_mem>>)
      %mul3A_586 = arith.constant 4096 : i32
      %mul3A_587 = arith.muli %add3A, %mul3A_586 : i32
      %add3A_588 = arith.constant 3328 : i32
      %add3A_589 = arith.addi %mul3A_587, %add3A_588 : i32
      %dma_start3A_590 = arith.constant 13 : i32
      %dma_start3A_591 = arith.constant 0 : i32
      %dma_start3A_592 = tpu.memref_slice %arg6[%dma_start3A_590, %dma_start3A_591] : memref<16x257xi32, #tpu.memory_space<vmem>> -> memref<1x256xi32, #tpu.memory_space<vmem>>
      %dma_start3A_593 = tpu.memref_squeeze %dma_start3A_592 : memref<1x256xi32, #tpu.memory_space<vmem>> -> memref<256xi32, #tpu.memory_space<vmem>>
      %dma_start3A_594 = tpu.memref_slice %arg3[%add3A_589] : memref<106496xi32, #tpu.memory_space<hbm>> -> memref<256xi32, #tpu.memory_space<hbm>>
      %dma_start3A_595 = tpu.memref_slice %arg3[%add3A_589] : memref<106496xi32, #tpu.memory_space<hbm>> -> memref<256xi32, #tpu.memory_space<hbm>>
      %dma_start3A_596 = arith.constant 0 : i32
      %dma_start3A_597 = tpu.memref_slice %arg6[%dma_start3A_590, %dma_start3A_596] : memref<16x257xi32, #tpu.memory_space<vmem>> -> memref<1x256xi32, #tpu.memory_space<vmem>>
      %dma_start3A_598 = tpu.memref_squeeze %dma_start3A_597 : memref<1x256xi32, #tpu.memory_space<vmem>> -> memref<256xi32, #tpu.memory_space<vmem>>
      tpu.enqueue_dma source(%dma_start3A_598 : memref<256xi32, #tpu.memory_space<vmem>>) target(%dma_start3A_595 : memref<256xi32, #tpu.memory_space<hbm>>) target_semaphore(%arg10 : memref<!tpu.dma_semaphore, #tpu.memory_space<semaphore_mem>>)
      %mul3A_599 = arith.constant 4096 : i32
      %mul3A_600 = arith.muli %add3A, %mul3A_599 : i32
      %add3A_601 = arith.constant 3584 : i32
      %add3A_602 = arith.addi %mul3A_600, %add3A_601 : i32
      %dma_start3A_603 = arith.constant 14 : i32
      %dma_start3A_604 = arith.constant 0 : i32
      %dma_start3A_605 = tpu.memref_slice %arg6[%dma_start3A_603, %dma_start3A_604] : memref<16x257xi32, #tpu.memory_space<vmem>> -> memref<1x256xi32, #tpu.memory_space<vmem>>
      %dma_start3A_606 = tpu.memref_squeeze %dma_start3A_605 : memref<1x256xi32, #tpu.memory_space<vmem>> -> memref<256xi32, #tpu.memory_space<vmem>>
      %dma_start3A_607 = tpu.memref_slice %arg3[%add3A_602] : memref<106496xi32, #tpu.memory_space<hbm>> -> memref<256xi32, #tpu.memory_space<hbm>>
      %dma_start3A_608 = tpu.memref_slice %arg3[%add3A_602] : memref<106496xi32, #tpu.memory_space<hbm>> -> memref<256xi32, #tpu.memory_space<hbm>>
      %dma_start3A_609 = arith.constant 0 : i32
      %dma_start3A_610 = tpu.memref_slice %arg6[%dma_start3A_603, %dma_start3A_609] : memref<16x257xi32, #tpu.memory_space<vmem>> -> memref<1x256xi32, #tpu.memory_space<vmem>>
      %dma_start3A_611 = tpu.memref_squeeze %dma_start3A_610 : memref<1x256xi32, #tpu.memory_space<vmem>> -> memref<256xi32, #tpu.memory_space<vmem>>
      tpu.enqueue_dma source(%dma_start3A_611 : memref<256xi32, #tpu.memory_space<vmem>>) target(%dma_start3A_608 : memref<256xi32, #tpu.memory_space<hbm>>) target_semaphore(%arg10 : memref<!tpu.dma_semaphore, #tpu.memory_space<semaphore_mem>>)
      %mul3A_612 = arith.constant 4096 : i32
      %mul3A_613 = arith.muli %add3A, %mul3A_612 : i32
      %add3A_614 = arith.constant 3840 : i32
      %add3A_615 = arith.addi %mul3A_613, %add3A_614 : i32
      %dma_start3A_616 = arith.constant 15 : i32
      %dma_start3A_617 = arith.constant 0 : i32
      %dma_start3A_618 = tpu.memref_slice %arg6[%dma_start3A_616, %dma_start3A_617] : memref<16x257xi32, #tpu.memory_space<vmem>> -> memref<1x256xi32, #tpu.memory_space<vmem>>
      %dma_start3A_619 = tpu.memref_squeeze %dma_start3A_618 : memref<1x256xi32, #tpu.memory_space<vmem>> -> memref<256xi32, #tpu.memory_space<vmem>>
      %dma_start3A_620 = tpu.memref_slice %arg3[%add3A_615] : memref<106496xi32, #tpu.memory_space<hbm>> -> memref<256xi32, #tpu.memory_space<hbm>>
      %dma_start3A_621 = tpu.memref_slice %arg3[%add3A_615] : memref<106496xi32, #tpu.memory_space<hbm>> -> memref<256xi32, #tpu.memory_space<hbm>>
      %dma_start3A_622 = arith.constant 0 : i32
      %dma_start3A_623 = tpu.memref_slice %arg6[%dma_start3A_616, %dma_start3A_622] : memref<16x257xi32, #tpu.memory_space<vmem>> -> memref<1x256xi32, #tpu.memory_space<vmem>>
      %dma_start3A_624 = tpu.memref_squeeze %dma_start3A_623 : memref<1x256xi32, #tpu.memory_space<vmem>> -> memref<256xi32, #tpu.memory_space<vmem>>
      tpu.enqueue_dma source(%dma_start3A_624 : memref<256xi32, #tpu.memory_space<vmem>>) target(%dma_start3A_621 : memref<256xi32, #tpu.memory_space<hbm>>) target_semaphore(%arg10 : memref<!tpu.dma_semaphore, #tpu.memory_space<semaphore_mem>>)
      %iota3A = tpu.iota {dimensions = array<i32: 0>} : vector<16xi32>
      %broadcast_in_dim3A = arith.constant 0 : i32
      %broadcast_in_dim3A_625 = vector.broadcast %broadcast_in_dim3A : i32 to vector<16xi32>
      %scan3A = arith.constant 0 : i32
      %scan3A_626 = arith.constant 256 : i32
      %scan3A_627 = arith.addi %scan3A, %scan3A_626 : i32
      %scan3A_628 = arith.constant 16 : i32
      %scan3A_629 = scf.for %scan3A_1198 = %scan3A to %scan3A_627 step %scan3A_628 iter_args(%scan3A_1199 = %broadcast_in_dim3A_625) -> (vector<16xi32>)  : i32 {
        %broadcast_in_dim3A_1200 = vector.broadcast %scan3A_1198 : i32 to vector<16xi32>
        %gather3A_1201 = tpu.vector_load_idx %arg6[%iota3A, %broadcast_in_dim3A_1200] : memref<16x257xi32, #tpu.memory_space<vmem>>[vector<16xi32>, vector<16xi32>], vector<16xi32>,
        %add3A_1202 = arith.addi %scan3A_1199, %gather3A_1201 : vector<16xi32>
        %scan3A_1203 = arith.constant 1 : i32
        %scan3A_1204 = arith.addi %scan3A_1198, %scan3A_1203 : i32
        %broadcast_in_dim3A_1205 = vector.broadcast %scan3A_1204 : i32 to vector<16xi32>
        %gather3A_1206 = tpu.vector_load_idx %arg6[%iota3A, %broadcast_in_dim3A_1205] : memref<16x257xi32, #tpu.memory_space<vmem>>[vector<16xi32>, vector<16xi32>], vector<16xi32>,
        %add3A_1207 = arith.addi %add3A_1202, %gather3A_1206 : vector<16xi32>
        %scan3A_1208 = arith.constant 2 : i32
        %scan3A_1209 = arith.addi %scan3A_1198, %scan3A_1208 : i32
        %broadcast_in_dim3A_1210 = vector.broadcast %scan3A_1209 : i32 to vector<16xi32>
        %gather3A_1211 = tpu.vector_load_idx %arg6[%iota3A, %broadcast_in_dim3A_1210] : memref<16x257xi32, #tpu.memory_space<vmem>>[vector<16xi32>, vector<16xi32>], vector<16xi32>,
        %add3A_1212 = arith.addi %add3A_1207, %gather3A_1211 : vector<16xi32>
        %scan3A_1213 = arith.constant 3 : i32
        %scan3A_1214 = arith.addi %scan3A_1198, %scan3A_1213 : i32
        %broadcast_in_dim3A_1215 = vector.broadcast %scan3A_1214 : i32 to vector<16xi32>
        %gather3A_1216 = tpu.vector_load_idx %arg6[%iota3A, %broadcast_in_dim3A_1215] : memref<16x257xi32, #tpu.memory_space<vmem>>[vector<16xi32>, vector<16xi32>], vector<16xi32>,
        %add3A_1217 = arith.addi %add3A_1212, %gather3A_1216 : vector<16xi32>
        %scan3A_1218 = arith.constant 4 : i32
        %scan3A_1219 = arith.addi %scan3A_1198, %scan3A_1218 : i32
        %broadcast_in_dim3A_1220 = vector.broadcast %scan3A_1219 : i32 to vector<16xi32>
        %gather3A_1221 = tpu.vector_load_idx %arg6[%iota3A, %broadcast_in_dim3A_1220] : memref<16x257xi32, #tpu.memory_space<vmem>>[vector<16xi32>, vector<16xi32>], vector<16xi32>,
        %add3A_1222 = arith.addi %add3A_1217, %gather3A_1221 : vector<16xi32>
        %scan3A_1223 = arith.constant 5 : i32
        %scan3A_1224 = arith.addi %scan3A_1198, %scan3A_1223 : i32
        %broadcast_in_dim3A_1225 = vector.broadcast %scan3A_1224 : i32 to vector<16xi32>
        %gather3A_1226 = tpu.vector_load_idx %arg6[%iota3A, %broadcast_in_dim3A_1225] : memref<16x257xi32, #tpu.memory_space<vmem>>[vector<16xi32>, vector<16xi32>], vector<16xi32>,
        %add3A_1227 = arith.addi %add3A_1222, %gather3A_1226 : vector<16xi32>
        %scan3A_1228 = arith.constant 6 : i32
        %scan3A_1229 = arith.addi %scan3A_1198, %scan3A_1228 : i32
        %broadcast_in_dim3A_1230 = vector.broadcast %scan3A_1229 : i32 to vector<16xi32>
        %gather3A_1231 = tpu.vector_load_idx %arg6[%iota3A, %broadcast_in_dim3A_1230] : memref<16x257xi32, #tpu.memory_space<vmem>>[vector<16xi32>, vector<16xi32>], vector<16xi32>,
        %add3A_1232 = arith.addi %add3A_1227, %gather3A_1231 : vector<16xi32>
        %scan3A_1233 = arith.constant 7 : i32
        %scan3A_1234 = arith.addi %scan3A_1198, %scan3A_1233 : i32
        %broadcast_in_dim3A_1235 = vector.broadcast %scan3A_1234 : i32 to vector<16xi32>
        %gather3A_1236 = tpu.vector_load_idx %arg6[%iota3A, %broadcast_in_dim3A_1235] : memref<16x257xi32, #tpu.memory_space<vmem>>[vector<16xi32>, vector<16xi32>], vector<16xi32>,
        %add3A_1237 = arith.addi %add3A_1232, %gather3A_1236 : vector<16xi32>
        %scan3A_1238 = arith.constant 8 : i32
        %scan3A_1239 = arith.addi %scan3A_1198, %scan3A_1238 : i32
        %broadcast_in_dim3A_1240 = vector.broadcast %scan3A_1239 : i32 to vector<16xi32>
        %gather3A_1241 = tpu.vector_load_idx %arg6[%iota3A, %broadcast_in_dim3A_1240] : memref<16x257xi32, #tpu.memory_space<vmem>>[vector<16xi32>, vector<16xi32>], vector<16xi32>,
        %add3A_1242 = arith.addi %add3A_1237, %gather3A_1241 : vector<16xi32>
        %scan3A_1243 = arith.constant 9 : i32
        %scan3A_1244 = arith.addi %scan3A_1198, %scan3A_1243 : i32
        %broadcast_in_dim3A_1245 = vector.broadcast %scan3A_1244 : i32 to vector<16xi32>
        %gather3A_1246 = tpu.vector_load_idx %arg6[%iota3A, %broadcast_in_dim3A_1245] : memref<16x257xi32, #tpu.memory_space<vmem>>[vector<16xi32>, vector<16xi32>], vector<16xi32>,
        %add3A_1247 = arith.addi %add3A_1242, %gather3A_1246 : vector<16xi32>
        %scan3A_1248 = arith.constant 10 : i32
        %scan3A_1249 = arith.addi %scan3A_1198, %scan3A_1248 : i32
        %broadcast_in_dim3A_1250 = vector.broadcast %scan3A_1249 : i32 to vector<16xi32>
        %gather3A_1251 = tpu.vector_load_idx %arg6[%iota3A, %broadcast_in_dim3A_1250] : memref<16x257xi32, #tpu.memory_space<vmem>>[vector<16xi32>, vector<16xi32>], vector<16xi32>,
        %add3A_1252 = arith.addi %add3A_1247, %gather3A_1251 : vector<16xi32>
        %scan3A_1253 = arith.constant 11 : i32
        %scan3A_1254 = arith.addi %scan3A_1198, %scan3A_1253 : i32
        %broadcast_in_dim3A_1255 = vector.broadcast %scan3A_1254 : i32 to vector<16xi32>
        %gather3A_1256 = tpu.vector_load_idx %arg6[%iota3A, %broadcast_in_dim3A_1255] : memref<16x257xi32, #tpu.memory_space<vmem>>[vector<16xi32>, vector<16xi32>], vector<16xi32>,
        %add3A_1257 = arith.addi %add3A_1252, %gather3A_1256 : vector<16xi32>
        %scan3A_1258 = arith.constant 12 : i32
        %scan3A_1259 = arith.addi %scan3A_1198, %scan3A_1258 : i32
        %broadcast_in_dim3A_1260 = vector.broadcast %scan3A_1259 : i32 to vector<16xi32>
        %gather3A_1261 = tpu.vector_load_idx %arg6[%iota3A, %broadcast_in_dim3A_1260] : memref<16x257xi32, #tpu.memory_space<vmem>>[vector<16xi32>, vector<16xi32>], vector<16xi32>,
        %add3A_1262 = arith.addi %add3A_1257, %gather3A_1261 : vector<16xi32>
        %scan3A_1263 = arith.constant 13 : i32
        %scan3A_1264 = arith.addi %scan3A_1198, %scan3A_1263 : i32
        %broadcast_in_dim3A_1265 = vector.broadcast %scan3A_1264 : i32 to vector<16xi32>
        %gather3A_1266 = tpu.vector_load_idx %arg6[%iota3A, %broadcast_in_dim3A_1265] : memref<16x257xi32, #tpu.memory_space<vmem>>[vector<16xi32>, vector<16xi32>], vector<16xi32>,
        %add3A_1267 = arith.addi %add3A_1262, %gather3A_1266 : vector<16xi32>
        %scan3A_1268 = arith.constant 14 : i32
        %scan3A_1269 = arith.addi %scan3A_1198, %scan3A_1268 : i32
        %broadcast_in_dim3A_1270 = vector.broadcast %scan3A_1269 : i32 to vector<16xi32>
        %gather3A_1271 = tpu.vector_load_idx %arg6[%iota3A, %broadcast_in_dim3A_1270] : memref<16x257xi32, #tpu.memory_space<vmem>>[vector<16xi32>, vector<16xi32>], vector<16xi32>,
        %add3A_1272 = arith.addi %add3A_1267, %gather3A_1271 : vector<16xi32>
        %scan3A_1273 = arith.constant 15 : i32
        %scan3A_1274 = arith.addi %scan3A_1198, %scan3A_1273 : i32
        %broadcast_in_dim3A_1275 = vector.broadcast %scan3A_1274 : i32 to vector<16xi32>
        %gather3A_1276 = tpu.vector_load_idx %arg6[%iota3A, %broadcast_in_dim3A_1275] : memref<16x257xi32, #tpu.memory_space<vmem>>[vector<16xi32>, vector<16xi32>], vector<16xi32>,
        %add3A_1277 = arith.addi %add3A_1272, %gather3A_1276 : vector<16xi32>
        scf.yield %add3A_1277 : vector<16xi32>
      }
      %scan3A_630 = arith.constant 256 : i32
      %broadcast_in_dim3A_631 = arith.constant 0 : i32
      %broadcast_in_dim3A_632 = vector.broadcast %broadcast_in_dim3A_631 : i32 to vector<16xi32>
      %swap3A = arith.constant 0 : index
      %swap3A_633 = tpu.vector_load %arg8[%swap3A] {strides = array<i32>} : memref<32xi32, #tpu.memory_space<vmem>>, vector<16xi32>,
      tpu.vector_store %arg8[%swap3A], %broadcast_in_dim3A_632 {strides = array<i32>} : memref<32xi32, #tpu.memory_space<vmem>>, vector<16xi32>,
      %swap3A_634 = arith.constant 16 : index
      %swap3A_635 = tpu.vector_load %arg8[%swap3A_634] {strides = array<i32>} : memref<32xi32, #tpu.memory_space<vmem>>, vector<16xi32>,
      tpu.vector_store %arg8[%swap3A_634], %scan3A_629 {strides = array<i32>} : memref<32xi32, #tpu.memory_space<vmem>>, vector<16xi32>,
      %add3A_636 = arith.constant 15 : i32
      %add3A_637 = vector.broadcast %add3A_636 : i32 to vector<16xi32>
      %add3A_638 = arith.addi %iota3A, %add3A_637 : vector<16xi32>
      %gather3A = tpu.vector_load_idx %arg8[%add3A_638] : memref<32xi32, #tpu.memory_space<vmem>>[vector<16xi32>], vector<16xi32>,
      %add3A_639 = arith.addi %scan3A_629, %gather3A : vector<16xi32>
      %swap3A_640 = arith.constant 16 : index
      %swap3A_641 = tpu.vector_load %arg8[%swap3A_640] {strides = array<i32>} : memref<32xi32, #tpu.memory_space<vmem>>, vector<16xi32>,
      tpu.vector_store %arg8[%swap3A_640], %add3A_639 {strides = array<i32>} : memref<32xi32, #tpu.memory_space<vmem>>, vector<16xi32>,
      %add3A_642 = arith.constant 14 : i32
      %add3A_643 = vector.broadcast %add3A_642 : i32 to vector<16xi32>
      %add3A_644 = arith.addi %iota3A, %add3A_643 : vector<16xi32>
      %gather3A_645 = tpu.vector_load_idx %arg8[%add3A_644] : memref<32xi32, #tpu.memory_space<vmem>>[vector<16xi32>], vector<16xi32>,
      %add3A_646 = arith.addi %add3A_639, %gather3A_645 : vector<16xi32>
      %swap3A_647 = arith.constant 16 : index
      %swap3A_648 = tpu.vector_load %arg8[%swap3A_647] {strides = array<i32>} : memref<32xi32, #tpu.memory_space<vmem>>, vector<16xi32>,
      tpu.vector_store %arg8[%swap3A_647], %add3A_646 {strides = array<i32>} : memref<32xi32, #tpu.memory_space<vmem>>, vector<16xi32>,
      %add3A_649 = arith.constant 12 : i32
      %add3A_650 = vector.broadcast %add3A_649 : i32 to vector<16xi32>
      %add3A_651 = arith.addi %iota3A, %add3A_650 : vector<16xi32>
      %gather3A_652 = tpu.vector_load_idx %arg8[%add3A_651] : memref<32xi32, #tpu.memory_space<vmem>>[vector<16xi32>], vector<16xi32>,
      %add3A_653 = arith.addi %add3A_646, %gather3A_652 : vector<16xi32>
      %swap3A_654 = arith.constant 16 : index
      %swap3A_655 = tpu.vector_load %arg8[%swap3A_654] {strides = array<i32>} : memref<32xi32, #tpu.memory_space<vmem>>, vector<16xi32>,
      tpu.vector_store %arg8[%swap3A_654], %add3A_653 {strides = array<i32>} : memref<32xi32, #tpu.memory_space<vmem>>, vector<16xi32>,
      %add3A_656 = arith.constant 8 : i32
      %add3A_657 = vector.broadcast %add3A_656 : i32 to vector<16xi32>
      %add3A_658 = arith.addi %iota3A, %add3A_657 : vector<16xi32>
      %gather3A_659 = tpu.vector_load_idx %arg8[%add3A_658] : memref<32xi32, #tpu.memory_space<vmem>>[vector<16xi32>], vector<16xi32>,
      %add3A_660 = arith.addi %add3A_653, %gather3A_659 : vector<16xi32>
      %sub3A = arith.subi %add3A_660, %scan3A_629 : vector<16xi32>
      %mul3A_661 = arith.constant 204800 : i32
      %mul3A_662 = arith.muli %add3A, %mul3A_661 : i32
      %add3A_663 = vector.broadcast %mul3A_662 : i32 to vector<16xi32>
      %add3A_664 = arith.addi %sub3A, %add3A_663 : vector<16xi32>
      %scan3A_665 = arith.constant 0 : i32
      %scan3A_666 = arith.constant 256 : i32
      %scan3A_667 = arith.addi %scan3A_665, %scan3A_666 : i32
      %scan3A_668 = arith.constant 16 : i32
      %scan3A_669 = scf.for %scan3A_1198 = %scan3A_665 to %scan3A_667 step %scan3A_668 iter_args(%scan3A_1199 = %add3A_664) -> (vector<16xi32>)  : i32 {
        %broadcast_in_dim3A_1200 = vector.broadcast %scan3A_1198 : i32 to vector<16xi32>
        %gather3A_1201 = tpu.vector_load_idx %arg6[%iota3A, %broadcast_in_dim3A_1200] : memref<16x257xi32, #tpu.memory_space<vmem>>[vector<16xi32>, vector<16xi32>], vector<16xi32>,
        tpu.vector_store_idx %arg7[%iota3A, %broadcast_in_dim3A_1200], %scan3A_1199 : memref<16x257xi32, #tpu.memory_space<vmem>>[vector<16xi32>, vector<16xi32>], vector<16xi32>,
        %add3A_1202 = arith.addi %scan3A_1199, %gather3A_1201 : vector<16xi32>
        %scan3A_1203 = arith.constant 1 : i32
        %scan3A_1204 = arith.addi %scan3A_1198, %scan3A_1203 : i32
        %broadcast_in_dim3A_1205 = vector.broadcast %scan3A_1204 : i32 to vector<16xi32>
        %gather3A_1206 = tpu.vector_load_idx %arg6[%iota3A, %broadcast_in_dim3A_1205] : memref<16x257xi32, #tpu.memory_space<vmem>>[vector<16xi32>, vector<16xi32>], vector<16xi32>,
        tpu.vector_store_idx %arg7[%iota3A, %broadcast_in_dim3A_1205], %add3A_1202 : memref<16x257xi32, #tpu.memory_space<vmem>>[vector<16xi32>, vector<16xi32>], vector<16xi32>,
        %add3A_1207 = arith.addi %add3A_1202, %gather3A_1206 : vector<16xi32>
        %scan3A_1208 = arith.constant 2 : i32
        %scan3A_1209 = arith.addi %scan3A_1198, %scan3A_1208 : i32
        %broadcast_in_dim3A_1210 = vector.broadcast %scan3A_1209 : i32 to vector<16xi32>
        %gather3A_1211 = tpu.vector_load_idx %arg6[%iota3A, %broadcast_in_dim3A_1210] : memref<16x257xi32, #tpu.memory_space<vmem>>[vector<16xi32>, vector<16xi32>], vector<16xi32>,
        tpu.vector_store_idx %arg7[%iota3A, %broadcast_in_dim3A_1210], %add3A_1207 : memref<16x257xi32, #tpu.memory_space<vmem>>[vector<16xi32>, vector<16xi32>], vector<16xi32>,
        %add3A_1212 = arith.addi %add3A_1207, %gather3A_1211 : vector<16xi32>
        %scan3A_1213 = arith.constant 3 : i32
        %scan3A_1214 = arith.addi %scan3A_1198, %scan3A_1213 : i32
        %broadcast_in_dim3A_1215 = vector.broadcast %scan3A_1214 : i32 to vector<16xi32>
        %gather3A_1216 = tpu.vector_load_idx %arg6[%iota3A, %broadcast_in_dim3A_1215] : memref<16x257xi32, #tpu.memory_space<vmem>>[vector<16xi32>, vector<16xi32>], vector<16xi32>,
        tpu.vector_store_idx %arg7[%iota3A, %broadcast_in_dim3A_1215], %add3A_1212 : memref<16x257xi32, #tpu.memory_space<vmem>>[vector<16xi32>, vector<16xi32>], vector<16xi32>,
        %add3A_1217 = arith.addi %add3A_1212, %gather3A_1216 : vector<16xi32>
        %scan3A_1218 = arith.constant 4 : i32
        %scan3A_1219 = arith.addi %scan3A_1198, %scan3A_1218 : i32
        %broadcast_in_dim3A_1220 = vector.broadcast %scan3A_1219 : i32 to vector<16xi32>
        %gather3A_1221 = tpu.vector_load_idx %arg6[%iota3A, %broadcast_in_dim3A_1220] : memref<16x257xi32, #tpu.memory_space<vmem>>[vector<16xi32>, vector<16xi32>], vector<16xi32>,
        tpu.vector_store_idx %arg7[%iota3A, %broadcast_in_dim3A_1220], %add3A_1217 : memref<16x257xi32, #tpu.memory_space<vmem>>[vector<16xi32>, vector<16xi32>], vector<16xi32>,
        %add3A_1222 = arith.addi %add3A_1217, %gather3A_1221 : vector<16xi32>
        %scan3A_1223 = arith.constant 5 : i32
        %scan3A_1224 = arith.addi %scan3A_1198, %scan3A_1223 : i32
        %broadcast_in_dim3A_1225 = vector.broadcast %scan3A_1224 : i32 to vector<16xi32>
        %gather3A_1226 = tpu.vector_load_idx %arg6[%iota3A, %broadcast_in_dim3A_1225] : memref<16x257xi32, #tpu.memory_space<vmem>>[vector<16xi32>, vector<16xi32>], vector<16xi32>,
        tpu.vector_store_idx %arg7[%iota3A, %broadcast_in_dim3A_1225], %add3A_1222 : memref<16x257xi32, #tpu.memory_space<vmem>>[vector<16xi32>, vector<16xi32>], vector<16xi32>,
        %add3A_1227 = arith.addi %add3A_1222, %gather3A_1226 : vector<16xi32>
        %scan3A_1228 = arith.constant 6 : i32
        %scan3A_1229 = arith.addi %scan3A_1198, %scan3A_1228 : i32
        %broadcast_in_dim3A_1230 = vector.broadcast %scan3A_1229 : i32 to vector<16xi32>
        %gather3A_1231 = tpu.vector_load_idx %arg6[%iota3A, %broadcast_in_dim3A_1230] : memref<16x257xi32, #tpu.memory_space<vmem>>[vector<16xi32>, vector<16xi32>], vector<16xi32>,
        tpu.vector_store_idx %arg7[%iota3A, %broadcast_in_dim3A_1230], %add3A_1227 : memref<16x257xi32, #tpu.memory_space<vmem>>[vector<16xi32>, vector<16xi32>], vector<16xi32>,
        %add3A_1232 = arith.addi %add3A_1227, %gather3A_1231 : vector<16xi32>
        %scan3A_1233 = arith.constant 7 : i32
        %scan3A_1234 = arith.addi %scan3A_1198, %scan3A_1233 : i32
        %broadcast_in_dim3A_1235 = vector.broadcast %scan3A_1234 : i32 to vector<16xi32>
        %gather3A_1236 = tpu.vector_load_idx %arg6[%iota3A, %broadcast_in_dim3A_1235] : memref<16x257xi32, #tpu.memory_space<vmem>>[vector<16xi32>, vector<16xi32>], vector<16xi32>,
        tpu.vector_store_idx %arg7[%iota3A, %broadcast_in_dim3A_1235], %add3A_1232 : memref<16x257xi32, #tpu.memory_space<vmem>>[vector<16xi32>, vector<16xi32>], vector<16xi32>,
        %add3A_1237 = arith.addi %add3A_1232, %gather3A_1236 : vector<16xi32>
        %scan3A_1238 = arith.constant 8 : i32
        %scan3A_1239 = arith.addi %scan3A_1198, %scan3A_1238 : i32
        %broadcast_in_dim3A_1240 = vector.broadcast %scan3A_1239 : i32 to vector<16xi32>
        %gather3A_1241 = tpu.vector_load_idx %arg6[%iota3A, %broadcast_in_dim3A_1240] : memref<16x257xi32, #tpu.memory_space<vmem>>[vector<16xi32>, vector<16xi32>], vector<16xi32>,
        tpu.vector_store_idx %arg7[%iota3A, %broadcast_in_dim3A_1240], %add3A_1237 : memref<16x257xi32, #tpu.memory_space<vmem>>[vector<16xi32>, vector<16xi32>], vector<16xi32>,
        %add3A_1242 = arith.addi %add3A_1237, %gather3A_1241 : vector<16xi32>
        %scan3A_1243 = arith.constant 9 : i32
        %scan3A_1244 = arith.addi %scan3A_1198, %scan3A_1243 : i32
        %broadcast_in_dim3A_1245 = vector.broadcast %scan3A_1244 : i32 to vector<16xi32>
        %gather3A_1246 = tpu.vector_load_idx %arg6[%iota3A, %broadcast_in_dim3A_1245] : memref<16x257xi32, #tpu.memory_space<vmem>>[vector<16xi32>, vector<16xi32>], vector<16xi32>,
        tpu.vector_store_idx %arg7[%iota3A, %broadcast_in_dim3A_1245], %add3A_1242 : memref<16x257xi32, #tpu.memory_space<vmem>>[vector<16xi32>, vector<16xi32>], vector<16xi32>,
        %add3A_1247 = arith.addi %add3A_1242, %gather3A_1246 : vector<16xi32>
        %scan3A_1248 = arith.constant 10 : i32
        %scan3A_1249 = arith.addi %scan3A_1198, %scan3A_1248 : i32
        %broadcast_in_dim3A_1250 = vector.broadcast %scan3A_1249 : i32 to vector<16xi32>
        %gather3A_1251 = tpu.vector_load_idx %arg6[%iota3A, %broadcast_in_dim3A_1250] : memref<16x257xi32, #tpu.memory_space<vmem>>[vector<16xi32>, vector<16xi32>], vector<16xi32>,
        tpu.vector_store_idx %arg7[%iota3A, %broadcast_in_dim3A_1250], %add3A_1247 : memref<16x257xi32, #tpu.memory_space<vmem>>[vector<16xi32>, vector<16xi32>], vector<16xi32>,
        %add3A_1252 = arith.addi %add3A_1247, %gather3A_1251 : vector<16xi32>
        %scan3A_1253 = arith.constant 11 : i32
        %scan3A_1254 = arith.addi %scan3A_1198, %scan3A_1253 : i32
        %broadcast_in_dim3A_1255 = vector.broadcast %scan3A_1254 : i32 to vector<16xi32>
        %gather3A_1256 = tpu.vector_load_idx %arg6[%iota3A, %broadcast_in_dim3A_1255] : memref<16x257xi32, #tpu.memory_space<vmem>>[vector<16xi32>, vector<16xi32>], vector<16xi32>,
        tpu.vector_store_idx %arg7[%iota3A, %broadcast_in_dim3A_1255], %add3A_1252 : memref<16x257xi32, #tpu.memory_space<vmem>>[vector<16xi32>, vector<16xi32>], vector<16xi32>,
        %add3A_1257 = arith.addi %add3A_1252, %gather3A_1256 : vector<16xi32>
        %scan3A_1258 = arith.constant 12 : i32
        %scan3A_1259 = arith.addi %scan3A_1198, %scan3A_1258 : i32
        %broadcast_in_dim3A_1260 = vector.broadcast %scan3A_1259 : i32 to vector<16xi32>
        %gather3A_1261 = tpu.vector_load_idx %arg6[%iota3A, %broadcast_in_dim3A_1260] : memref<16x257xi32, #tpu.memory_space<vmem>>[vector<16xi32>, vector<16xi32>], vector<16xi32>,
        tpu.vector_store_idx %arg7[%iota3A, %broadcast_in_dim3A_1260], %add3A_1257 : memref<16x257xi32, #tpu.memory_space<vmem>>[vector<16xi32>, vector<16xi32>], vector<16xi32>,
        %add3A_1262 = arith.addi %add3A_1257, %gather3A_1261 : vector<16xi32>
        %scan3A_1263 = arith.constant 13 : i32
        %scan3A_1264 = arith.addi %scan3A_1198, %scan3A_1263 : i32
        %broadcast_in_dim3A_1265 = vector.broadcast %scan3A_1264 : i32 to vector<16xi32>
        %gather3A_1266 = tpu.vector_load_idx %arg6[%iota3A, %broadcast_in_dim3A_1265] : memref<16x257xi32, #tpu.memory_space<vmem>>[vector<16xi32>, vector<16xi32>], vector<16xi32>,
        tpu.vector_store_idx %arg7[%iota3A, %broadcast_in_dim3A_1265], %add3A_1262 : memref<16x257xi32, #tpu.memory_space<vmem>>[vector<16xi32>, vector<16xi32>], vector<16xi32>,
        %add3A_1267 = arith.addi %add3A_1262, %gather3A_1266 : vector<16xi32>
        %scan3A_1268 = arith.constant 14 : i32
        %scan3A_1269 = arith.addi %scan3A_1198, %scan3A_1268 : i32
        %broadcast_in_dim3A_1270 = vector.broadcast %scan3A_1269 : i32 to vector<16xi32>
        %gather3A_1271 = tpu.vector_load_idx %arg6[%iota3A, %broadcast_in_dim3A_1270] : memref<16x257xi32, #tpu.memory_space<vmem>>[vector<16xi32>, vector<16xi32>], vector<16xi32>,
        tpu.vector_store_idx %arg7[%iota3A, %broadcast_in_dim3A_1270], %add3A_1267 : memref<16x257xi32, #tpu.memory_space<vmem>>[vector<16xi32>, vector<16xi32>], vector<16xi32>,
        %add3A_1272 = arith.addi %add3A_1267, %gather3A_1271 : vector<16xi32>
        %scan3A_1273 = arith.constant 15 : i32
        %scan3A_1274 = arith.addi %scan3A_1198, %scan3A_1273 : i32
        %broadcast_in_dim3A_1275 = vector.broadcast %scan3A_1274 : i32 to vector<16xi32>
        %gather3A_1276 = tpu.vector_load_idx %arg6[%iota3A, %broadcast_in_dim3A_1275] : memref<16x257xi32, #tpu.memory_space<vmem>>[vector<16xi32>, vector<16xi32>], vector<16xi32>,
        tpu.vector_store_idx %arg7[%iota3A, %broadcast_in_dim3A_1275], %add3A_1272 : memref<16x257xi32, #tpu.memory_space<vmem>>[vector<16xi32>, vector<16xi32>], vector<16xi32>,
        %add3A_1277 = arith.addi %add3A_1272, %gather3A_1276 : vector<16xi32>
        scf.yield %add3A_1277 : vector<16xi32>
      }
      %scan3A_670 = arith.constant 256 : i32
      %swap3A_671 = arith.constant 16 : index
      %swap3A_672 = tpu.vector_load %arg8[%swap3A_671] {strides = array<i32>} : memref<32xi32, #tpu.memory_space<vmem>>, vector<16xi32>,
      tpu.vector_store %arg8[%swap3A_671], %add3A_660 {strides = array<i32>} : memref<32xi32, #tpu.memory_space<vmem>>, vector<16xi32>,
      %broadcast_in_dim3A_673 = arith.constant 31 : i32
      %broadcast_in_dim3A_674 = vector.broadcast %broadcast_in_dim3A_673 : i32 to vector<16xi32>
      %gather3A_675 = tpu.vector_load_idx %arg8[%broadcast_in_dim3A_674] : memref<32xi32, #tpu.memory_space<vmem>>[vector<16xi32>], vector<16xi32>,
      %swap3A_676 = arith.constant 0 : index
      %swap3A_677 = tpu.vector_load %arg9[%swap3A_676] {strides = array<i32>} : memref<16xi32, #tpu.memory_space<vmem>>, vector<16xi32>,
      tpu.vector_store %arg9[%swap3A_676], %gather3A_675 {strides = array<i32>} : memref<16xi32, #tpu.memory_space<vmem>>, vector<16xi32>,
      %dma_start3A_678 = arith.constant 0 : i32
      %dma_start3A_679 = tpu.memref_slice %arg9[%dma_start3A_678] : memref<16xi32, #tpu.memory_space<vmem>> -> memref<1xi32, #tpu.memory_space<vmem>>
      %dma_start3A_680 = arith.constant 0 : i32
      %dma_start3A_681 = tpu.memref_slice %arg5[%add3A, %dma_start3A_680] : memref<26x1xi32, #tpu.memory_space<hbm>> -> memref<1x1xi32, #tpu.memory_space<hbm>>
      %dma_start3A_682 = tpu.memref_squeeze %dma_start3A_681 : memref<1x1xi32, #tpu.memory_space<hbm>> -> memref<1xi32, #tpu.memory_space<hbm>>
      %dma_start3A_683 = arith.constant 0 : i32
      %dma_start3A_684 = tpu.memref_slice %arg5[%add3A, %dma_start3A_683] : memref<26x1xi32, #tpu.memory_space<hbm>> -> memref<1x1xi32, #tpu.memory_space<hbm>>
      %dma_start3A_685 = tpu.memref_squeeze %dma_start3A_684 : memref<1x1xi32, #tpu.memory_space<hbm>> -> memref<1xi32, #tpu.memory_space<hbm>>
      %dma_start3A_686 = arith.constant 0 : i32
      %dma_start3A_687 = tpu.memref_slice %arg9[%dma_start3A_686] : memref<16xi32, #tpu.memory_space<vmem>> -> memref<1xi32, #tpu.memory_space<vmem>>
      tpu.enqueue_dma source(%dma_start3A_687 : memref<1xi32, #tpu.memory_space<vmem>>) target(%dma_start3A_685 : memref<1xi32, #tpu.memory_space<hbm>>) target_semaphore(%arg10 : memref<!tpu.dma_semaphore, #tpu.memory_space<semaphore_mem>>)
      %mul3A_688 = arith.constant 4096 : i32
      %mul3A_689 = arith.muli %add3A, %mul3A_688 : i32
      %add3A_690 = arith.constant 0 : i32
      %add3A_691 = arith.addi %mul3A_689, %add3A_690 : i32
      %dma_start3A_692 = arith.constant 0 : i32
      %dma_start3A_693 = arith.constant 0 : i32
      %dma_start3A_694 = tpu.memref_slice %arg7[%dma_start3A_692, %dma_start3A_693] : memref<16x257xi32, #tpu.memory_space<vmem>> -> memref<1x256xi32, #tpu.memory_space<vmem>>
      %dma_start3A_695 = tpu.memref_squeeze %dma_start3A_694 : memref<1x256xi32, #tpu.memory_space<vmem>> -> memref<256xi32, #tpu.memory_space<vmem>>
      %dma_start3A_696 = tpu.memref_slice %arg4[%add3A_691] : memref<106497xi32, #tpu.memory_space<hbm>> -> memref<256xi32, #tpu.memory_space<hbm>>
      %dma_start3A_697 = tpu.memref_slice %arg4[%add3A_691] : memref<106497xi32, #tpu.memory_space<hbm>> -> memref<256xi32, #tpu.memory_space<hbm>>
      %dma_start3A_698 = arith.constant 0 : i32
      %dma_start3A_699 = tpu.memref_slice %arg7[%dma_start3A_692, %dma_start3A_698] : memref<16x257xi32, #tpu.memory_space<vmem>> -> memref<1x256xi32, #tpu.memory_space<vmem>>
      %dma_start3A_700 = tpu.memref_squeeze %dma_start3A_699 : memref<1x256xi32, #tpu.memory_space<vmem>> -> memref<256xi32, #tpu.memory_space<vmem>>
      tpu.enqueue_dma source(%dma_start3A_700 : memref<256xi32, #tpu.memory_space<vmem>>) target(%dma_start3A_697 : memref<256xi32, #tpu.memory_space<hbm>>) target_semaphore(%arg10 : memref<!tpu.dma_semaphore, #tpu.memory_space<semaphore_mem>>)
      %mul3A_701 = arith.constant 4096 : i32
      %mul3A_702 = arith.muli %add3A, %mul3A_701 : i32
      %add3A_703 = arith.constant 256 : i32
      %add3A_704 = arith.addi %mul3A_702, %add3A_703 : i32
      %dma_start3A_705 = arith.constant 1 : i32
      %dma_start3A_706 = arith.constant 0 : i32
      %dma_start3A_707 = tpu.memref_slice %arg7[%dma_start3A_705, %dma_start3A_706] : memref<16x257xi32, #tpu.memory_space<vmem>> -> memref<1x256xi32, #tpu.memory_space<vmem>>
      %dma_start3A_708 = tpu.memref_squeeze %dma_start3A_707 : memref<1x256xi32, #tpu.memory_space<vmem>> -> memref<256xi32, #tpu.memory_space<vmem>>
      %dma_start3A_709 = tpu.memref_slice %arg4[%add3A_704] : memref<106497xi32, #tpu.memory_space<hbm>> -> memref<256xi32, #tpu.memory_space<hbm>>
      %dma_start3A_710 = tpu.memref_slice %arg4[%add3A_704] : memref<106497xi32, #tpu.memory_space<hbm>> -> memref<256xi32, #tpu.memory_space<hbm>>
      %dma_start3A_711 = arith.constant 0 : i32
      %dma_start3A_712 = tpu.memref_slice %arg7[%dma_start3A_705, %dma_start3A_711] : memref<16x257xi32, #tpu.memory_space<vmem>> -> memref<1x256xi32, #tpu.memory_space<vmem>>
      %dma_start3A_713 = tpu.memref_squeeze %dma_start3A_712 : memref<1x256xi32, #tpu.memory_space<vmem>> -> memref<256xi32, #tpu.memory_space<vmem>>
      tpu.enqueue_dma source(%dma_start3A_713 : memref<256xi32, #tpu.memory_space<vmem>>) target(%dma_start3A_710 : memref<256xi32, #tpu.memory_space<hbm>>) target_semaphore(%arg10 : memref<!tpu.dma_semaphore, #tpu.memory_space<semaphore_mem>>)
      %mul3A_714 = arith.constant 4096 : i32
      %mul3A_715 = arith.muli %add3A, %mul3A_714 : i32
      %add3A_716 = arith.constant 512 : i32
      %add3A_717 = arith.addi %mul3A_715, %add3A_716 : i32
      %dma_start3A_718 = arith.constant 2 : i32
      %dma_start3A_719 = arith.constant 0 : i32
      %dma_start3A_720 = tpu.memref_slice %arg7[%dma_start3A_718, %dma_start3A_719] : memref<16x257xi32, #tpu.memory_space<vmem>> -> memref<1x256xi32, #tpu.memory_space<vmem>>
      %dma_start3A_721 = tpu.memref_squeeze %dma_start3A_720 : memref<1x256xi32, #tpu.memory_space<vmem>> -> memref<256xi32, #tpu.memory_space<vmem>>
      %dma_start3A_722 = tpu.memref_slice %arg4[%add3A_717] : memref<106497xi32, #tpu.memory_space<hbm>> -> memref<256xi32, #tpu.memory_space<hbm>>
      %dma_start3A_723 = tpu.memref_slice %arg4[%add3A_717] : memref<106497xi32, #tpu.memory_space<hbm>> -> memref<256xi32, #tpu.memory_space<hbm>>
      %dma_start3A_724 = arith.constant 0 : i32
      %dma_start3A_725 = tpu.memref_slice %arg7[%dma_start3A_718, %dma_start3A_724] : memref<16x257xi32, #tpu.memory_space<vmem>> -> memref<1x256xi32, #tpu.memory_space<vmem>>
      %dma_start3A_726 = tpu.memref_squeeze %dma_start3A_725 : memref<1x256xi32, #tpu.memory_space<vmem>> -> memref<256xi32, #tpu.memory_space<vmem>>
      tpu.enqueue_dma source(%dma_start3A_726 : memref<256xi32, #tpu.memory_space<vmem>>) target(%dma_start3A_723 : memref<256xi32, #tpu.memory_space<hbm>>) target_semaphore(%arg10 : memref<!tpu.dma_semaphore, #tpu.memory_space<semaphore_mem>>)
      %mul3A_727 = arith.constant 4096 : i32
      %mul3A_728 = arith.muli %add3A, %mul3A_727 : i32
      %add3A_729 = arith.constant 768 : i32
      %add3A_730 = arith.addi %mul3A_728, %add3A_729 : i32
      %dma_start3A_731 = arith.constant 3 : i32
      %dma_start3A_732 = arith.constant 0 : i32
      %dma_start3A_733 = tpu.memref_slice %arg7[%dma_start3A_731, %dma_start3A_732] : memref<16x257xi32, #tpu.memory_space<vmem>> -> memref<1x256xi32, #tpu.memory_space<vmem>>
      %dma_start3A_734 = tpu.memref_squeeze %dma_start3A_733 : memref<1x256xi32, #tpu.memory_space<vmem>> -> memref<256xi32, #tpu.memory_space<vmem>>
      %dma_start3A_735 = tpu.memref_slice %arg4[%add3A_730] : memref<106497xi32, #tpu.memory_space<hbm>> -> memref<256xi32, #tpu.memory_space<hbm>>
      %dma_start3A_736 = tpu.memref_slice %arg4[%add3A_730] : memref<106497xi32, #tpu.memory_space<hbm>> -> memref<256xi32, #tpu.memory_space<hbm>>
      %dma_start3A_737 = arith.constant 0 : i32
      %dma_start3A_738 = tpu.memref_slice %arg7[%dma_start3A_731, %dma_start3A_737] : memref<16x257xi32, #tpu.memory_space<vmem>> -> memref<1x256xi32, #tpu.memory_space<vmem>>
      %dma_start3A_739 = tpu.memref_squeeze %dma_start3A_738 : memref<1x256xi32, #tpu.memory_space<vmem>> -> memref<256xi32, #tpu.memory_space<vmem>>
      tpu.enqueue_dma source(%dma_start3A_739 : memref<256xi32, #tpu.memory_space<vmem>>) target(%dma_start3A_736 : memref<256xi32, #tpu.memory_space<hbm>>) target_semaphore(%arg10 : memref<!tpu.dma_semaphore, #tpu.memory_space<semaphore_mem>>)
      %mul3A_740 = arith.constant 4096 : i32
      %mul3A_741 = arith.muli %add3A, %mul3A_740 : i32
      %add3A_742 = arith.constant 1024 : i32
      %add3A_743 = arith.addi %mul3A_741, %add3A_742 : i32
      %dma_start3A_744 = arith.constant 4 : i32
      %dma_start3A_745 = arith.constant 0 : i32
      %dma_start3A_746 = tpu.memref_slice %arg7[%dma_start3A_744, %dma_start3A_745] : memref<16x257xi32, #tpu.memory_space<vmem>> -> memref<1x256xi32, #tpu.memory_space<vmem>>
      %dma_start3A_747 = tpu.memref_squeeze %dma_start3A_746 : memref<1x256xi32, #tpu.memory_space<vmem>> -> memref<256xi32, #tpu.memory_space<vmem>>
      %dma_start3A_748 = tpu.memref_slice %arg4[%add3A_743] : memref<106497xi32, #tpu.memory_space<hbm>> -> memref<256xi32, #tpu.memory_space<hbm>>
      %dma_start3A_749 = tpu.memref_slice %arg4[%add3A_743] : memref<106497xi32, #tpu.memory_space<hbm>> -> memref<256xi32, #tpu.memory_space<hbm>>
      %dma_start3A_750 = arith.constant 0 : i32
      %dma_start3A_751 = tpu.memref_slice %arg7[%dma_start3A_744, %dma_start3A_750] : memref<16x257xi32, #tpu.memory_space<vmem>> -> memref<1x256xi32, #tpu.memory_space<vmem>>
      %dma_start3A_752 = tpu.memref_squeeze %dma_start3A_751 : memref<1x256xi32, #tpu.memory_space<vmem>> -> memref<256xi32, #tpu.memory_space<vmem>>
      tpu.enqueue_dma source(%dma_start3A_752 : memref<256xi32, #tpu.memory_space<vmem>>) target(%dma_start3A_749 : memref<256xi32, #tpu.memory_space<hbm>>) target_semaphore(%arg10 : memref<!tpu.dma_semaphore, #tpu.memory_space<semaphore_mem>>)
      %mul3A_753 = arith.constant 4096 : i32
      %mul3A_754 = arith.muli %add3A, %mul3A_753 : i32
      %add3A_755 = arith.constant 1280 : i32
      %add3A_756 = arith.addi %mul3A_754, %add3A_755 : i32
      %dma_start3A_757 = arith.constant 5 : i32
      %dma_start3A_758 = arith.constant 0 : i32
      %dma_start3A_759 = tpu.memref_slice %arg7[%dma_start3A_757, %dma_start3A_758] : memref<16x257xi32, #tpu.memory_space<vmem>> -> memref<1x256xi32, #tpu.memory_space<vmem>>
      %dma_start3A_760 = tpu.memref_squeeze %dma_start3A_759 : memref<1x256xi32, #tpu.memory_space<vmem>> -> memref<256xi32, #tpu.memory_space<vmem>>
      %dma_start3A_761 = tpu.memref_slice %arg4[%add3A_756] : memref<106497xi32, #tpu.memory_space<hbm>> -> memref<256xi32, #tpu.memory_space<hbm>>
      %dma_start3A_762 = tpu.memref_slice %arg4[%add3A_756] : memref<106497xi32, #tpu.memory_space<hbm>> -> memref<256xi32, #tpu.memory_space<hbm>>
      %dma_start3A_763 = arith.constant 0 : i32
      %dma_start3A_764 = tpu.memref_slice %arg7[%dma_start3A_757, %dma_start3A_763] : memref<16x257xi32, #tpu.memory_space<vmem>> -> memref<1x256xi32, #tpu.memory_space<vmem>>
      %dma_start3A_765 = tpu.memref_squeeze %dma_start3A_764 : memref<1x256xi32, #tpu.memory_space<vmem>> -> memref<256xi32, #tpu.memory_space<vmem>>
      tpu.enqueue_dma source(%dma_start3A_765 : memref<256xi32, #tpu.memory_space<vmem>>) target(%dma_start3A_762 : memref<256xi32, #tpu.memory_space<hbm>>) target_semaphore(%arg10 : memref<!tpu.dma_semaphore, #tpu.memory_space<semaphore_mem>>)
      %mul3A_766 = arith.constant 4096 : i32
      %mul3A_767 = arith.muli %add3A, %mul3A_766 : i32
      %add3A_768 = arith.constant 1536 : i32
      %add3A_769 = arith.addi %mul3A_767, %add3A_768 : i32
      %dma_start3A_770 = arith.constant 6 : i32
      %dma_start3A_771 = arith.constant 0 : i32
      %dma_start3A_772 = tpu.memref_slice %arg7[%dma_start3A_770, %dma_start3A_771] : memref<16x257xi32, #tpu.memory_space<vmem>> -> memref<1x256xi32, #tpu.memory_space<vmem>>
      %dma_start3A_773 = tpu.memref_squeeze %dma_start3A_772 : memref<1x256xi32, #tpu.memory_space<vmem>> -> memref<256xi32, #tpu.memory_space<vmem>>
      %dma_start3A_774 = tpu.memref_slice %arg4[%add3A_769] : memref<106497xi32, #tpu.memory_space<hbm>> -> memref<256xi32, #tpu.memory_space<hbm>>
      %dma_start3A_775 = tpu.memref_slice %arg4[%add3A_769] : memref<106497xi32, #tpu.memory_space<hbm>> -> memref<256xi32, #tpu.memory_space<hbm>>
      %dma_start3A_776 = arith.constant 0 : i32
      %dma_start3A_777 = tpu.memref_slice %arg7[%dma_start3A_770, %dma_start3A_776] : memref<16x257xi32, #tpu.memory_space<vmem>> -> memref<1x256xi32, #tpu.memory_space<vmem>>
      %dma_start3A_778 = tpu.memref_squeeze %dma_start3A_777 : memref<1x256xi32, #tpu.memory_space<vmem>> -> memref<256xi32, #tpu.memory_space<vmem>>
      tpu.enqueue_dma source(%dma_start3A_778 : memref<256xi32, #tpu.memory_space<vmem>>) target(%dma_start3A_775 : memref<256xi32, #tpu.memory_space<hbm>>) target_semaphore(%arg10 : memref<!tpu.dma_semaphore, #tpu.memory_space<semaphore_mem>>)
      %mul3A_779 = arith.constant 4096 : i32
      %mul3A_780 = arith.muli %add3A, %mul3A_779 : i32
      %add3A_781 = arith.constant 1792 : i32
      %add3A_782 = arith.addi %mul3A_780, %add3A_781 : i32
      %dma_start3A_783 = arith.constant 7 : i32
      %dma_start3A_784 = arith.constant 0 : i32
      %dma_start3A_785 = tpu.memref_slice %arg7[%dma_start3A_783, %dma_start3A_784] : memref<16x257xi32, #tpu.memory_space<vmem>> -> memref<1x256xi32, #tpu.memory_space<vmem>>
      %dma_start3A_786 = tpu.memref_squeeze %dma_start3A_785 : memref<1x256xi32, #tpu.memory_space<vmem>> -> memref<256xi32, #tpu.memory_space<vmem>>
      %dma_start3A_787 = tpu.memref_slice %arg4[%add3A_782] : memref<106497xi32, #tpu.memory_space<hbm>> -> memref<256xi32, #tpu.memory_space<hbm>>
      %dma_start3A_788 = tpu.memref_slice %arg4[%add3A_782] : memref<106497xi32, #tpu.memory_space<hbm>> -> memref<256xi32, #tpu.memory_space<hbm>>
      %dma_start3A_789 = arith.constant 0 : i32
      %dma_start3A_790 = tpu.memref_slice %arg7[%dma_start3A_783, %dma_start3A_789] : memref<16x257xi32, #tpu.memory_space<vmem>> -> memref<1x256xi32, #tpu.memory_space<vmem>>
      %dma_start3A_791 = tpu.memref_squeeze %dma_start3A_790 : memref<1x256xi32, #tpu.memory_space<vmem>> -> memref<256xi32, #tpu.memory_space<vmem>>
      tpu.enqueue_dma source(%dma_start3A_791 : memref<256xi32, #tpu.memory_space<vmem>>) target(%dma_start3A_788 : memref<256xi32, #tpu.memory_space<hbm>>) target_semaphore(%arg10 : memref<!tpu.dma_semaphore, #tpu.memory_space<semaphore_mem>>)
      %mul3A_792 = arith.constant 4096 : i32
      %mul3A_793 = arith.muli %add3A, %mul3A_792 : i32
      %add3A_794 = arith.constant 2048 : i32
      %add3A_795 = arith.addi %mul3A_793, %add3A_794 : i32
      %dma_start3A_796 = arith.constant 8 : i32
      %dma_start3A_797 = arith.constant 0 : i32
      %dma_start3A_798 = tpu.memref_slice %arg7[%dma_start3A_796, %dma_start3A_797] : memref<16x257xi32, #tpu.memory_space<vmem>> -> memref<1x256xi32, #tpu.memory_space<vmem>>
      %dma_start3A_799 = tpu.memref_squeeze %dma_start3A_798 : memref<1x256xi32, #tpu.memory_space<vmem>> -> memref<256xi32, #tpu.memory_space<vmem>>
      %dma_start3A_800 = tpu.memref_slice %arg4[%add3A_795] : memref<106497xi32, #tpu.memory_space<hbm>> -> memref<256xi32, #tpu.memory_space<hbm>>
      %dma_start3A_801 = tpu.memref_slice %arg4[%add3A_795] : memref<106497xi32, #tpu.memory_space<hbm>> -> memref<256xi32, #tpu.memory_space<hbm>>
      %dma_start3A_802 = arith.constant 0 : i32
      %dma_start3A_803 = tpu.memref_slice %arg7[%dma_start3A_796, %dma_start3A_802] : memref<16x257xi32, #tpu.memory_space<vmem>> -> memref<1x256xi32, #tpu.memory_space<vmem>>
      %dma_start3A_804 = tpu.memref_squeeze %dma_start3A_803 : memref<1x256xi32, #tpu.memory_space<vmem>> -> memref<256xi32, #tpu.memory_space<vmem>>
      tpu.enqueue_dma source(%dma_start3A_804 : memref<256xi32, #tpu.memory_space<vmem>>) target(%dma_start3A_801 : memref<256xi32, #tpu.memory_space<hbm>>) target_semaphore(%arg10 : memref<!tpu.dma_semaphore, #tpu.memory_space<semaphore_mem>>)
      %mul3A_805 = arith.constant 4096 : i32
      %mul3A_806 = arith.muli %add3A, %mul3A_805 : i32
      %add3A_807 = arith.constant 2304 : i32
      %add3A_808 = arith.addi %mul3A_806, %add3A_807 : i32
      %dma_start3A_809 = arith.constant 9 : i32
      %dma_start3A_810 = arith.constant 0 : i32
      %dma_start3A_811 = tpu.memref_slice %arg7[%dma_start3A_809, %dma_start3A_810] : memref<16x257xi32, #tpu.memory_space<vmem>> -> memref<1x256xi32, #tpu.memory_space<vmem>>
      %dma_start3A_812 = tpu.memref_squeeze %dma_start3A_811 : memref<1x256xi32, #tpu.memory_space<vmem>> -> memref<256xi32, #tpu.memory_space<vmem>>
      %dma_start3A_813 = tpu.memref_slice %arg4[%add3A_808] : memref<106497xi32, #tpu.memory_space<hbm>> -> memref<256xi32, #tpu.memory_space<hbm>>
      %dma_start3A_814 = tpu.memref_slice %arg4[%add3A_808] : memref<106497xi32, #tpu.memory_space<hbm>> -> memref<256xi32, #tpu.memory_space<hbm>>
      %dma_start3A_815 = arith.constant 0 : i32
      %dma_start3A_816 = tpu.memref_slice %arg7[%dma_start3A_809, %dma_start3A_815] : memref<16x257xi32, #tpu.memory_space<vmem>> -> memref<1x256xi32, #tpu.memory_space<vmem>>
      %dma_start3A_817 = tpu.memref_squeeze %dma_start3A_816 : memref<1x256xi32, #tpu.memory_space<vmem>> -> memref<256xi32, #tpu.memory_space<vmem>>
      tpu.enqueue_dma source(%dma_start3A_817 : memref<256xi32, #tpu.memory_space<vmem>>) target(%dma_start3A_814 : memref<256xi32, #tpu.memory_space<hbm>>) target_semaphore(%arg10 : memref<!tpu.dma_semaphore, #tpu.memory_space<semaphore_mem>>)
      %mul3A_818 = arith.constant 4096 : i32
      %mul3A_819 = arith.muli %add3A, %mul3A_818 : i32
      %add3A_820 = arith.constant 2560 : i32
      %add3A_821 = arith.addi %mul3A_819, %add3A_820 : i32
      %dma_start3A_822 = arith.constant 10 : i32
      %dma_start3A_823 = arith.constant 0 : i32
      %dma_start3A_824 = tpu.memref_slice %arg7[%dma_start3A_822, %dma_start3A_823] : memref<16x257xi32, #tpu.memory_space<vmem>> -> memref<1x256xi32, #tpu.memory_space<vmem>>
      %dma_start3A_825 = tpu.memref_squeeze %dma_start3A_824 : memref<1x256xi32, #tpu.memory_space<vmem>> -> memref<256xi32, #tpu.memory_space<vmem>>
      %dma_start3A_826 = tpu.memref_slice %arg4[%add3A_821] : memref<106497xi32, #tpu.memory_space<hbm>> -> memref<256xi32, #tpu.memory_space<hbm>>
      %dma_start3A_827 = tpu.memref_slice %arg4[%add3A_821] : memref<106497xi32, #tpu.memory_space<hbm>> -> memref<256xi32, #tpu.memory_space<hbm>>
      %dma_start3A_828 = arith.constant 0 : i32
      %dma_start3A_829 = tpu.memref_slice %arg7[%dma_start3A_822, %dma_start3A_828] : memref<16x257xi32, #tpu.memory_space<vmem>> -> memref<1x256xi32, #tpu.memory_space<vmem>>
      %dma_start3A_830 = tpu.memref_squeeze %dma_start3A_829 : memref<1x256xi32, #tpu.memory_space<vmem>> -> memref<256xi32, #tpu.memory_space<vmem>>
      tpu.enqueue_dma source(%dma_start3A_830 : memref<256xi32, #tpu.memory_space<vmem>>) target(%dma_start3A_827 : memref<256xi32, #tpu.memory_space<hbm>>) target_semaphore(%arg10 : memref<!tpu.dma_semaphore, #tpu.memory_space<semaphore_mem>>)
      %mul3A_831 = arith.constant 4096 : i32
      %mul3A_832 = arith.muli %add3A, %mul3A_831 : i32
      %add3A_833 = arith.constant 2816 : i32
      %add3A_834 = arith.addi %mul3A_832, %add3A_833 : i32
      %dma_start3A_835 = arith.constant 11 : i32
      %dma_start3A_836 = arith.constant 0 : i32
      %dma_start3A_837 = tpu.memref_slice %arg7[%dma_start3A_835, %dma_start3A_836] : memref<16x257xi32, #tpu.memory_space<vmem>> -> memref<1x256xi32, #tpu.memory_space<vmem>>
      %dma_start3A_838 = tpu.memref_squeeze %dma_start3A_837 : memref<1x256xi32, #tpu.memory_space<vmem>> -> memref<256xi32, #tpu.memory_space<vmem>>
      %dma_start3A_839 = tpu.memref_slice %arg4[%add3A_834] : memref<106497xi32, #tpu.memory_space<hbm>> -> memref<256xi32, #tpu.memory_space<hbm>>
      %dma_start3A_840 = tpu.memref_slice %arg4[%add3A_834] : memref<106497xi32, #tpu.memory_space<hbm>> -> memref<256xi32, #tpu.memory_space<hbm>>
      %dma_start3A_841 = arith.constant 0 : i32
      %dma_start3A_842 = tpu.memref_slice %arg7[%dma_start3A_835, %dma_start3A_841] : memref<16x257xi32, #tpu.memory_space<vmem>> -> memref<1x256xi32, #tpu.memory_space<vmem>>
      %dma_start3A_843 = tpu.memref_squeeze %dma_start3A_842 : memref<1x256xi32, #tpu.memory_space<vmem>> -> memref<256xi32, #tpu.memory_space<vmem>>
      tpu.enqueue_dma source(%dma_start3A_843 : memref<256xi32, #tpu.memory_space<vmem>>) target(%dma_start3A_840 : memref<256xi32, #tpu.memory_space<hbm>>) target_semaphore(%arg10 : memref<!tpu.dma_semaphore, #tpu.memory_space<semaphore_mem>>)
      %mul3A_844 = arith.constant 4096 : i32
      %mul3A_845 = arith.muli %add3A, %mul3A_844 : i32
      %add3A_846 = arith.constant 3072 : i32
      %add3A_847 = arith.addi %mul3A_845, %add3A_846 : i32
      %dma_start3A_848 = arith.constant 12 : i32
      %dma_start3A_849 = arith.constant 0 : i32
      %dma_start3A_850 = tpu.memref_slice %arg7[%dma_start3A_848, %dma_start3A_849] : memref<16x257xi32, #tpu.memory_space<vmem>> -> memref<1x256xi32, #tpu.memory_space<vmem>>
      %dma_start3A_851 = tpu.memref_squeeze %dma_start3A_850 : memref<1x256xi32, #tpu.memory_space<vmem>> -> memref<256xi32, #tpu.memory_space<vmem>>
      %dma_start3A_852 = tpu.memref_slice %arg4[%add3A_847] : memref<106497xi32, #tpu.memory_space<hbm>> -> memref<256xi32, #tpu.memory_space<hbm>>
      %dma_start3A_853 = tpu.memref_slice %arg4[%add3A_847] : memref<106497xi32, #tpu.memory_space<hbm>> -> memref<256xi32, #tpu.memory_space<hbm>>
      %dma_start3A_854 = arith.constant 0 : i32
      %dma_start3A_855 = tpu.memref_slice %arg7[%dma_start3A_848, %dma_start3A_854] : memref<16x257xi32, #tpu.memory_space<vmem>> -> memref<1x256xi32, #tpu.memory_space<vmem>>
      %dma_start3A_856 = tpu.memref_squeeze %dma_start3A_855 : memref<1x256xi32, #tpu.memory_space<vmem>> -> memref<256xi32, #tpu.memory_space<vmem>>
      tpu.enqueue_dma source(%dma_start3A_856 : memref<256xi32, #tpu.memory_space<vmem>>) target(%dma_start3A_853 : memref<256xi32, #tpu.memory_space<hbm>>) target_semaphore(%arg10 : memref<!tpu.dma_semaphore, #tpu.memory_space<semaphore_mem>>)
      %mul3A_857 = arith.constant 4096 : i32
      %mul3A_858 = arith.muli %add3A, %mul3A_857 : i32
      %add3A_859 = arith.constant 3328 : i32
      %add3A_860 = arith.addi %mul3A_858, %add3A_859 : i32
      %dma_start3A_861 = arith.constant 13 : i32
      %dma_start3A_862 = arith.constant 0 : i32
      %dma_start3A_863 = tpu.memref_slice %arg7[%dma_start3A_861, %dma_start3A_862] : memref<16x257xi32, #tpu.memory_space<vmem>> -> memref<1x256xi32, #tpu.memory_space<vmem>>
      %dma_start3A_864 = tpu.memref_squeeze %dma_start3A_863 : memref<1x256xi32, #tpu.memory_space<vmem>> -> memref<256xi32, #tpu.memory_space<vmem>>
      %dma_start3A_865 = tpu.memref_slice %arg4[%add3A_860] : memref<106497xi32, #tpu.memory_space<hbm>> -> memref<256xi32, #tpu.memory_space<hbm>>
      %dma_start3A_866 = tpu.memref_slice %arg4[%add3A_860] : memref<106497xi32, #tpu.memory_space<hbm>> -> memref<256xi32, #tpu.memory_space<hbm>>
      %dma_start3A_867 = arith.constant 0 : i32
      %dma_start3A_868 = tpu.memref_slice %arg7[%dma_start3A_861, %dma_start3A_867] : memref<16x257xi32, #tpu.memory_space<vmem>> -> memref<1x256xi32, #tpu.memory_space<vmem>>
      %dma_start3A_869 = tpu.memref_squeeze %dma_start3A_868 : memref<1x256xi32, #tpu.memory_space<vmem>> -> memref<256xi32, #tpu.memory_space<vmem>>
      tpu.enqueue_dma source(%dma_start3A_869 : memref<256xi32, #tpu.memory_space<vmem>>) target(%dma_start3A_866 : memref<256xi32, #tpu.memory_space<hbm>>) target_semaphore(%arg10 : memref<!tpu.dma_semaphore, #tpu.memory_space<semaphore_mem>>)
      %mul3A_870 = arith.constant 4096 : i32
      %mul3A_871 = arith.muli %add3A, %mul3A_870 : i32
      %add3A_872 = arith.constant 3584 : i32
      %add3A_873 = arith.addi %mul3A_871, %add3A_872 : i32
      %dma_start3A_874 = arith.constant 14 : i32
      %dma_start3A_875 = arith.constant 0 : i32
      %dma_start3A_876 = tpu.memref_slice %arg7[%dma_start3A_874, %dma_start3A_875] : memref<16x257xi32, #tpu.memory_space<vmem>> -> memref<1x256xi32, #tpu.memory_space<vmem>>
      %dma_start3A_877 = tpu.memref_squeeze %dma_start3A_876 : memref<1x256xi32, #tpu.memory_space<vmem>> -> memref<256xi32, #tpu.memory_space<vmem>>
      %dma_start3A_878 = tpu.memref_slice %arg4[%add3A_873] : memref<106497xi32, #tpu.memory_space<hbm>> -> memref<256xi32, #tpu.memory_space<hbm>>
      %dma_start3A_879 = tpu.memref_slice %arg4[%add3A_873] : memref<106497xi32, #tpu.memory_space<hbm>> -> memref<256xi32, #tpu.memory_space<hbm>>
      %dma_start3A_880 = arith.constant 0 : i32
      %dma_start3A_881 = tpu.memref_slice %arg7[%dma_start3A_874, %dma_start3A_880] : memref<16x257xi32, #tpu.memory_space<vmem>> -> memref<1x256xi32, #tpu.memory_space<vmem>>
      %dma_start3A_882 = tpu.memref_squeeze %dma_start3A_881 : memref<1x256xi32, #tpu.memory_space<vmem>> -> memref<256xi32, #tpu.memory_space<vmem>>
      tpu.enqueue_dma source(%dma_start3A_882 : memref<256xi32, #tpu.memory_space<vmem>>) target(%dma_start3A_879 : memref<256xi32, #tpu.memory_space<hbm>>) target_semaphore(%arg10 : memref<!tpu.dma_semaphore, #tpu.memory_space<semaphore_mem>>)
      %mul3A_883 = arith.constant 4096 : i32
      %mul3A_884 = arith.muli %add3A, %mul3A_883 : i32
      %add3A_885 = arith.constant 3840 : i32
      %add3A_886 = arith.addi %mul3A_884, %add3A_885 : i32
      %dma_start3A_887 = arith.constant 15 : i32
      %dma_start3A_888 = arith.constant 0 : i32
      %dma_start3A_889 = tpu.memref_slice %arg7[%dma_start3A_887, %dma_start3A_888] : memref<16x257xi32, #tpu.memory_space<vmem>> -> memref<1x256xi32, #tpu.memory_space<vmem>>
      %dma_start3A_890 = tpu.memref_squeeze %dma_start3A_889 : memref<1x256xi32, #tpu.memory_space<vmem>> -> memref<256xi32, #tpu.memory_space<vmem>>
      %dma_start3A_891 = tpu.memref_slice %arg4[%add3A_886] : memref<106497xi32, #tpu.memory_space<hbm>> -> memref<256xi32, #tpu.memory_space<hbm>>
      %dma_start3A_892 = tpu.memref_slice %arg4[%add3A_886] : memref<106497xi32, #tpu.memory_space<hbm>> -> memref<256xi32, #tpu.memory_space<hbm>>
      %dma_start3A_893 = arith.constant 0 : i32
      %dma_start3A_894 = tpu.memref_slice %arg7[%dma_start3A_887, %dma_start3A_893] : memref<16x257xi32, #tpu.memory_space<vmem>> -> memref<1x256xi32, #tpu.memory_space<vmem>>
      %dma_start3A_895 = tpu.memref_squeeze %dma_start3A_894 : memref<1x256xi32, #tpu.memory_space<vmem>> -> memref<256xi32, #tpu.memory_space<vmem>>
      tpu.enqueue_dma source(%dma_start3A_895 : memref<256xi32, #tpu.memory_space<vmem>>) target(%dma_start3A_892 : memref<256xi32, #tpu.memory_space<hbm>>) target_semaphore(%arg10 : memref<!tpu.dma_semaphore, #tpu.memory_space<semaphore_mem>>)
      %eq3A = arith.constant 25 : i32
      %eq3A_896 = arith.cmpi eq, %add3A, %eq3A : i32
      %convert_element_type3A_897 = arith.extui %eq3A_896 : i1 to i32
      %cond3A_898 = arith.constant 0 : i32
      %cond3A_899 = arith.cmpi ne, %convert_element_type3A_897, %cond3A_898 : i32
      scf.if %cond3A_899 {
        %mul3A_1198 = arith.constant 204800 : i32
        %mul3A_1199 = arith.muli %add3A, %mul3A_1198 : i32
        %add3A_1200 = vector.broadcast %mul3A_1199 : i32 to vector<16xi32>
        %add3A_1201 = arith.addi %gather3A_675, %add3A_1200 : vector<16xi32>
        %swap3A_1202 = arith.constant 0 : index
        %swap3A_1203 = tpu.vector_load %arg8[%swap3A_1202] {strides = array<i32>} : memref<32xi32, #tpu.memory_space<vmem>>, vector<16xi32>,
        tpu.vector_store %arg8[%swap3A_1202], %add3A_1201 {strides = array<i32>} : memref<32xi32, #tpu.memory_space<vmem>>, vector<16xi32>,
        "tpu.region"() ({
          %run_scoped3A = tpu.sem_alloc : memref<!tpu.dma_semaphore, #tpu.memory_space<semaphore_mem>>
          %dma_start3A_1204 = arith.constant 0 : i32
          %dma_start3A_1205 = tpu.memref_slice %arg8[%dma_start3A_1204] : memref<32xi32, #tpu.memory_space<vmem>> -> memref<1xi32, #tpu.memory_space<vmem>>
          %dma_start3A_1206 = arith.constant 106496 : i32
          %dma_start3A_1207 = tpu.memref_slice %arg4[%dma_start3A_1206] : memref<106497xi32, #tpu.memory_space<hbm>> -> memref<1xi32, #tpu.memory_space<hbm>>
          %dma_start3A_1208 = arith.constant 106496 : i32
          %dma_start3A_1209 = tpu.memref_slice %arg4[%dma_start3A_1208] : memref<106497xi32, #tpu.memory_space<hbm>> -> memref<1xi32, #tpu.memory_space<hbm>>
          %dma_start3A_1210 = arith.constant 0 : i32
          %dma_start3A_1211 = tpu.memref_slice %arg8[%dma_start3A_1210] : memref<32xi32, #tpu.memory_space<vmem>> -> memref<1xi32, #tpu.memory_space<vmem>>
          tpu.enqueue_dma source(%dma_start3A_1211 : memref<1xi32, #tpu.memory_space<vmem>>) target(%dma_start3A_1209 : memref<1xi32, #tpu.memory_space<hbm>>) target_semaphore(%run_scoped3A : memref<!tpu.dma_semaphore, #tpu.memory_space<semaphore_mem>>)
          %dma_wait3A_1212 = arith.constant 0 : i32
          %dma_wait3A_1213 = tpu.memref_slice %arg8[%dma_wait3A_1212] : memref<32xi32, #tpu.memory_space<vmem>> -> memref<1xi32, #tpu.memory_space<vmem>>
          %dma_wait3A_1214 = arith.constant 106496 : i32
          %dma_wait3A_1215 = tpu.memref_slice %arg4[%dma_wait3A_1214] : memref<106497xi32, #tpu.memory_space<hbm>> -> memref<1xi32, #tpu.memory_space<hbm>>
          %dma_wait3A_1216 = arith.constant 106496 : i32
          %dma_wait3A_1217 = tpu.memref_slice %arg4[%dma_wait3A_1216] : memref<106497xi32, #tpu.memory_space<hbm>> -> memref<1xi32, #tpu.memory_space<hbm>>
          %dma_wait3A_1218 = arith.constant 0 : i32
          %dma_wait3A_1219 = tpu.memref_slice %arg8[%dma_wait3A_1218] : memref<32xi32, #tpu.memory_space<vmem>> -> memref<1xi32, #tpu.memory_space<vmem>>
          tpu.wait_dma2 semaphore(%run_scoped3A : memref<!tpu.dma_semaphore, #tpu.memory_space<semaphore_mem>>) src(%dma_wait3A_1219 : memref<1xi32, #tpu.memory_space<vmem>>) dst(%dma_wait3A_1217 : memref<1xi32, #tpu.memory_space<hbm>>)
          tpu.yield
        }) : () -> ()
      } else {
      }
      %dma_wait3A_900 = arith.constant 0 : i32
      %dma_wait3A_901 = arith.constant 0 : i32
      %dma_wait3A_902 = tpu.memref_slice %arg7[%dma_wait3A_900, %dma_wait3A_901] : memref<16x257xi32, #tpu.memory_space<vmem>> -> memref<1x256xi32, #tpu.memory_space<vmem>>
      %dma_wait3A_903 = tpu.memref_squeeze %dma_wait3A_902 : memref<1x256xi32, #tpu.memory_space<vmem>> -> memref<256xi32, #tpu.memory_space<vmem>>
      %dma_wait3A_904 = tpu.memref_slice %arg4[%add3A_691] : memref<106497xi32, #tpu.memory_space<hbm>> -> memref<256xi32, #tpu.memory_space<hbm>>
      %dma_wait3A_905 = tpu.memref_slice %arg4[%add3A_691] : memref<106497xi32, #tpu.memory_space<hbm>> -> memref<256xi32, #tpu.memory_space<hbm>>
      %dma_wait3A_906 = arith.constant 0 : i32
      %dma_wait3A_907 = tpu.memref_slice %arg7[%dma_wait3A_900, %dma_wait3A_906] : memref<16x257xi32, #tpu.memory_space<vmem>> -> memref<1x256xi32, #tpu.memory_space<vmem>>
      %dma_wait3A_908 = tpu.memref_squeeze %dma_wait3A_907 : memref<1x256xi32, #tpu.memory_space<vmem>> -> memref<256xi32, #tpu.memory_space<vmem>>
      tpu.wait_dma2 semaphore(%arg10 : memref<!tpu.dma_semaphore, #tpu.memory_space<semaphore_mem>>) src(%dma_wait3A_908 : memref<256xi32, #tpu.memory_space<vmem>>) dst(%dma_wait3A_905 : memref<256xi32, #tpu.memory_space<hbm>>)
      %dma_wait3A_909 = arith.constant 1 : i32
      %dma_wait3A_910 = arith.constant 0 : i32
      %dma_wait3A_911 = tpu.memref_slice %arg7[%dma_wait3A_909, %dma_wait3A_910] : memref<16x257xi32, #tpu.memory_space<vmem>> -> memref<1x256xi32, #tpu.memory_space<vmem>>
      %dma_wait3A_912 = tpu.memref_squeeze %dma_wait3A_911 : memref<1x256xi32, #tpu.memory_space<vmem>> -> memref<256xi32, #tpu.memory_space<vmem>>
      %dma_wait3A_913 = tpu.memref_slice %arg4[%add3A_704] : memref<106497xi32, #tpu.memory_space<hbm>> -> memref<256xi32, #tpu.memory_space<hbm>>
      %dma_wait3A_914 = tpu.memref_slice %arg4[%add3A_704] : memref<106497xi32, #tpu.memory_space<hbm>> -> memref<256xi32, #tpu.memory_space<hbm>>
      %dma_wait3A_915 = arith.constant 0 : i32
      %dma_wait3A_916 = tpu.memref_slice %arg7[%dma_wait3A_909, %dma_wait3A_915] : memref<16x257xi32, #tpu.memory_space<vmem>> -> memref<1x256xi32, #tpu.memory_space<vmem>>
      %dma_wait3A_917 = tpu.memref_squeeze %dma_wait3A_916 : memref<1x256xi32, #tpu.memory_space<vmem>> -> memref<256xi32, #tpu.memory_space<vmem>>
      tpu.wait_dma2 semaphore(%arg10 : memref<!tpu.dma_semaphore, #tpu.memory_space<semaphore_mem>>) src(%dma_wait3A_917 : memref<256xi32, #tpu.memory_space<vmem>>) dst(%dma_wait3A_914 : memref<256xi32, #tpu.memory_space<hbm>>)
      %dma_wait3A_918 = arith.constant 2 : i32
      %dma_wait3A_919 = arith.constant 0 : i32
      %dma_wait3A_920 = tpu.memref_slice %arg7[%dma_wait3A_918, %dma_wait3A_919] : memref<16x257xi32, #tpu.memory_space<vmem>> -> memref<1x256xi32, #tpu.memory_space<vmem>>
      %dma_wait3A_921 = tpu.memref_squeeze %dma_wait3A_920 : memref<1x256xi32, #tpu.memory_space<vmem>> -> memref<256xi32, #tpu.memory_space<vmem>>
      %dma_wait3A_922 = tpu.memref_slice %arg4[%add3A_717] : memref<106497xi32, #tpu.memory_space<hbm>> -> memref<256xi32, #tpu.memory_space<hbm>>
      %dma_wait3A_923 = tpu.memref_slice %arg4[%add3A_717] : memref<106497xi32, #tpu.memory_space<hbm>> -> memref<256xi32, #tpu.memory_space<hbm>>
      %dma_wait3A_924 = arith.constant 0 : i32
      %dma_wait3A_925 = tpu.memref_slice %arg7[%dma_wait3A_918, %dma_wait3A_924] : memref<16x257xi32, #tpu.memory_space<vmem>> -> memref<1x256xi32, #tpu.memory_space<vmem>>
      %dma_wait3A_926 = tpu.memref_squeeze %dma_wait3A_925 : memref<1x256xi32, #tpu.memory_space<vmem>> -> memref<256xi32, #tpu.memory_space<vmem>>
      tpu.wait_dma2 semaphore(%arg10 : memref<!tpu.dma_semaphore, #tpu.memory_space<semaphore_mem>>) src(%dma_wait3A_926 : memref<256xi32, #tpu.memory_space<vmem>>) dst(%dma_wait3A_923 : memref<256xi32, #tpu.memory_space<hbm>>)
      %dma_wait3A_927 = arith.constant 3 : i32
      %dma_wait3A_928 = arith.constant 0 : i32
      %dma_wait3A_929 = tpu.memref_slice %arg7[%dma_wait3A_927, %dma_wait3A_928] : memref<16x257xi32, #tpu.memory_space<vmem>> -> memref<1x256xi32, #tpu.memory_space<vmem>>
      %dma_wait3A_930 = tpu.memref_squeeze %dma_wait3A_929 : memref<1x256xi32, #tpu.memory_space<vmem>> -> memref<256xi32, #tpu.memory_space<vmem>>
      %dma_wait3A_931 = tpu.memref_slice %arg4[%add3A_730] : memref<106497xi32, #tpu.memory_space<hbm>> -> memref<256xi32, #tpu.memory_space<hbm>>
      %dma_wait3A_932 = tpu.memref_slice %arg4[%add3A_730] : memref<106497xi32, #tpu.memory_space<hbm>> -> memref<256xi32, #tpu.memory_space<hbm>>
      %dma_wait3A_933 = arith.constant 0 : i32
      %dma_wait3A_934 = tpu.memref_slice %arg7[%dma_wait3A_927, %dma_wait3A_933] : memref<16x257xi32, #tpu.memory_space<vmem>> -> memref<1x256xi32, #tpu.memory_space<vmem>>
      %dma_wait3A_935 = tpu.memref_squeeze %dma_wait3A_934 : memref<1x256xi32, #tpu.memory_space<vmem>> -> memref<256xi32, #tpu.memory_space<vmem>>
      tpu.wait_dma2 semaphore(%arg10 : memref<!tpu.dma_semaphore, #tpu.memory_space<semaphore_mem>>) src(%dma_wait3A_935 : memref<256xi32, #tpu.memory_space<vmem>>) dst(%dma_wait3A_932 : memref<256xi32, #tpu.memory_space<hbm>>)
      %dma_wait3A_936 = arith.constant 4 : i32
      %dma_wait3A_937 = arith.constant 0 : i32
      %dma_wait3A_938 = tpu.memref_slice %arg7[%dma_wait3A_936, %dma_wait3A_937] : memref<16x257xi32, #tpu.memory_space<vmem>> -> memref<1x256xi32, #tpu.memory_space<vmem>>
      %dma_wait3A_939 = tpu.memref_squeeze %dma_wait3A_938 : memref<1x256xi32, #tpu.memory_space<vmem>> -> memref<256xi32, #tpu.memory_space<vmem>>
      %dma_wait3A_940 = tpu.memref_slice %arg4[%add3A_743] : memref<106497xi32, #tpu.memory_space<hbm>> -> memref<256xi32, #tpu.memory_space<hbm>>
      %dma_wait3A_941 = tpu.memref_slice %arg4[%add3A_743] : memref<106497xi32, #tpu.memory_space<hbm>> -> memref<256xi32, #tpu.memory_space<hbm>>
      %dma_wait3A_942 = arith.constant 0 : i32
      %dma_wait3A_943 = tpu.memref_slice %arg7[%dma_wait3A_936, %dma_wait3A_942] : memref<16x257xi32, #tpu.memory_space<vmem>> -> memref<1x256xi32, #tpu.memory_space<vmem>>
      %dma_wait3A_944 = tpu.memref_squeeze %dma_wait3A_943 : memref<1x256xi32, #tpu.memory_space<vmem>> -> memref<256xi32, #tpu.memory_space<vmem>>
      tpu.wait_dma2 semaphore(%arg10 : memref<!tpu.dma_semaphore, #tpu.memory_space<semaphore_mem>>) src(%dma_wait3A_944 : memref<256xi32, #tpu.memory_space<vmem>>) dst(%dma_wait3A_941 : memref<256xi32, #tpu.memory_space<hbm>>)
      %dma_wait3A_945 = arith.constant 5 : i32
      %dma_wait3A_946 = arith.constant 0 : i32
      %dma_wait3A_947 = tpu.memref_slice %arg7[%dma_wait3A_945, %dma_wait3A_946] : memref<16x257xi32, #tpu.memory_space<vmem>> -> memref<1x256xi32, #tpu.memory_space<vmem>>
      %dma_wait3A_948 = tpu.memref_squeeze %dma_wait3A_947 : memref<1x256xi32, #tpu.memory_space<vmem>> -> memref<256xi32, #tpu.memory_space<vmem>>
      %dma_wait3A_949 = tpu.memref_slice %arg4[%add3A_756] : memref<106497xi32, #tpu.memory_space<hbm>> -> memref<256xi32, #tpu.memory_space<hbm>>
      %dma_wait3A_950 = tpu.memref_slice %arg4[%add3A_756] : memref<106497xi32, #tpu.memory_space<hbm>> -> memref<256xi32, #tpu.memory_space<hbm>>
      %dma_wait3A_951 = arith.constant 0 : i32
      %dma_wait3A_952 = tpu.memref_slice %arg7[%dma_wait3A_945, %dma_wait3A_951] : memref<16x257xi32, #tpu.memory_space<vmem>> -> memref<1x256xi32, #tpu.memory_space<vmem>>
      %dma_wait3A_953 = tpu.memref_squeeze %dma_wait3A_952 : memref<1x256xi32, #tpu.memory_space<vmem>> -> memref<256xi32, #tpu.memory_space<vmem>>
      tpu.wait_dma2 semaphore(%arg10 : memref<!tpu.dma_semaphore, #tpu.memory_space<semaphore_mem>>) src(%dma_wait3A_953 : memref<256xi32, #tpu.memory_space<vmem>>) dst(%dma_wait3A_950 : memref<256xi32, #tpu.memory_space<hbm>>)
      %dma_wait3A_954 = arith.constant 6 : i32
      %dma_wait3A_955 = arith.constant 0 : i32
      %dma_wait3A_956 = tpu.memref_slice %arg7[%dma_wait3A_954, %dma_wait3A_955] : memref<16x257xi32, #tpu.memory_space<vmem>> -> memref<1x256xi32, #tpu.memory_space<vmem>>
      %dma_wait3A_957 = tpu.memref_squeeze %dma_wait3A_956 : memref<1x256xi32, #tpu.memory_space<vmem>> -> memref<256xi32, #tpu.memory_space<vmem>>
      %dma_wait3A_958 = tpu.memref_slice %arg4[%add3A_769] : memref<106497xi32, #tpu.memory_space<hbm>> -> memref<256xi32, #tpu.memory_space<hbm>>
      %dma_wait3A_959 = tpu.memref_slice %arg4[%add3A_769] : memref<106497xi32, #tpu.memory_space<hbm>> -> memref<256xi32, #tpu.memory_space<hbm>>
      %dma_wait3A_960 = arith.constant 0 : i32
      %dma_wait3A_961 = tpu.memref_slice %arg7[%dma_wait3A_954, %dma_wait3A_960] : memref<16x257xi32, #tpu.memory_space<vmem>> -> memref<1x256xi32, #tpu.memory_space<vmem>>
      %dma_wait3A_962 = tpu.memref_squeeze %dma_wait3A_961 : memref<1x256xi32, #tpu.memory_space<vmem>> -> memref<256xi32, #tpu.memory_space<vmem>>
      tpu.wait_dma2 semaphore(%arg10 : memref<!tpu.dma_semaphore, #tpu.memory_space<semaphore_mem>>) src(%dma_wait3A_962 : memref<256xi32, #tpu.memory_space<vmem>>) dst(%dma_wait3A_959 : memref<256xi32, #tpu.memory_space<hbm>>)
      %dma_wait3A_963 = arith.constant 7 : i32
      %dma_wait3A_964 = arith.constant 0 : i32
      %dma_wait3A_965 = tpu.memref_slice %arg7[%dma_wait3A_963, %dma_wait3A_964] : memref<16x257xi32, #tpu.memory_space<vmem>> -> memref<1x256xi32, #tpu.memory_space<vmem>>
      %dma_wait3A_966 = tpu.memref_squeeze %dma_wait3A_965 : memref<1x256xi32, #tpu.memory_space<vmem>> -> memref<256xi32, #tpu.memory_space<vmem>>
      %dma_wait3A_967 = tpu.memref_slice %arg4[%add3A_782] : memref<106497xi32, #tpu.memory_space<hbm>> -> memref<256xi32, #tpu.memory_space<hbm>>
      %dma_wait3A_968 = tpu.memref_slice %arg4[%add3A_782] : memref<106497xi32, #tpu.memory_space<hbm>> -> memref<256xi32, #tpu.memory_space<hbm>>
      %dma_wait3A_969 = arith.constant 0 : i32
      %dma_wait3A_970 = tpu.memref_slice %arg7[%dma_wait3A_963, %dma_wait3A_969] : memref<16x257xi32, #tpu.memory_space<vmem>> -> memref<1x256xi32, #tpu.memory_space<vmem>>
      %dma_wait3A_971 = tpu.memref_squeeze %dma_wait3A_970 : memref<1x256xi32, #tpu.memory_space<vmem>> -> memref<256xi32, #tpu.memory_space<vmem>>
      tpu.wait_dma2 semaphore(%arg10 : memref<!tpu.dma_semaphore, #tpu.memory_space<semaphore_mem>>) src(%dma_wait3A_971 : memref<256xi32, #tpu.memory_space<vmem>>) dst(%dma_wait3A_968 : memref<256xi32, #tpu.memory_space<hbm>>)
      %dma_wait3A_972 = arith.constant 8 : i32
      %dma_wait3A_973 = arith.constant 0 : i32
      %dma_wait3A_974 = tpu.memref_slice %arg7[%dma_wait3A_972, %dma_wait3A_973] : memref<16x257xi32, #tpu.memory_space<vmem>> -> memref<1x256xi32, #tpu.memory_space<vmem>>
      %dma_wait3A_975 = tpu.memref_squeeze %dma_wait3A_974 : memref<1x256xi32, #tpu.memory_space<vmem>> -> memref<256xi32, #tpu.memory_space<vmem>>
      %dma_wait3A_976 = tpu.memref_slice %arg4[%add3A_795] : memref<106497xi32, #tpu.memory_space<hbm>> -> memref<256xi32, #tpu.memory_space<hbm>>
      %dma_wait3A_977 = tpu.memref_slice %arg4[%add3A_795] : memref<106497xi32, #tpu.memory_space<hbm>> -> memref<256xi32, #tpu.memory_space<hbm>>
      %dma_wait3A_978 = arith.constant 0 : i32
      %dma_wait3A_979 = tpu.memref_slice %arg7[%dma_wait3A_972, %dma_wait3A_978] : memref<16x257xi32, #tpu.memory_space<vmem>> -> memref<1x256xi32, #tpu.memory_space<vmem>>
      %dma_wait3A_980 = tpu.memref_squeeze %dma_wait3A_979 : memref<1x256xi32, #tpu.memory_space<vmem>> -> memref<256xi32, #tpu.memory_space<vmem>>
      tpu.wait_dma2 semaphore(%arg10 : memref<!tpu.dma_semaphore, #tpu.memory_space<semaphore_mem>>) src(%dma_wait3A_980 : memref<256xi32, #tpu.memory_space<vmem>>) dst(%dma_wait3A_977 : memref<256xi32, #tpu.memory_space<hbm>>)
      %dma_wait3A_981 = arith.constant 9 : i32
      %dma_wait3A_982 = arith.constant 0 : i32
      %dma_wait3A_983 = tpu.memref_slice %arg7[%dma_wait3A_981, %dma_wait3A_982] : memref<16x257xi32, #tpu.memory_space<vmem>> -> memref<1x256xi32, #tpu.memory_space<vmem>>
      %dma_wait3A_984 = tpu.memref_squeeze %dma_wait3A_983 : memref<1x256xi32, #tpu.memory_space<vmem>> -> memref<256xi32, #tpu.memory_space<vmem>>
      %dma_wait3A_985 = tpu.memref_slice %arg4[%add3A_808] : memref<106497xi32, #tpu.memory_space<hbm>> -> memref<256xi32, #tpu.memory_space<hbm>>
      %dma_wait3A_986 = tpu.memref_slice %arg4[%add3A_808] : memref<106497xi32, #tpu.memory_space<hbm>> -> memref<256xi32, #tpu.memory_space<hbm>>
      %dma_wait3A_987 = arith.constant 0 : i32
      %dma_wait3A_988 = tpu.memref_slice %arg7[%dma_wait3A_981, %dma_wait3A_987] : memref<16x257xi32, #tpu.memory_space<vmem>> -> memref<1x256xi32, #tpu.memory_space<vmem>>
      %dma_wait3A_989 = tpu.memref_squeeze %dma_wait3A_988 : memref<1x256xi32, #tpu.memory_space<vmem>> -> memref<256xi32, #tpu.memory_space<vmem>>
      tpu.wait_dma2 semaphore(%arg10 : memref<!tpu.dma_semaphore, #tpu.memory_space<semaphore_mem>>) src(%dma_wait3A_989 : memref<256xi32, #tpu.memory_space<vmem>>) dst(%dma_wait3A_986 : memref<256xi32, #tpu.memory_space<hbm>>)
      %dma_wait3A_990 = arith.constant 10 : i32
      %dma_wait3A_991 = arith.constant 0 : i32
      %dma_wait3A_992 = tpu.memref_slice %arg7[%dma_wait3A_990, %dma_wait3A_991] : memref<16x257xi32, #tpu.memory_space<vmem>> -> memref<1x256xi32, #tpu.memory_space<vmem>>
      %dma_wait3A_993 = tpu.memref_squeeze %dma_wait3A_992 : memref<1x256xi32, #tpu.memory_space<vmem>> -> memref<256xi32, #tpu.memory_space<vmem>>
      %dma_wait3A_994 = tpu.memref_slice %arg4[%add3A_821] : memref<106497xi32, #tpu.memory_space<hbm>> -> memref<256xi32, #tpu.memory_space<hbm>>
      %dma_wait3A_995 = tpu.memref_slice %arg4[%add3A_821] : memref<106497xi32, #tpu.memory_space<hbm>> -> memref<256xi32, #tpu.memory_space<hbm>>
      %dma_wait3A_996 = arith.constant 0 : i32
      %dma_wait3A_997 = tpu.memref_slice %arg7[%dma_wait3A_990, %dma_wait3A_996] : memref<16x257xi32, #tpu.memory_space<vmem>> -> memref<1x256xi32, #tpu.memory_space<vmem>>
      %dma_wait3A_998 = tpu.memref_squeeze %dma_wait3A_997 : memref<1x256xi32, #tpu.memory_space<vmem>> -> memref<256xi32, #tpu.memory_space<vmem>>
      tpu.wait_dma2 semaphore(%arg10 : memref<!tpu.dma_semaphore, #tpu.memory_space<semaphore_mem>>) src(%dma_wait3A_998 : memref<256xi32, #tpu.memory_space<vmem>>) dst(%dma_wait3A_995 : memref<256xi32, #tpu.memory_space<hbm>>)
      %dma_wait3A_999 = arith.constant 11 : i32
      %dma_wait3A_1000 = arith.constant 0 : i32
      %dma_wait3A_1001 = tpu.memref_slice %arg7[%dma_wait3A_999, %dma_wait3A_1000] : memref<16x257xi32, #tpu.memory_space<vmem>> -> memref<1x256xi32, #tpu.memory_space<vmem>>
      %dma_wait3A_1002 = tpu.memref_squeeze %dma_wait3A_1001 : memref<1x256xi32, #tpu.memory_space<vmem>> -> memref<256xi32, #tpu.memory_space<vmem>>
      %dma_wait3A_1003 = tpu.memref_slice %arg4[%add3A_834] : memref<106497xi32, #tpu.memory_space<hbm>> -> memref<256xi32, #tpu.memory_space<hbm>>
      %dma_wait3A_1004 = tpu.memref_slice %arg4[%add3A_834] : memref<106497xi32, #tpu.memory_space<hbm>> -> memref<256xi32, #tpu.memory_space<hbm>>
      %dma_wait3A_1005 = arith.constant 0 : i32
      %dma_wait3A_1006 = tpu.memref_slice %arg7[%dma_wait3A_999, %dma_wait3A_1005] : memref<16x257xi32, #tpu.memory_space<vmem>> -> memref<1x256xi32, #tpu.memory_space<vmem>>
      %dma_wait3A_1007 = tpu.memref_squeeze %dma_wait3A_1006 : memref<1x256xi32, #tpu.memory_space<vmem>> -> memref<256xi32, #tpu.memory_space<vmem>>
      tpu.wait_dma2 semaphore(%arg10 : memref<!tpu.dma_semaphore, #tpu.memory_space<semaphore_mem>>) src(%dma_wait3A_1007 : memref<256xi32, #tpu.memory_space<vmem>>) dst(%dma_wait3A_1004 : memref<256xi32, #tpu.memory_space<hbm>>)
      %dma_wait3A_1008 = arith.constant 12 : i32
      %dma_wait3A_1009 = arith.constant 0 : i32
      %dma_wait3A_1010 = tpu.memref_slice %arg7[%dma_wait3A_1008, %dma_wait3A_1009] : memref<16x257xi32, #tpu.memory_space<vmem>> -> memref<1x256xi32, #tpu.memory_space<vmem>>
      %dma_wait3A_1011 = tpu.memref_squeeze %dma_wait3A_1010 : memref<1x256xi32, #tpu.memory_space<vmem>> -> memref<256xi32, #tpu.memory_space<vmem>>
      %dma_wait3A_1012 = tpu.memref_slice %arg4[%add3A_847] : memref<106497xi32, #tpu.memory_space<hbm>> -> memref<256xi32, #tpu.memory_space<hbm>>
      %dma_wait3A_1013 = tpu.memref_slice %arg4[%add3A_847] : memref<106497xi32, #tpu.memory_space<hbm>> -> memref<256xi32, #tpu.memory_space<hbm>>
      %dma_wait3A_1014 = arith.constant 0 : i32
      %dma_wait3A_1015 = tpu.memref_slice %arg7[%dma_wait3A_1008, %dma_wait3A_1014] : memref<16x257xi32, #tpu.memory_space<vmem>> -> memref<1x256xi32, #tpu.memory_space<vmem>>
      %dma_wait3A_1016 = tpu.memref_squeeze %dma_wait3A_1015 : memref<1x256xi32, #tpu.memory_space<vmem>> -> memref<256xi32, #tpu.memory_space<vmem>>
      tpu.wait_dma2 semaphore(%arg10 : memref<!tpu.dma_semaphore, #tpu.memory_space<semaphore_mem>>) src(%dma_wait3A_1016 : memref<256xi32, #tpu.memory_space<vmem>>) dst(%dma_wait3A_1013 : memref<256xi32, #tpu.memory_space<hbm>>)
      %dma_wait3A_1017 = arith.constant 13 : i32
      %dma_wait3A_1018 = arith.constant 0 : i32
      %dma_wait3A_1019 = tpu.memref_slice %arg7[%dma_wait3A_1017, %dma_wait3A_1018] : memref<16x257xi32, #tpu.memory_space<vmem>> -> memref<1x256xi32, #tpu.memory_space<vmem>>
      %dma_wait3A_1020 = tpu.memref_squeeze %dma_wait3A_1019 : memref<1x256xi32, #tpu.memory_space<vmem>> -> memref<256xi32, #tpu.memory_space<vmem>>
      %dma_wait3A_1021 = tpu.memref_slice %arg4[%add3A_860] : memref<106497xi32, #tpu.memory_space<hbm>> -> memref<256xi32, #tpu.memory_space<hbm>>
      %dma_wait3A_1022 = tpu.memref_slice %arg4[%add3A_860] : memref<106497xi32, #tpu.memory_space<hbm>> -> memref<256xi32, #tpu.memory_space<hbm>>
      %dma_wait3A_1023 = arith.constant 0 : i32
      %dma_wait3A_1024 = tpu.memref_slice %arg7[%dma_wait3A_1017, %dma_wait3A_1023] : memref<16x257xi32, #tpu.memory_space<vmem>> -> memref<1x256xi32, #tpu.memory_space<vmem>>
      %dma_wait3A_1025 = tpu.memref_squeeze %dma_wait3A_1024 : memref<1x256xi32, #tpu.memory_space<vmem>> -> memref<256xi32, #tpu.memory_space<vmem>>
      tpu.wait_dma2 semaphore(%arg10 : memref<!tpu.dma_semaphore, #tpu.memory_space<semaphore_mem>>) src(%dma_wait3A_1025 : memref<256xi32, #tpu.memory_space<vmem>>) dst(%dma_wait3A_1022 : memref<256xi32, #tpu.memory_space<hbm>>)
      %dma_wait3A_1026 = arith.constant 14 : i32
      %dma_wait3A_1027 = arith.constant 0 : i32
      %dma_wait3A_1028 = tpu.memref_slice %arg7[%dma_wait3A_1026, %dma_wait3A_1027] : memref<16x257xi32, #tpu.memory_space<vmem>> -> memref<1x256xi32, #tpu.memory_space<vmem>>
      %dma_wait3A_1029 = tpu.memref_squeeze %dma_wait3A_1028 : memref<1x256xi32, #tpu.memory_space<vmem>> -> memref<256xi32, #tpu.memory_space<vmem>>
      %dma_wait3A_1030 = tpu.memref_slice %arg4[%add3A_873] : memref<106497xi32, #tpu.memory_space<hbm>> -> memref<256xi32, #tpu.memory_space<hbm>>
      %dma_wait3A_1031 = tpu.memref_slice %arg4[%add3A_873] : memref<106497xi32, #tpu.memory_space<hbm>> -> memref<256xi32, #tpu.memory_space<hbm>>
      %dma_wait3A_1032 = arith.constant 0 : i32
      %dma_wait3A_1033 = tpu.memref_slice %arg7[%dma_wait3A_1026, %dma_wait3A_1032] : memref<16x257xi32, #tpu.memory_space<vmem>> -> memref<1x256xi32, #tpu.memory_space<vmem>>
      %dma_wait3A_1034 = tpu.memref_squeeze %dma_wait3A_1033 : memref<1x256xi32, #tpu.memory_space<vmem>> -> memref<256xi32, #tpu.memory_space<vmem>>
      tpu.wait_dma2 semaphore(%arg10 : memref<!tpu.dma_semaphore, #tpu.memory_space<semaphore_mem>>) src(%dma_wait3A_1034 : memref<256xi32, #tpu.memory_space<vmem>>) dst(%dma_wait3A_1031 : memref<256xi32, #tpu.memory_space<hbm>>)
      %dma_wait3A_1035 = arith.constant 15 : i32
      %dma_wait3A_1036 = arith.constant 0 : i32
      %dma_wait3A_1037 = tpu.memref_slice %arg7[%dma_wait3A_1035, %dma_wait3A_1036] : memref<16x257xi32, #tpu.memory_space<vmem>> -> memref<1x256xi32, #tpu.memory_space<vmem>>
      %dma_wait3A_1038 = tpu.memref_squeeze %dma_wait3A_1037 : memref<1x256xi32, #tpu.memory_space<vmem>> -> memref<256xi32, #tpu.memory_space<vmem>>
      %dma_wait3A_1039 = tpu.memref_slice %arg4[%add3A_886] : memref<106497xi32, #tpu.memory_space<hbm>> -> memref<256xi32, #tpu.memory_space<hbm>>
      %dma_wait3A_1040 = tpu.memref_slice %arg4[%add3A_886] : memref<106497xi32, #tpu.memory_space<hbm>> -> memref<256xi32, #tpu.memory_space<hbm>>
      %dma_wait3A_1041 = arith.constant 0 : i32
      %dma_wait3A_1042 = tpu.memref_slice %arg7[%dma_wait3A_1035, %dma_wait3A_1041] : memref<16x257xi32, #tpu.memory_space<vmem>> -> memref<1x256xi32, #tpu.memory_space<vmem>>
      %dma_wait3A_1043 = tpu.memref_squeeze %dma_wait3A_1042 : memref<1x256xi32, #tpu.memory_space<vmem>> -> memref<256xi32, #tpu.memory_space<vmem>>
      tpu.wait_dma2 semaphore(%arg10 : memref<!tpu.dma_semaphore, #tpu.memory_space<semaphore_mem>>) src(%dma_wait3A_1043 : memref<256xi32, #tpu.memory_space<vmem>>) dst(%dma_wait3A_1040 : memref<256xi32, #tpu.memory_space<hbm>>)
      %dma_wait3A_1044 = arith.constant 0 : i32
      %dma_wait3A_1045 = tpu.memref_slice %arg9[%dma_wait3A_1044] : memref<16xi32, #tpu.memory_space<vmem>> -> memref<1xi32, #tpu.memory_space<vmem>>
      %dma_wait3A_1046 = arith.constant 0 : i32
      %dma_wait3A_1047 = tpu.memref_slice %arg5[%add3A, %dma_wait3A_1046] : memref<26x1xi32, #tpu.memory_space<hbm>> -> memref<1x1xi32, #tpu.memory_space<hbm>>
      %dma_wait3A_1048 = tpu.memref_squeeze %dma_wait3A_1047 : memref<1x1xi32, #tpu.memory_space<hbm>> -> memref<1xi32, #tpu.memory_space<hbm>>
      %dma_wait3A_1049 = arith.constant 0 : i32
      %dma_wait3A_1050 = tpu.memref_slice %arg5[%add3A, %dma_wait3A_1049] : memref<26x1xi32, #tpu.memory_space<hbm>> -> memref<1x1xi32, #tpu.memory_space<hbm>>
      %dma_wait3A_1051 = tpu.memref_squeeze %dma_wait3A_1050 : memref<1x1xi32, #tpu.memory_space<hbm>> -> memref<1xi32, #tpu.memory_space<hbm>>
      %dma_wait3A_1052 = arith.constant 0 : i32
      %dma_wait3A_1053 = tpu.memref_slice %arg9[%dma_wait3A_1052] : memref<16xi32, #tpu.memory_space<vmem>> -> memref<1xi32, #tpu.memory_space<vmem>>
      tpu.wait_dma2 semaphore(%arg10 : memref<!tpu.dma_semaphore, #tpu.memory_space<semaphore_mem>>) src(%dma_wait3A_1053 : memref<1xi32, #tpu.memory_space<vmem>>) dst(%dma_wait3A_1051 : memref<1xi32, #tpu.memory_space<hbm>>)
      %dma_wait3A_1054 = arith.constant 0 : i32
      %dma_wait3A_1055 = arith.constant 0 : i32
      %dma_wait3A_1056 = tpu.memref_slice %arg6[%dma_wait3A_1054, %dma_wait3A_1055] : memref<16x257xi32, #tpu.memory_space<vmem>> -> memref<1x256xi32, #tpu.memory_space<vmem>>
      %dma_wait3A_1057 = tpu.memref_squeeze %dma_wait3A_1056 : memref<1x256xi32, #tpu.memory_space<vmem>> -> memref<256xi32, #tpu.memory_space<vmem>>
      %dma_wait3A_1058 = tpu.memref_slice %arg3[%add3A_420] : memref<106496xi32, #tpu.memory_space<hbm>> -> memref<256xi32, #tpu.memory_space<hbm>>
      %dma_wait3A_1059 = tpu.memref_slice %arg3[%add3A_420] : memref<106496xi32, #tpu.memory_space<hbm>> -> memref<256xi32, #tpu.memory_space<hbm>>
      %dma_wait3A_1060 = arith.constant 0 : i32
      %dma_wait3A_1061 = tpu.memref_slice %arg6[%dma_wait3A_1054, %dma_wait3A_1060] : memref<16x257xi32, #tpu.memory_space<vmem>> -> memref<1x256xi32, #tpu.memory_space<vmem>>
      %dma_wait3A_1062 = tpu.memref_squeeze %dma_wait3A_1061 : memref<1x256xi32, #tpu.memory_space<vmem>> -> memref<256xi32, #tpu.memory_space<vmem>>
      tpu.wait_dma2 semaphore(%arg10 : memref<!tpu.dma_semaphore, #tpu.memory_space<semaphore_mem>>) src(%dma_wait3A_1062 : memref<256xi32, #tpu.memory_space<vmem>>) dst(%dma_wait3A_1059 : memref<256xi32, #tpu.memory_space<hbm>>)
      %dma_wait3A_1063 = arith.constant 1 : i32
      %dma_wait3A_1064 = arith.constant 0 : i32
      %dma_wait3A_1065 = tpu.memref_slice %arg6[%dma_wait3A_1063, %dma_wait3A_1064] : memref<16x257xi32, #tpu.memory_space<vmem>> -> memref<1x256xi32, #tpu.memory_space<vmem>>
      %dma_wait3A_1066 = tpu.memref_squeeze %dma_wait3A_1065 : memref<1x256xi32, #tpu.memory_space<vmem>> -> memref<256xi32, #tpu.memory_space<vmem>>
      %dma_wait3A_1067 = tpu.memref_slice %arg3[%add3A_433] : memref<106496xi32, #tpu.memory_space<hbm>> -> memref<256xi32, #tpu.memory_space<hbm>>
      %dma_wait3A_1068 = tpu.memref_slice %arg3[%add3A_433] : memref<106496xi32, #tpu.memory_space<hbm>> -> memref<256xi32, #tpu.memory_space<hbm>>
      %dma_wait3A_1069 = arith.constant 0 : i32
      %dma_wait3A_1070 = tpu.memref_slice %arg6[%dma_wait3A_1063, %dma_wait3A_1069] : memref<16x257xi32, #tpu.memory_space<vmem>> -> memref<1x256xi32, #tpu.memory_space<vmem>>
      %dma_wait3A_1071 = tpu.memref_squeeze %dma_wait3A_1070 : memref<1x256xi32, #tpu.memory_space<vmem>> -> memref<256xi32, #tpu.memory_space<vmem>>
      tpu.wait_dma2 semaphore(%arg10 : memref<!tpu.dma_semaphore, #tpu.memory_space<semaphore_mem>>) src(%dma_wait3A_1071 : memref<256xi32, #tpu.memory_space<vmem>>) dst(%dma_wait3A_1068 : memref<256xi32, #tpu.memory_space<hbm>>)
      %dma_wait3A_1072 = arith.constant 2 : i32
      %dma_wait3A_1073 = arith.constant 0 : i32
      %dma_wait3A_1074 = tpu.memref_slice %arg6[%dma_wait3A_1072, %dma_wait3A_1073] : memref<16x257xi32, #tpu.memory_space<vmem>> -> memref<1x256xi32, #tpu.memory_space<vmem>>
      %dma_wait3A_1075 = tpu.memref_squeeze %dma_wait3A_1074 : memref<1x256xi32, #tpu.memory_space<vmem>> -> memref<256xi32, #tpu.memory_space<vmem>>
      %dma_wait3A_1076 = tpu.memref_slice %arg3[%add3A_446] : memref<106496xi32, #tpu.memory_space<hbm>> -> memref<256xi32, #tpu.memory_space<hbm>>
      %dma_wait3A_1077 = tpu.memref_slice %arg3[%add3A_446] : memref<106496xi32, #tpu.memory_space<hbm>> -> memref<256xi32, #tpu.memory_space<hbm>>
      %dma_wait3A_1078 = arith.constant 0 : i32
      %dma_wait3A_1079 = tpu.memref_slice %arg6[%dma_wait3A_1072, %dma_wait3A_1078] : memref<16x257xi32, #tpu.memory_space<vmem>> -> memref<1x256xi32, #tpu.memory_space<vmem>>
      %dma_wait3A_1080 = tpu.memref_squeeze %dma_wait3A_1079 : memref<1x256xi32, #tpu.memory_space<vmem>> -> memref<256xi32, #tpu.memory_space<vmem>>
      tpu.wait_dma2 semaphore(%arg10 : memref<!tpu.dma_semaphore, #tpu.memory_space<semaphore_mem>>) src(%dma_wait3A_1080 : memref<256xi32, #tpu.memory_space<vmem>>) dst(%dma_wait3A_1077 : memref<256xi32, #tpu.memory_space<hbm>>)
      %dma_wait3A_1081 = arith.constant 3 : i32
      %dma_wait3A_1082 = arith.constant 0 : i32
      %dma_wait3A_1083 = tpu.memref_slice %arg6[%dma_wait3A_1081, %dma_wait3A_1082] : memref<16x257xi32, #tpu.memory_space<vmem>> -> memref<1x256xi32, #tpu.memory_space<vmem>>
      %dma_wait3A_1084 = tpu.memref_squeeze %dma_wait3A_1083 : memref<1x256xi32, #tpu.memory_space<vmem>> -> memref<256xi32, #tpu.memory_space<vmem>>
      %dma_wait3A_1085 = tpu.memref_slice %arg3[%add3A_459] : memref<106496xi32, #tpu.memory_space<hbm>> -> memref<256xi32, #tpu.memory_space<hbm>>
      %dma_wait3A_1086 = tpu.memref_slice %arg3[%add3A_459] : memref<106496xi32, #tpu.memory_space<hbm>> -> memref<256xi32, #tpu.memory_space<hbm>>
      %dma_wait3A_1087 = arith.constant 0 : i32
      %dma_wait3A_1088 = tpu.memref_slice %arg6[%dma_wait3A_1081, %dma_wait3A_1087] : memref<16x257xi32, #tpu.memory_space<vmem>> -> memref<1x256xi32, #tpu.memory_space<vmem>>
      %dma_wait3A_1089 = tpu.memref_squeeze %dma_wait3A_1088 : memref<1x256xi32, #tpu.memory_space<vmem>> -> memref<256xi32, #tpu.memory_space<vmem>>
      tpu.wait_dma2 semaphore(%arg10 : memref<!tpu.dma_semaphore, #tpu.memory_space<semaphore_mem>>) src(%dma_wait3A_1089 : memref<256xi32, #tpu.memory_space<vmem>>) dst(%dma_wait3A_1086 : memref<256xi32, #tpu.memory_space<hbm>>)
      %dma_wait3A_1090 = arith.constant 4 : i32
      %dma_wait3A_1091 = arith.constant 0 : i32
      %dma_wait3A_1092 = tpu.memref_slice %arg6[%dma_wait3A_1090, %dma_wait3A_1091] : memref<16x257xi32, #tpu.memory_space<vmem>> -> memref<1x256xi32, #tpu.memory_space<vmem>>
      %dma_wait3A_1093 = tpu.memref_squeeze %dma_wait3A_1092 : memref<1x256xi32, #tpu.memory_space<vmem>> -> memref<256xi32, #tpu.memory_space<vmem>>
      %dma_wait3A_1094 = tpu.memref_slice %arg3[%add3A_472] : memref<106496xi32, #tpu.memory_space<hbm>> -> memref<256xi32, #tpu.memory_space<hbm>>
      %dma_wait3A_1095 = tpu.memref_slice %arg3[%add3A_472] : memref<106496xi32, #tpu.memory_space<hbm>> -> memref<256xi32, #tpu.memory_space<hbm>>
      %dma_wait3A_1096 = arith.constant 0 : i32
      %dma_wait3A_1097 = tpu.memref_slice %arg6[%dma_wait3A_1090, %dma_wait3A_1096] : memref<16x257xi32, #tpu.memory_space<vmem>> -> memref<1x256xi32, #tpu.memory_space<vmem>>
      %dma_wait3A_1098 = tpu.memref_squeeze %dma_wait3A_1097 : memref<1x256xi32, #tpu.memory_space<vmem>> -> memref<256xi32, #tpu.memory_space<vmem>>
      tpu.wait_dma2 semaphore(%arg10 : memref<!tpu.dma_semaphore, #tpu.memory_space<semaphore_mem>>) src(%dma_wait3A_1098 : memref<256xi32, #tpu.memory_space<vmem>>) dst(%dma_wait3A_1095 : memref<256xi32, #tpu.memory_space<hbm>>)
      %dma_wait3A_1099 = arith.constant 5 : i32
      %dma_wait3A_1100 = arith.constant 0 : i32
      %dma_wait3A_1101 = tpu.memref_slice %arg6[%dma_wait3A_1099, %dma_wait3A_1100] : memref<16x257xi32, #tpu.memory_space<vmem>> -> memref<1x256xi32, #tpu.memory_space<vmem>>
      %dma_wait3A_1102 = tpu.memref_squeeze %dma_wait3A_1101 : memref<1x256xi32, #tpu.memory_space<vmem>> -> memref<256xi32, #tpu.memory_space<vmem>>
      %dma_wait3A_1103 = tpu.memref_slice %arg3[%add3A_485] : memref<106496xi32, #tpu.memory_space<hbm>> -> memref<256xi32, #tpu.memory_space<hbm>>
      %dma_wait3A_1104 = tpu.memref_slice %arg3[%add3A_485] : memref<106496xi32, #tpu.memory_space<hbm>> -> memref<256xi32, #tpu.memory_space<hbm>>
      %dma_wait3A_1105 = arith.constant 0 : i32
      %dma_wait3A_1106 = tpu.memref_slice %arg6[%dma_wait3A_1099, %dma_wait3A_1105] : memref<16x257xi32, #tpu.memory_space<vmem>> -> memref<1x256xi32, #tpu.memory_space<vmem>>
      %dma_wait3A_1107 = tpu.memref_squeeze %dma_wait3A_1106 : memref<1x256xi32, #tpu.memory_space<vmem>> -> memref<256xi32, #tpu.memory_space<vmem>>
      tpu.wait_dma2 semaphore(%arg10 : memref<!tpu.dma_semaphore, #tpu.memory_space<semaphore_mem>>) src(%dma_wait3A_1107 : memref<256xi32, #tpu.memory_space<vmem>>) dst(%dma_wait3A_1104 : memref<256xi32, #tpu.memory_space<hbm>>)
      %dma_wait3A_1108 = arith.constant 6 : i32
      %dma_wait3A_1109 = arith.constant 0 : i32
      %dma_wait3A_1110 = tpu.memref_slice %arg6[%dma_wait3A_1108, %dma_wait3A_1109] : memref<16x257xi32, #tpu.memory_space<vmem>> -> memref<1x256xi32, #tpu.memory_space<vmem>>
      %dma_wait3A_1111 = tpu.memref_squeeze %dma_wait3A_1110 : memref<1x256xi32, #tpu.memory_space<vmem>> -> memref<256xi32, #tpu.memory_space<vmem>>
      %dma_wait3A_1112 = tpu.memref_slice %arg3[%add3A_498] : memref<106496xi32, #tpu.memory_space<hbm>> -> memref<256xi32, #tpu.memory_space<hbm>>
      %dma_wait3A_1113 = tpu.memref_slice %arg3[%add3A_498] : memref<106496xi32, #tpu.memory_space<hbm>> -> memref<256xi32, #tpu.memory_space<hbm>>
      %dma_wait3A_1114 = arith.constant 0 : i32
      %dma_wait3A_1115 = tpu.memref_slice %arg6[%dma_wait3A_1108, %dma_wait3A_1114] : memref<16x257xi32, #tpu.memory_space<vmem>> -> memref<1x256xi32, #tpu.memory_space<vmem>>
      %dma_wait3A_1116 = tpu.memref_squeeze %dma_wait3A_1115 : memref<1x256xi32, #tpu.memory_space<vmem>> -> memref<256xi32, #tpu.memory_space<vmem>>
      tpu.wait_dma2 semaphore(%arg10 : memref<!tpu.dma_semaphore, #tpu.memory_space<semaphore_mem>>) src(%dma_wait3A_1116 : memref<256xi32, #tpu.memory_space<vmem>>) dst(%dma_wait3A_1113 : memref<256xi32, #tpu.memory_space<hbm>>)
      %dma_wait3A_1117 = arith.constant 7 : i32
      %dma_wait3A_1118 = arith.constant 0 : i32
      %dma_wait3A_1119 = tpu.memref_slice %arg6[%dma_wait3A_1117, %dma_wait3A_1118] : memref<16x257xi32, #tpu.memory_space<vmem>> -> memref<1x256xi32, #tpu.memory_space<vmem>>
      %dma_wait3A_1120 = tpu.memref_squeeze %dma_wait3A_1119 : memref<1x256xi32, #tpu.memory_space<vmem>> -> memref<256xi32, #tpu.memory_space<vmem>>
      %dma_wait3A_1121 = tpu.memref_slice %arg3[%add3A_511] : memref<106496xi32, #tpu.memory_space<hbm>> -> memref<256xi32, #tpu.memory_space<hbm>>
      %dma_wait3A_1122 = tpu.memref_slice %arg3[%add3A_511] : memref<106496xi32, #tpu.memory_space<hbm>> -> memref<256xi32, #tpu.memory_space<hbm>>
      %dma_wait3A_1123 = arith.constant 0 : i32
      %dma_wait3A_1124 = tpu.memref_slice %arg6[%dma_wait3A_1117, %dma_wait3A_1123] : memref<16x257xi32, #tpu.memory_space<vmem>> -> memref<1x256xi32, #tpu.memory_space<vmem>>
      %dma_wait3A_1125 = tpu.memref_squeeze %dma_wait3A_1124 : memref<1x256xi32, #tpu.memory_space<vmem>> -> memref<256xi32, #tpu.memory_space<vmem>>
      tpu.wait_dma2 semaphore(%arg10 : memref<!tpu.dma_semaphore, #tpu.memory_space<semaphore_mem>>) src(%dma_wait3A_1125 : memref<256xi32, #tpu.memory_space<vmem>>) dst(%dma_wait3A_1122 : memref<256xi32, #tpu.memory_space<hbm>>)
      %dma_wait3A_1126 = arith.constant 8 : i32
      %dma_wait3A_1127 = arith.constant 0 : i32
      %dma_wait3A_1128 = tpu.memref_slice %arg6[%dma_wait3A_1126, %dma_wait3A_1127] : memref<16x257xi32, #tpu.memory_space<vmem>> -> memref<1x256xi32, #tpu.memory_space<vmem>>
      %dma_wait3A_1129 = tpu.memref_squeeze %dma_wait3A_1128 : memref<1x256xi32, #tpu.memory_space<vmem>> -> memref<256xi32, #tpu.memory_space<vmem>>
      %dma_wait3A_1130 = tpu.memref_slice %arg3[%add3A_524] : memref<106496xi32, #tpu.memory_space<hbm>> -> memref<256xi32, #tpu.memory_space<hbm>>
      %dma_wait3A_1131 = tpu.memref_slice %arg3[%add3A_524] : memref<106496xi32, #tpu.memory_space<hbm>> -> memref<256xi32, #tpu.memory_space<hbm>>
      %dma_wait3A_1132 = arith.constant 0 : i32
      %dma_wait3A_1133 = tpu.memref_slice %arg6[%dma_wait3A_1126, %dma_wait3A_1132] : memref<16x257xi32, #tpu.memory_space<vmem>> -> memref<1x256xi32, #tpu.memory_space<vmem>>
      %dma_wait3A_1134 = tpu.memref_squeeze %dma_wait3A_1133 : memref<1x256xi32, #tpu.memory_space<vmem>> -> memref<256xi32, #tpu.memory_space<vmem>>
      tpu.wait_dma2 semaphore(%arg10 : memref<!tpu.dma_semaphore, #tpu.memory_space<semaphore_mem>>) src(%dma_wait3A_1134 : memref<256xi32, #tpu.memory_space<vmem>>) dst(%dma_wait3A_1131 : memref<256xi32, #tpu.memory_space<hbm>>)
      %dma_wait3A_1135 = arith.constant 9 : i32
      %dma_wait3A_1136 = arith.constant 0 : i32
      %dma_wait3A_1137 = tpu.memref_slice %arg6[%dma_wait3A_1135, %dma_wait3A_1136] : memref<16x257xi32, #tpu.memory_space<vmem>> -> memref<1x256xi32, #tpu.memory_space<vmem>>
      %dma_wait3A_1138 = tpu.memref_squeeze %dma_wait3A_1137 : memref<1x256xi32, #tpu.memory_space<vmem>> -> memref<256xi32, #tpu.memory_space<vmem>>
      %dma_wait3A_1139 = tpu.memref_slice %arg3[%add3A_537] : memref<106496xi32, #tpu.memory_space<hbm>> -> memref<256xi32, #tpu.memory_space<hbm>>
      %dma_wait3A_1140 = tpu.memref_slice %arg3[%add3A_537] : memref<106496xi32, #tpu.memory_space<hbm>> -> memref<256xi32, #tpu.memory_space<hbm>>
      %dma_wait3A_1141 = arith.constant 0 : i32
      %dma_wait3A_1142 = tpu.memref_slice %arg6[%dma_wait3A_1135, %dma_wait3A_1141] : memref<16x257xi32, #tpu.memory_space<vmem>> -> memref<1x256xi32, #tpu.memory_space<vmem>>
      %dma_wait3A_1143 = tpu.memref_squeeze %dma_wait3A_1142 : memref<1x256xi32, #tpu.memory_space<vmem>> -> memref<256xi32, #tpu.memory_space<vmem>>
      tpu.wait_dma2 semaphore(%arg10 : memref<!tpu.dma_semaphore, #tpu.memory_space<semaphore_mem>>) src(%dma_wait3A_1143 : memref<256xi32, #tpu.memory_space<vmem>>) dst(%dma_wait3A_1140 : memref<256xi32, #tpu.memory_space<hbm>>)
      %dma_wait3A_1144 = arith.constant 10 : i32
      %dma_wait3A_1145 = arith.constant 0 : i32
      %dma_wait3A_1146 = tpu.memref_slice %arg6[%dma_wait3A_1144, %dma_wait3A_1145] : memref<16x257xi32, #tpu.memory_space<vmem>> -> memref<1x256xi32, #tpu.memory_space<vmem>>
      %dma_wait3A_1147 = tpu.memref_squeeze %dma_wait3A_1146 : memref<1x256xi32, #tpu.memory_space<vmem>> -> memref<256xi32, #tpu.memory_space<vmem>>
      %dma_wait3A_1148 = tpu.memref_slice %arg3[%add3A_550] : memref<106496xi32, #tpu.memory_space<hbm>> -> memref<256xi32, #tpu.memory_space<hbm>>
      %dma_wait3A_1149 = tpu.memref_slice %arg3[%add3A_550] : memref<106496xi32, #tpu.memory_space<hbm>> -> memref<256xi32, #tpu.memory_space<hbm>>
      %dma_wait3A_1150 = arith.constant 0 : i32
      %dma_wait3A_1151 = tpu.memref_slice %arg6[%dma_wait3A_1144, %dma_wait3A_1150] : memref<16x257xi32, #tpu.memory_space<vmem>> -> memref<1x256xi32, #tpu.memory_space<vmem>>
      %dma_wait3A_1152 = tpu.memref_squeeze %dma_wait3A_1151 : memref<1x256xi32, #tpu.memory_space<vmem>> -> memref<256xi32, #tpu.memory_space<vmem>>
      tpu.wait_dma2 semaphore(%arg10 : memref<!tpu.dma_semaphore, #tpu.memory_space<semaphore_mem>>) src(%dma_wait3A_1152 : memref<256xi32, #tpu.memory_space<vmem>>) dst(%dma_wait3A_1149 : memref<256xi32, #tpu.memory_space<hbm>>)
      %dma_wait3A_1153 = arith.constant 11 : i32
      %dma_wait3A_1154 = arith.constant 0 : i32
      %dma_wait3A_1155 = tpu.memref_slice %arg6[%dma_wait3A_1153, %dma_wait3A_1154] : memref<16x257xi32, #tpu.memory_space<vmem>> -> memref<1x256xi32, #tpu.memory_space<vmem>>
      %dma_wait3A_1156 = tpu.memref_squeeze %dma_wait3A_1155 : memref<1x256xi32, #tpu.memory_space<vmem>> -> memref<256xi32, #tpu.memory_space<vmem>>
      %dma_wait3A_1157 = tpu.memref_slice %arg3[%add3A_563] : memref<106496xi32, #tpu.memory_space<hbm>> -> memref<256xi32, #tpu.memory_space<hbm>>
      %dma_wait3A_1158 = tpu.memref_slice %arg3[%add3A_563] : memref<106496xi32, #tpu.memory_space<hbm>> -> memref<256xi32, #tpu.memory_space<hbm>>
      %dma_wait3A_1159 = arith.constant 0 : i32
      %dma_wait3A_1160 = tpu.memref_slice %arg6[%dma_wait3A_1153, %dma_wait3A_1159] : memref<16x257xi32, #tpu.memory_space<vmem>> -> memref<1x256xi32, #tpu.memory_space<vmem>>
      %dma_wait3A_1161 = tpu.memref_squeeze %dma_wait3A_1160 : memref<1x256xi32, #tpu.memory_space<vmem>> -> memref<256xi32, #tpu.memory_space<vmem>>
      tpu.wait_dma2 semaphore(%arg10 : memref<!tpu.dma_semaphore, #tpu.memory_space<semaphore_mem>>) src(%dma_wait3A_1161 : memref<256xi32, #tpu.memory_space<vmem>>) dst(%dma_wait3A_1158 : memref<256xi32, #tpu.memory_space<hbm>>)
      %dma_wait3A_1162 = arith.constant 12 : i32
      %dma_wait3A_1163 = arith.constant 0 : i32
      %dma_wait3A_1164 = tpu.memref_slice %arg6[%dma_wait3A_1162, %dma_wait3A_1163] : memref<16x257xi32, #tpu.memory_space<vmem>> -> memref<1x256xi32, #tpu.memory_space<vmem>>
      %dma_wait3A_1165 = tpu.memref_squeeze %dma_wait3A_1164 : memref<1x256xi32, #tpu.memory_space<vmem>> -> memref<256xi32, #tpu.memory_space<vmem>>
      %dma_wait3A_1166 = tpu.memref_slice %arg3[%add3A_576] : memref<106496xi32, #tpu.memory_space<hbm>> -> memref<256xi32, #tpu.memory_space<hbm>>
      %dma_wait3A_1167 = tpu.memref_slice %arg3[%add3A_576] : memref<106496xi32, #tpu.memory_space<hbm>> -> memref<256xi32, #tpu.memory_space<hbm>>
      %dma_wait3A_1168 = arith.constant 0 : i32
      %dma_wait3A_1169 = tpu.memref_slice %arg6[%dma_wait3A_1162, %dma_wait3A_1168] : memref<16x257xi32, #tpu.memory_space<vmem>> -> memref<1x256xi32, #tpu.memory_space<vmem>>
      %dma_wait3A_1170 = tpu.memref_squeeze %dma_wait3A_1169 : memref<1x256xi32, #tpu.memory_space<vmem>> -> memref<256xi32, #tpu.memory_space<vmem>>
      tpu.wait_dma2 semaphore(%arg10 : memref<!tpu.dma_semaphore, #tpu.memory_space<semaphore_mem>>) src(%dma_wait3A_1170 : memref<256xi32, #tpu.memory_space<vmem>>) dst(%dma_wait3A_1167 : memref<256xi32, #tpu.memory_space<hbm>>)
      %dma_wait3A_1171 = arith.constant 13 : i32
      %dma_wait3A_1172 = arith.constant 0 : i32
      %dma_wait3A_1173 = tpu.memref_slice %arg6[%dma_wait3A_1171, %dma_wait3A_1172] : memref<16x257xi32, #tpu.memory_space<vmem>> -> memref<1x256xi32, #tpu.memory_space<vmem>>
      %dma_wait3A_1174 = tpu.memref_squeeze %dma_wait3A_1173 : memref<1x256xi32, #tpu.memory_space<vmem>> -> memref<256xi32, #tpu.memory_space<vmem>>
      %dma_wait3A_1175 = tpu.memref_slice %arg3[%add3A_589] : memref<106496xi32, #tpu.memory_space<hbm>> -> memref<256xi32, #tpu.memory_space<hbm>>
      %dma_wait3A_1176 = tpu.memref_slice %arg3[%add3A_589] : memref<106496xi32, #tpu.memory_space<hbm>> -> memref<256xi32, #tpu.memory_space<hbm>>
      %dma_wait3A_1177 = arith.constant 0 : i32
      %dma_wait3A_1178 = tpu.memref_slice %arg6[%dma_wait3A_1171, %dma_wait3A_1177] : memref<16x257xi32, #tpu.memory_space<vmem>> -> memref<1x256xi32, #tpu.memory_space<vmem>>
      %dma_wait3A_1179 = tpu.memref_squeeze %dma_wait3A_1178 : memref<1x256xi32, #tpu.memory_space<vmem>> -> memref<256xi32, #tpu.memory_space<vmem>>
      tpu.wait_dma2 semaphore(%arg10 : memref<!tpu.dma_semaphore, #tpu.memory_space<semaphore_mem>>) src(%dma_wait3A_1179 : memref<256xi32, #tpu.memory_space<vmem>>) dst(%dma_wait3A_1176 : memref<256xi32, #tpu.memory_space<hbm>>)
      %dma_wait3A_1180 = arith.constant 14 : i32
      %dma_wait3A_1181 = arith.constant 0 : i32
      %dma_wait3A_1182 = tpu.memref_slice %arg6[%dma_wait3A_1180, %dma_wait3A_1181] : memref<16x257xi32, #tpu.memory_space<vmem>> -> memref<1x256xi32, #tpu.memory_space<vmem>>
      %dma_wait3A_1183 = tpu.memref_squeeze %dma_wait3A_1182 : memref<1x256xi32, #tpu.memory_space<vmem>> -> memref<256xi32, #tpu.memory_space<vmem>>
      %dma_wait3A_1184 = tpu.memref_slice %arg3[%add3A_602] : memref<106496xi32, #tpu.memory_space<hbm>> -> memref<256xi32, #tpu.memory_space<hbm>>
      %dma_wait3A_1185 = tpu.memref_slice %arg3[%add3A_602] : memref<106496xi32, #tpu.memory_space<hbm>> -> memref<256xi32, #tpu.memory_space<hbm>>
      %dma_wait3A_1186 = arith.constant 0 : i32
      %dma_wait3A_1187 = tpu.memref_slice %arg6[%dma_wait3A_1180, %dma_wait3A_1186] : memref<16x257xi32, #tpu.memory_space<vmem>> -> memref<1x256xi32, #tpu.memory_space<vmem>>
      %dma_wait3A_1188 = tpu.memref_squeeze %dma_wait3A_1187 : memref<1x256xi32, #tpu.memory_space<vmem>> -> memref<256xi32, #tpu.memory_space<vmem>>
      tpu.wait_dma2 semaphore(%arg10 : memref<!tpu.dma_semaphore, #tpu.memory_space<semaphore_mem>>) src(%dma_wait3A_1188 : memref<256xi32, #tpu.memory_space<vmem>>) dst(%dma_wait3A_1185 : memref<256xi32, #tpu.memory_space<hbm>>)
      %dma_wait3A_1189 = arith.constant 15 : i32
      %dma_wait3A_1190 = arith.constant 0 : i32
      %dma_wait3A_1191 = tpu.memref_slice %arg6[%dma_wait3A_1189, %dma_wait3A_1190] : memref<16x257xi32, #tpu.memory_space<vmem>> -> memref<1x256xi32, #tpu.memory_space<vmem>>
      %dma_wait3A_1192 = tpu.memref_squeeze %dma_wait3A_1191 : memref<1x256xi32, #tpu.memory_space<vmem>> -> memref<256xi32, #tpu.memory_space<vmem>>
      %dma_wait3A_1193 = tpu.memref_slice %arg3[%add3A_615] : memref<106496xi32, #tpu.memory_space<hbm>> -> memref<256xi32, #tpu.memory_space<hbm>>
      %dma_wait3A_1194 = tpu.memref_slice %arg3[%add3A_615] : memref<106496xi32, #tpu.memory_space<hbm>> -> memref<256xi32, #tpu.memory_space<hbm>>
      %dma_wait3A_1195 = arith.constant 0 : i32
      %dma_wait3A_1196 = tpu.memref_slice %arg6[%dma_wait3A_1189, %dma_wait3A_1195] : memref<16x257xi32, #tpu.memory_space<vmem>> -> memref<1x256xi32, #tpu.memory_space<vmem>>
      %dma_wait3A_1197 = tpu.memref_squeeze %dma_wait3A_1196 : memref<1x256xi32, #tpu.memory_space<vmem>> -> memref<256xi32, #tpu.memory_space<vmem>>
      tpu.wait_dma2 semaphore(%arg10 : memref<!tpu.dma_semaphore, #tpu.memory_space<semaphore_mem>>) src(%dma_wait3A_1197 : memref<256xi32, #tpu.memory_space<vmem>>) dst(%dma_wait3A_1194 : memref<256xi32, #tpu.memory_space<hbm>>)
    } else {
    }
    return
  }
}

</mosaic_0001>

<sc_bundles>
// kernel: kernel.3.cloned.1.call-start
scs
__scs_entry_jumppad:
0x0: {  	(pc) =	sbr.rel $0x88, $3  }
0x1: {  	(tag) =	ssettag $0x0;
	lr =	simm.s32 $0x1  }
0x2: {  	[smem:$0x3F9E] =	sst lr;
	_ =	strace $0xD0000000  }
0x3: {  	_ = 	snop  }
0x4: {  	_ = 	snop  }
0x5: {  	_ = 	snop  }
0x6: {  	_ = 	snop  }
0x7: {  	_ = 	snop  }
__scs_overlays_trampoline_lowered:
0x8: {  	[smem:$0x3FAD] =	sst s0  }
0x9: {  	[smem:$0x3FAE] =	sst s1  }
0xa: {  	[smem:$0x3FAF] =	sst s2  }
0xb: {  	[smem:$0x3FB0] =	sst s3  }
0xc: {  	[smem:$0x3FB1] =	sst s4  }
0xd: {  	[smem:$0x3FB2] =	sst s5  }
0xe: {  	[smem:$0x3FB3] =	sst s6  }
0xf: {  	[smem:$0x3FB4] =	sst s7  }
0x10: {  	[smem:$0x3FB5] =	sst s8  }
0x11: {  	[smem:$0x3FB6] =	sst s9;
	s0 =	simm.s32 @!p0 $0x0  }
0x12: {  	s1 =	sld [smem:$0x3F9C];
	s0 =	simm.s32 @p0 $0x1  }
0x13: {  	[smem:$0x3FB7] =	sst s0;
	s0 =	simm.s32 @!p1 $0x0  }
0x14: {  	s2 =	sld [smem:$0x3F9B];
	s0 =	simm.s32 @p1 $0x1  }
0x15: {  	[smem:$0x3FB8] =	sst s0;
	s0 =	simm.s32 @!p2 $0x0  }
0x16: {  	s3 =	sld [smem:$0x3FDB];
	s0 =	simm.s32 @p2 $0x1  }
0x17: {  	s4 =	simm.s32 $0x1BF5;
	[smem:$0x3FBA] =	sst s0  }
0x18: {  	s0 =	sld [smem:$0x3F9D];
	_ =	swait.ge [sflag:s4], $0x0  }
0x19: {  	s7 =	sld [smem:$0x3F9E]  }
0x1a: {  	s8 =	sadd.s32 $0xFFFFE003, lr  }
0x1b: {  	s9 =	sadd.s32 $0xFFFFFEF7, lr;
	s5 =	simm.s32 $0xFFFFFFFF;
	p2 =	slt.u32 s8, $0xFFFFF086  }
0x1c: {  	p1 =	slt.u32 s9, $0xF7A;
	s5 =	simm.s32 @!p2 $0x0  }
0x1d: {  	s5 =	simm.s32 @p1 $0x1;
	p0 =	seq.s32 s7, s2  }
0x1e: {  	s7 =	smul.u32 @!p0 $0xF7A, s2;
	p2 =	seq.s32 @!p0 s5, $0x0  }
0x1f: {  	s9 =	smul.u32 $0xF7A, s1;
	s8 =	simm.s32 @!p0 $0x1BF5;
	p2 =	por !p2, p0  }
0x20: {  	[sflag:s8] =	ssyncset.s32 @!p0 $0xFFFFF086;
	s6 =	sadd.s32 @!p0 s3, s7;
	s7 =	simm.s32 @!p0 $0x108  }
0x21: {  	s3 =	sadd.s32 s3, s9;
	s6 =	sadd.s32 @!p0 $0x88, s6;
	s7 =	simm.s32 @p2 $0x1082  }
0x22: {  	[simem:s7], [sflag:s8] =	dma.local @!p0 [hbm:s6], $0xF7A  }
0x23: {  	s9 =	sor.u32 $0xD0000000, s2;
	s6 =	simm.s32 $0x108;
	_ =	swait.ge @!p0 [sflag:s8], $0x0  }
0x24: {  	s3 =	sadd.s32 $0x88, s3;
	s6 =	simm.s32 @!p1 $0x1082;
	[sflag:s4] =	ssyncset.s32 $0xFFFFF086  }
0x25: {  	[simem:s6], [sflag:s4] =	dma.local [hbm:s3], $0xF7A  }
0x26: {  	[smem:$0x3F9E] =	sst s1;
	(tag) =	ssettag s2;
	_ =	strace s9  }
0x27: {  	s1 =	sld [smem:$0x3FAE]  }
0x28: {  	s2 =	sld [smem:$0x3FAF]  }
0x29: {  	s4 =	sld [smem:$0x3FB1]  }
0x2a: {  	p0 =	seq.s32 s5, $0x0;
	s5 =	sld [smem:$0x3FB2]  }
0x2b: {  	s6 =	sld [smem:$0x3FB3]  }
0x2c: {  	s7 =	sld [smem:$0x3FB4]  }
0x2d: {  	s3 =	simm.s32 $0x108;
	s8 =	sld [smem:$0x3FB5]  }
0x2e: {  	s3 =	simm.s32 @!p0 $0x1082;
	s9 =	sld [smem:$0x3FB6]  }
0x2f: {  	lr =	sadd.s32 s0, s3;
	s0 =	sld [smem:$0x3FAD]  }
0x30: {  	s3 =	sld [smem:$0x3FB0]  }
0x31: {  	[smem:$0x3FB9] =	sst s10  }
0x32: {  	s10 =	sld [smem:$0x3FB7];
	_ =	sdelay $0x3  }
0x33: {  	p0 =	seq.s32 s10, $0x1;
	s10 =	sld [smem:$0x3FB9];
	_ =	sdelay $0x3  }
0x34: {  	[smem:$0x3FB9] =	sst s10  }
0x35: {  	s10 =	sld [smem:$0x3FB8];
	_ =	sdelay $0x3  }
0x36: {  	p1 =	seq.s32 s10, $0x1;
	s10 =	sld [smem:$0x3FB9];
	_ =	sdelay $0x3  }
0x37: {  	[smem:$0x3FB9] =	sst s10  }
0x38: {  	s10 =	sld [smem:$0x3FBA]  }
0x39: {  	_ = 	snop;
	(pc) =	sbr.ind lr, $3  }
0x3a: {  	_ = 	snop  }
0x3b: {  	_ = 	snop  }
0x3c: {  	p2 =	seq.s32 s10, $0x1;
	s10 =	sld [smem:$0x3FB9]  }
0x3d: {  	_ =	shalt  }
0x3e: {  	_ =	shalt  }
0x3f: {  	_ =	shalt  }
0x40: {  	_ =	shalt  }
0x41: {  	_ =	shalt  }
0x42: {  	_ =	shalt  }
0x43: {  	_ =	shalt  }
0x44: {  	_ =	shalt  }
0x45: {  	_ =	shalt  }
0x46: {  	_ =	shalt  }
0x47: {  	_ =	shalt  }
0x48: {  	_ =	shalt  }
0x49: {  	_ =	shalt  }
0x4a: {  	_ =	shalt  }
0x4b: {  	_ =	shalt  }
0x4c: {  	_ =	shalt  }
0x4d: {  	_ =	shalt  }
0x4e: {  	_ =	shalt  }
0x4f: {  	_ =	shalt  }
0x50: {  	_ =	shalt  }
0x51: {  	_ =	shalt  }
0x52: {  	_ =	shalt  }
0x53: {  	_ =	shalt  }
0x54: {  	_ =	shalt  }
0x55: {  	_ =	shalt  }
0x56: {  	_ =	shalt  }
0x57: {  	_ =	shalt  }
0x58: {  	_ =	shalt  }
0x59: {  	_ =	shalt  }
0x5a: {  	_ =	shalt  }
0x5b: {  	_ =	shalt  }
0x5c: {  	_ =	shalt  }
0x5d: {  	_ =	shalt  }
0x5e: {  	_ =	shalt  }
0x5f: {  	_ =	shalt  }
0x60: {  	_ =	shalt  }
0x61: {  	_ =	shalt  }
0x62: {  	_ =	shalt  }
0x63: {  	_ =	shalt  }
0x64: {  	_ =	shalt  }
0x65: {  	_ =	shalt  }
0x66: {  	_ =	shalt  }
0x67: {  	_ =	shalt  }
0x68: {  	_ =	shalt  }
0x69: {  	_ =	shalt  }
0x6a: {  	_ =	shalt  }
0x6b: {  	_ =	shalt  }
0x6c: {  	_ =	shalt  }
0x6d: {  	_ =	shalt  }
0x6e: {  	_ =	shalt  }
0x6f: {  	_ =	shalt  }
0x70: {  	_ =	shalt  }
0x71: {  	_ =	shalt  }
0x72: {  	_ =	shalt  }
0x73: {  	_ =	shalt  }
0x74: {  	_ =	shalt  }
0x75: {  	_ =	shalt  }
0x76: {  	_ =	shalt  }
0x77: {  	_ =	shalt  }
0x78: {  	_ =	shalt  }
0x79: {  	_ =	shalt  }
0x7a: {  	_ =	shalt  }
0x7b: {  	_ =	shalt  }
0x7c: {  	_ =	shalt  }
0x7d: {  	_ =	shalt  }
0x7e: {  	_ =	shalt  }
0x7f: {  	_ =	shalt  }
0x80: {  	_ =	shalt  }
0x81: {  	_ =	shalt  }
0x82: {  	_ =	shalt  }
0x83: {  	_ =	shalt  }
0x84: {  	_ =	shalt  }
0x85: {  	_ =	shalt  }
0x86: {  	_ =	shalt  }
0x87: {  	_ =	shalt  }
.Lfunc_end0:
.L_simem_size_0:
called_computation_lowered:
.L_overlay_start_0:
0x88: {  	s2 =	sld [smem:$0x3FD9]  }
0x89: {  	s3 =	sld [smem:$0x3FFE];
	_ =	sdelay $0x1  }
0x8a: {  	s1 =	srdreg.scid  }
0x8b: {  	s0 =	sand.u32 $0x1, s1  }
0x8c: {  	s14 =	sshll.u32 s0, $0xA;
	s2 =	sadd.s32 s3, s2  }
0x8d: {  	s2 =	sadd.s32 s2, s14  }
0x8e: {  	[smem:$0x3FC5] =	sst s2  }
0x8f: {  	_ = 	snop  }
0x90: {  	s2 =	sld [smem:$0x3FD0];
	_ =	sdelay $0x2  }
0x91: {  	s15 =	simm.s32 $0xA;
	s4 =	simm.s32 $0x10  }
0x92: {  	[smem:s4], [sflag:s15] =	dma.local [hbm:s2], $0x1  }
0x93: {  	_ =	swait.eq [sflag:s15], $0x1  }
0x94: {  	[sflag:s15] =	ssyncset.done $0x0  }
0x95: {  	s16 =	sld [smem:$0x12];
	[sflag:s15] =	ssyncadd.s32 $0xFFFFFFFF  }
0x96: {  	s17 =	sld [smem:$0x13];
	(tm) =	ssettm $0x1  }
0x97: {  	s18 =	sld [smem:$0x3FFB];
	_ =	sdelay $0x3  }
0x98: {  	_ =	strace s18  }
0x99: {  	s4 =	sld [smem:$0x3FFC];
	_ =	sdelay $0x3  }
0x9a: {  	_ =	strace s4  }
0x9b: {  	s4 =	sld [smem:$0x3FFD];
	_ =	sdelay $0x3  }
0x9c: {  	_ =	strace s4  }
0x9d: {  	_ =	strace $0x8FFFFFFF  }
0x9e: {  	s19 =	sld [smem:$0x3FDB];
	_ =	sdelay $0x1  }
0x9f: {  	s5 =	simm.s32 $_scs_section_size  }
0xa0: {  	s6 =	simm.s32 $_size__tile_overlayer_lowered;
	s7 =	simm.s32 $_tile_overlayer_lowered  }
0xa1: {  	s22 =	simm.s32 $0x1BFF;
	s21 =	sshll.u32 s7, $0x1;
	s4 =	sadd.s32 s5, s19  }
0xa2: {  	s8 =	simm.s32 $0x0;
	s20 =	sshll.u32 s6, $0x1;
	s6 =	sadd.s32 s21, s4  }
0xa3: {  	[timem:s8], [sflag:s22] =	dma.local [hbm:s6], s20  }
0xa4: {  	_ =	swait.ge [sflag:s22], s20  }
0xa5: {  	s5 =	ssub.s32 $0x0, s20;
	[sflag:s22] =	ssyncset.done $0x0  }
0xa6: {  	[sflag:s22] =	ssyncadd.s32 s5;
	_ =	sdelay $0x1  }
0xa7: {  	s23 =	simm.s32 $0x1B8B  }
0xa8: {  	_ =	swait.ge [sflag:s23], $0x1  }
0xa9: {  	[sflag:s23] =	ssyncset.done $0x0  }
0xaa: {  	s25 =	simm.s32 $0x1B8E;
	s24 =	sld [smem:$0x3FFE];
	[sflag:s23] =	ssyncadd.s32 $0xFFFFFFFF  }
0xab: {  	s26 =	simm.s32 $execute0_lowered;
	[smem:$0x3FD2] =	sst s25  }
0xac: {  	s6 =	sshll.u32 s26, $0x1;
	_ =	strace $0x80000046;
	[dreg:$0x1] =	wrdreg $0xFFFFFFFF  }
0xad: {  	s28 =	simm.s32 $_size_execute0_lowered;
	s4 =	sadd.s32 s4, s6;
	[dreg:$0x0] =	wrdreg $0x0  }
0xae: {  	s6 =	sshll.u32 s28, $0x1;
	[dreg:$0x2] =	wrdreg s4  }
0xaf: {  	[dreg:$0x3] =	wrdreg s6  }
0xb0: {  	[dreg:$0x4] =	wrdreg $0xC0  }
0xb1: {  	_ =	task [dreg:s8], $0x5FFFF  }
0xb2: {  	[dreg:$0x1] =	wrdreg $0xFFFFFFFF  }
0xb3: {  	[dreg:$0x0] =	wrdreg $0x60  }
0xb4: {  	[dreg:$0x2] =	wrdreg s24  }
0xb5: {  	[dreg:$0x3] =	wrdreg s16  }
0xb6: {  	[dreg:$0x4] =	wrdreg s17  }
0xb7: {  	[dreg:$0x5] =	wrdreg $0x9  }
0xb8: {  	_ =	task.clear_ibuf [dreg:s8], $0x6FFFF;
	_ =	strace $0x90000046  }
0xb9: {  	s29 =	simm.s32 $0x9;
	_ =	strace $0x80000048  }
0xba: {  	_ =	swait.ge [sflag:s29], $0x1  }
0xbb: {  	[sflag:s29] =	ssyncadd.s32 $0xFFFFFFFF  }
0xbc: {  	_ =	strace $0x90000048  }
0xbd: {  	_ =	sfence  }
0xbe: {  	s30 =	sld [smem:$0x0];
	_ =	sdelay $0x2  }
0xbf: {  	s31 =	sshll.u32 s1, $0xD;
	s1 =	sshrl.u32 s1, $0x2  }
0xc0: {  	s3 =	sand.u32 $0x4000, s31;
	s1 =	sadd.s32 s1, s30  }
0xc1: {  	s0 =	sor.u32 s3, s0;
	s1 =	sshll.u32 s1, $0x11  }
0xc2: {  	s0 =	sor.u32 s1, s0  }
0xc3: {  	s0 =	sadd.s32 $0x8F2B, s0  }
0xc4: {  	[sflag:s0] =	ssyncadd.remote.s32 $0x1  }
0xc5: {  	_ =	sfence.sel $0xFFFF  }
0xc6: {  	[dreg:$0x0] =	wrdreg $0xFFFFFFFF;
	(pc) =	sbr.abs _section_cstart, $3  }
0xc7: {  	[dreg:$0x1] =	wrdreg $0xFFFFFFFF  }
0xc8: {  	_ =	task.clear_ibuf [dreg:s8], $0x2FFFF;
	_ =	strace $0x9FFFFFFF  }
0xc9: {  	(tm) =	ssettm $0x7FFFFFFF  }
tec
execute0_lowered:
.L_overlay_start_1:
0x0: {  	(tag) =	ssettag $0x1  }
0x1: {  	s1 =	stileid.u32  }
0x2: {  	p0 =	sgt.u32 s1, $0xC  }
.Ltmp0:
0x3: {  	_ = 	snop;
	(pc) =	sbr.rel @p0 .LBB2_7-.Ltmp0, $4  }
0x4: {  	s4 =	rddreg [dreg:$0x0]  }
0x5: {  	s5 =	rddreg [dreg:$0x1];
	s2 =	simm.s32 $0x0  }
0x6: {  	[smem:$0x7FF] =	sst s2  }
0x7: {  	s0 =	rddreg [dreg:$0x2];
	_ =	strace $0x80000047  }
0x8: {  	s1 =	srdreg.scid;
	s24 =	stileid.u32  }
0x9: {  	s6 =	sand.u32 $0x1, s1;
	s1 =	sshll.u32 s24, $0x1  }
0xa: {  	s7 =	sor.u32 s6, s1;
	s1 =	sadd.s32 $0x2000, s4;
	s6 =	ssub.s32 $0x2, s6  }
0xb: {  	s3 =	sshll.u32 s7, $0x9;
	s8 =	sadd.s32 s7, s4;
	s26 =	sshrl.u32 s6, $0x1  }
0xc: {  	s4 =	sor.u32 $0x20, s3;
	s9 =	sor.u32 $0x40, s3;
	s23 =	sadd.s32 s5, s3  }
0xd: {  	s10 =	sor.u32 $0x60, s3;
	[dreg:$0x4] =	wrdreg s23;
	s25 =	sadd.s32 s5, s4  }
0xe: {  	s11 =	sor.u32 $0x80, s3;
	s24 =	sadd.s32 s5, s9;
	[dreg:$0x5] =	wrdreg s25  }
0xf: {  	s12 =	sor.u32 $0xA0, s3;
	s28 =	sadd.s32 s5, s10;
	[dreg:$0x6] =	wrdreg s24  }
0x10: {  	s15 =	sor.u32 $0x100, s3;
	s29 =	sadd.s32 s5, s11;
	[dreg:$0x7] =	wrdreg s28  }
0x11: {  	s19 =	sor.u32 $0x180, s3;
	s30 =	sadd.s32 s5, s12;
	[dreg:$0x8] =	wrdreg s29  }
0x12: {  	s6 =	ssub.s32 s6, s26;
	s26 =	sadd.s32 s5, s15;
	[dreg:$0x9] =	wrdreg s30  }
0x13: {  	s13 =	sor.u32 $0xC0, s3;
	s23 =	sadd.s32 s1, s19;
	[dreg:$0xc] =	wrdreg s26  }
0x14: {  	s14 =	sor.u32 $0xE0, s3;
	s24 =	sadd.s32 s5, s13;
	[dreg:$0x1a] =	wrdreg s23  }
0x15: {  	s16 =	sor.u32 $0x120, s3;
	s25 =	sadd.s32 s5, s14;
	[dreg:$0xa] =	wrdreg s24  }
0x16: {  	s17 =	sor.u32 $0x140, s3;
	s28 =	sadd.s32 s5, s16;
	[dreg:$0xb] =	wrdreg s25  }
0x17: {  	s18 =	sor.u32 $0x160, s3;
	s29 =	sadd.s32 s5, s17;
	[dreg:$0xd] =	wrdreg s28  }
0x18: {  	s21 =	sor.u32 $0x1C0, s3;
	s30 =	sadd.s32 s5, s18;
	[dreg:$0xe] =	wrdreg s29  }
0x19: {  	s26 =	sadd.s32 s5, s21;
	[dreg:$0xf] =	wrdreg s30  }
0x1a: {  	s23 =	sadd.s32 s1, s12;
	[dreg:$0x12] =	wrdreg s26  }
0x1b: {  	s20 =	sor.u32 $0x1A0, s3;
	s24 =	sadd.s32 s5, s19;
	[smem:$0x7F8] =	sst s23  }
0x1c: {  	s22 =	sor.u32 $0x1E0, s3;
	s25 =	sadd.s32 s5, s20;
	[dreg:$0x10] =	wrdreg s24  }
0x1d: {  	s28 =	sadd.s32 s5, s22;
	[dreg:$0x11] =	wrdreg s25  }
0x1e: {  	s29 =	sadd.s32 $0x5400, s8;
	[dreg:$0x13] =	wrdreg s28  }
0x1f: {  	p0 =	sne.s32 s7, $0x19;
	s30 =	sadd.s32 s0, s21;
	[dreg:$0x14] =	wrdreg s29  }
0x20: {  	s26 =	smul.u32 $0x32000, s7;
	s7 =	sadd.s32 s1, s21;
	[dreg:$0x15] =	wrdreg s30  }
0x21: {  	s8 =	sadd.s32 s0, s20;
	[dreg:$0x16] =	wrdreg s7  }
0x22: {  	s20 =	sadd.s32 s1, s20;
	[dreg:$0x17] =	wrdreg s8  }
0x23: {  	s21 =	sadd.s32 s0, s19;
	[dreg:$0x18] =	wrdreg s20  }
0x24: {  	s19 =	sadd.s32 s0, s13;
	[dreg:$0x19] =	wrdreg s21  }
0x25: {  	s24 =	sadd.s32 s0, s18;
	[smem:$0x7F5] =	sst s19  }
0x26: {  	s25 =	sadd.s32 s1, s18;
	[dreg:$0x1b] =	wrdreg s24  }
0x27: {  	s28 =	sadd.s32 s0, s17;
	[dreg:$0x1c] =	wrdreg s25  }
0x28: {  	s29 =	sadd.s32 s1, s17;
	[dreg:$0x1d] =	wrdreg s28  }
0x29: {  	s30 =	sadd.s32 s0, s16;
	[dreg:$0x1e] =	wrdreg s29  }
0x2a: {  	s31 =	simm.s32 $0x738;
	s7 =	sadd.s32 s1, s16;
	[dreg:$0x1f] =	wrdreg s30  }
0x2b: {  	s23 =	smax.u32 s6, $0x1;
	s8 =	sadd.s32 s0, s15;
	[smem:$0x7F0] =	sst s7  }
0x2c: {  	s5 =	simm.s32 $0xC60;
	s16 =	sadd.s32 s1, s15;
	[smem:$0x7F1] =	sst s8  }
0x2d: {  	s6 =	simm.s32 $0xD68;
	s17 =	sadd.s32 s0, s14;
	[smem:$0x7F2] =	sst s16  }
0x2e: {  	s18 =	sadd.s32 s1, s14;
	s20 =	sadd.s32 s1, s13;
	[smem:$0x7F3] =	sst s17  }
0x2f: {  	s21 =	sadd.s32 s0, s12;
	s15 =	sadd.s32 s1, s9;
	[smem:$0x7F4] =	sst s18  }
0x30: {  	s19 =	sadd.s32 s1, s3;
	s14 =	simm.s32 $0x630;
	[smem:$0x7F6] =	sst s20  }
0x31: {  	[smem:$0x7F7] =	sst s21;
	s24 =	sadd.s32 s0, s11;
	s25 =	sadd.s32 s1, s11  }
0x32: {  	s28 =	sadd.s32 s0, s10;
	s29 =	sadd.s32 s1, s10;
	s30 =	sadd.s32 s0, s9  }
0x33: {  	s16 =	sadd.s32 s0, s4;
	s17 =	sadd.s32 s1, s4;
	s18 =	sadd.s32 s0, s3  }
0x34: {  	v14 =	vlaneseq.u32;
	v0 =	vimm.s32 $0x0;
	vm0 =	vcmask $0x300;
	s20 =	sadd.s32 s1, s22;
	s21 =	sadd.s32 s0, s22;
	s22 =	sadd.s32 $0x3400, s0  }
0x35: {  	v15 =	vimm.s32 $0x1F;
	v1 =	vmul.u32 $0x108, v14;
	v3 =	vsel vm0, $0x3, v0;
	s0 =	simm.s32 $0x840;
	s1 =	simm.s32 $0x948;
	[smem:$0x7F9] =	sst s24  }
0x36: {  	v11 =	vadd.s32 $0xF, v14;
	v12 =	vadd.s32 $0xE, v14;
	v13 =	vadd.s32 $0xC, v14;
	s3 =	simm.s32 $0xA50;
	s4 =	simm.s32 $0xB58;
	[smem:$0x7FA] =	sst s25  }
0x37: {  	v14 =	vadd.s32 $0x8, v14;
	v4 =	vor.u32 $0x1, v1;
	v5 =	vor.u32 $0x2, v1;
	s7 =	simm.s32 $0xE70;
	s8 =	simm.s32 $0xF78;
	[smem:$0x7FB] =	sst s28  }
0x38: {  	v6 =	vor.u32 $0x3, v1;
	v7 =	vor.u32 $0x4, v1;
	v8 =	vor.u32 $0x5, v1;
	s9 =	simm.s32 $0x2100;
	s10 =	simm.s32 $0x0;
	[smem:$0x7FC] =	sst s29  }
0x39: {  	v9 =	vor.u32 $0x6, v1;
	v10 =	vor.u32 $0x7, v1;
	v2 =	vmov s26;
	[smem:$0x7FD] =	sst s30;
	s24 =	simm.s32 $0x1;
	s25 =	simm.s32 $0x1080  }
.LBB2_2:
0x3a: {  	s11 =	simm.s32 $0x0  }
0x3b: {  	[tilespmem:s11], [sflag:$0x1] =	stream.linear.gather [hbm4b:s19+s11], $0x100, $0x38;
	[tilespmem:$0x2130] =	vst v63  }
0x3c: {  	s13 =	simm.s32 $0x108  }
0x3d: {  	[tilespmem:s13], [sflag:$0x1] =	stream.linear.gather [hbm4b:s17+s11], $0x100, $0x38;
	[tilespmem:$0x2130] =	vst v63  }
0x3e: {  	s26 =	simm.s32 $0x210;
	s12 =	sld [smem:$0x7FC]  }
0x3f: {  	[tilespmem:s26], [sflag:$0x1] =	stream.linear.gather [hbm4b:s15+s11], $0x100, $0x38;
	[tilespmem:$0x2130] =	vst v63  }
0x40: {  	s28 =	simm.s32 $0x318;
	s30 =	sld [smem:$0x7FA]  }
0x41: {  	[tilespmem:s28], [sflag:$0x1] =	stream.linear.gather [hbm4b:s12+s11], $0x100, $0x38;
	[tilespmem:$0x2130] =	vst v63  }
0x42: {  	s29 =	simm.s32 $0x420;
	s12 =	sld [smem:$0x7F8]  }
0x43: {  	[tilespmem:s29], [sflag:$0x1] =	stream.linear.gather [hbm4b:s30+s11], $0x100, $0x38;
	[tilespmem:$0x2130] =	vst v63  }
0x44: {  	s30 =	simm.s32 $0x528  }
0x45: {  	[tilespmem:s30], [sflag:$0x1] =	stream.linear.gather [hbm4b:s12+s11], $0x100, $0x38;
	[tilespmem:$0x2130] =	vst v63  }
0x46: {  	s12 =	sld [smem:$0x7F6];
	_ =	sdelay $0x2  }
0x47: {  	[tilespmem:s14], [sflag:$0x1] =	stream.linear.gather [hbm4b:s12+s11], $0x100, $0x38;
	[tilespmem:$0x2130] =	vst v63  }
0x48: {  	s12 =	sld [smem:$0x7F4];
	_ =	sdelay $0x2  }
0x49: {  	[tilespmem:s31], [sflag:$0x1] =	stream.linear.gather [hbm4b:s12+s11], $0x100, $0x38;
	[tilespmem:$0x2130] =	vst v63  }
0x4a: {  	s12 =	sld [smem:$0x7F2];
	_ =	sdelay $0x2  }
0x4b: {  	[tilespmem:s0], [sflag:$0x1] =	stream.linear.gather [hbm4b:s12+s11], $0x100, $0x38;
	[tilespmem:$0x2130] =	vst v63  }
0x4c: {  	s12 =	sld [smem:$0x7F0];
	_ =	sdelay $0x2  }
0x4d: {  	[tilespmem:s1], [sflag:$0x1] =	stream.linear.gather [hbm4b:s12+s11], $0x100, $0x38;
	[tilespmem:$0x2130] =	vst v63  }
0x4e: {  	s12 =	rddreg [dreg:$0x1e]  }
0x4f: {  	[tilespmem:s3], [sflag:$0x1] =	stream.linear.gather [hbm4b:s12+s11], $0x100, $0x38;
	[tilespmem:$0x2130] =	vst v63  }
0x50: {  	s12 =	rddreg [dreg:$0x1c]  }
0x51: {  	[tilespmem:s4], [sflag:$0x1] =	stream.linear.gather [hbm4b:s12+s11], $0x100, $0x38;
	[tilespmem:$0x2130] =	vst v63  }
0x52: {  	s12 =	rddreg [dreg:$0x1a]  }
0x53: {  	[tilespmem:s5], [sflag:$0x1] =	stream.linear.gather [hbm4b:s12+s11], $0x100, $0x38;
	[tilespmem:$0x2130] =	vst v63  }
0x54: {  	s12 =	rddreg [dreg:$0x18]  }
0x55: {  	[tilespmem:s6], [sflag:$0x1] =	stream.linear.gather [hbm4b:s12+s11], $0x100, $0x38;
	[tilespmem:$0x2130] =	vst v63  }
0x56: {  	s12 =	rddreg [dreg:$0x16]  }
0x57: {  	[tilespmem:s7], [sflag:$0x1] =	stream.linear.gather [hbm4b:s12+s11], $0x100, $0x38;
	[tilespmem:$0x2130] =	vst v63  }
0x58: {  	_ = 	snop  }
0x59: {  	[tilespmem:s8], [sflag:$0x1] =	stream.linear.gather [hbm4b:s20+s11], $0x100, $0x38;
	[tilespmem:$0x2130] =	vst v63  }
0x5a: {  	_ =	swait.ge [sflag:s24], $0x100  }
0x5b: {  	[sflag:s24] =	ssyncset.done $0x0  }
0x5c: {  	[sflag:s24] =	ssyncadd.s32 $0xFFFFFF00  }
0x5d: {  	_ =	swait.ge [sflag:s24], $0x100  }
0x5e: {  	[sflag:s24] =	ssyncset.done $0x0  }
0x5f: {  	[sflag:s24] =	ssyncadd.s32 $0xFFFFFF00  }
0x60: {  	_ =	swait.ge [sflag:s24], $0x100  }
0x61: {  	[sflag:s24] =	ssyncset.done $0x0  }
0x62: {  	[sflag:s24] =	ssyncadd.s32 $0xFFFFFF00  }
0x63: {  	_ =	swait.ge [sflag:s24], $0x100  }
0x64: {  	[sflag:s24] =	ssyncset.done $0x0  }
0x65: {  	[sflag:s24] =	ssyncadd.s32 $0xFFFFFF00  }
0x66: {  	_ =	swait.ge [sflag:s24], $0x100  }
0x67: {  	[sflag:s24] =	ssyncset.done $0x0  }
0x68: {  	[sflag:s24] =	ssyncadd.s32 $0xFFFFFF00  }
0x69: {  	_ =	swait.ge [sflag:s24], $0x100  }
0x6a: {  	[sflag:s24] =	ssyncset.done $0x0  }
0x6b: {  	[sflag:s24] =	ssyncadd.s32 $0xFFFFFF00  }
0x6c: {  	_ =	swait.ge [sflag:s24], $0x100  }
0x6d: {  	[sflag:s24] =	ssyncset.done $0x0  }
0x6e: {  	[sflag:s24] =	ssyncadd.s32 $0xFFFFFF00  }
0x6f: {  	_ =	swait.ge [sflag:s24], $0x100  }
0x70: {  	[sflag:s24] =	ssyncset.done $0x0  }
0x71: {  	[sflag:s24] =	ssyncadd.s32 $0xFFFFFF00  }
0x72: {  	_ =	swait.ge [sflag:s24], $0x100  }
0x73: {  	[sflag:s24] =	ssyncset.done $0x0  }
0x74: {  	[sflag:s24] =	ssyncadd.s32 $0xFFFFFF00  }
0x75: {  	_ =	swait.ge [sflag:s24], $0x100  }
0x76: {  	[sflag:s24] =	ssyncset.done $0x0  }
0x77: {  	[sflag:s24] =	ssyncadd.s32 $0xFFFFFF00  }
0x78: {  	_ =	swait.ge [sflag:s24], $0x100  }
0x79: {  	[sflag:s24] =	ssyncset.done $0x0  }
0x7a: {  	[sflag:s24] =	ssyncadd.s32 $0xFFFFFF00  }
0x7b: {  	_ =	swait.ge [sflag:s24], $0x100  }
0x7c: {  	[sflag:s24] =	ssyncset.done $0x0  }
0x7d: {  	[sflag:s24] =	ssyncadd.s32 $0xFFFFFF00  }
0x7e: {  	_ =	swait.ge [sflag:s24], $0x100  }
0x7f: {  	[sflag:s24] =	ssyncset.done $0x0  }
0x80: {  	[sflag:s24] =	ssyncadd.s32 $0xFFFFFF00  }
0x81: {  	_ =	swait.ge [sflag:s24], $0x100  }
0x82: {  	[sflag:s24] =	ssyncset.done $0x0  }
0x83: {  	[sflag:s24] =	ssyncadd.s32 $0xFFFFFF00  }
0x84: {  	_ =	swait.ge [sflag:s24], $0x100  }
0x85: {  	[sflag:s24] =	ssyncset.done $0x0  }
0x86: {  	[sflag:s24] =	ssyncadd.s32 $0xFFFFFF00  }
0x87: {  	_ =	swait.ge [sflag:s24], $0x100  }
0x88: {  	[sflag:s24] =	ssyncset.done $0x0  }
0x89: {  	s12 =	rddreg [dreg:$0x4];
	[sflag:s24] =	ssyncadd.s32 $0xFFFFFF00  }
0x8a: {  	[hbm4b:s12+s11] =	stream.linear.scatter [tilespmem:s11], [sflag:$0x1], $0x100, $0x38;
	[tilespmem:$0x2130] =	vst v63  }
0x8b: {  	s12 =	rddreg [dreg:$0x5]  }
0x8c: {  	[hbm4b:s12+s11] =	stream.linear.scatter [tilespmem:s13], [sflag:$0x1], $0x100, $0x38;
	[tilespmem:$0x2130] =	vst v63  }
0x8d: {  	s13 =	rddreg [dreg:$0x6]  }
0x8e: {  	[hbm4b:s13+s11] =	stream.linear.scatter [tilespmem:s26], [sflag:$0x1], $0x100, $0x38;
	[tilespmem:$0x2130] =	vst v63  }
0x8f: {  	s13 =	rddreg [dreg:$0x7]  }
0x90: {  	[hbm4b:s13+s11] =	stream.linear.scatter [tilespmem:s28], [sflag:$0x1], $0x100, $0x38;
	[tilespmem:$0x2130] =	vst v63  }
0x91: {  	s26 =	rddreg [dreg:$0x8]  }
0x92: {  	[hbm4b:s26+s11] =	stream.linear.scatter [tilespmem:s29], [sflag:$0x1], $0x100, $0x38;
	[tilespmem:$0x2130] =	vst v63  }
0x93: {  	s13 =	rddreg [dreg:$0x9]  }
0x94: {  	[hbm4b:s13+s11] =	stream.linear.scatter [tilespmem:s30], [sflag:$0x1], $0x100, $0x38;
	[tilespmem:$0x2130] =	vst v63  }
0x95: {  	s26 =	rddreg [dreg:$0xa]  }
0x96: {  	[hbm4b:s26+s11] =	stream.linear.scatter [tilespmem:s14], [sflag:$0x1], $0x100, $0x38;
	[tilespmem:$0x2130] =	vst v63  }
0x97: {  	s29 =	rddreg [dreg:$0xb]  }
0x98: {  	[hbm4b:s29+s11] =	stream.linear.scatter [tilespmem:s31], [sflag:$0x1], $0x100, $0x38;
	[tilespmem:$0x2130] =	vst v63  }
0x99: {  	s30 =	rddreg [dreg:$0xc]  }
0x9a: {  	[hbm4b:s30+s11] =	stream.linear.scatter [tilespmem:s0], [sflag:$0x1], $0x100, $0x38;
	[tilespmem:$0x2130] =	vst v63  }
0x9b: {  	s13 =	rddreg [dreg:$0xd]  }
0x9c: {  	[hbm4b:s13+s11] =	stream.linear.scatter [tilespmem:s1], [sflag:$0x1], $0x100, $0x38;
	[tilespmem:$0x2130] =	vst v63  }
0x9d: {  	v16 =	vmov s11;
	s26 =	rddreg [dreg:$0xe]  }
0x9e: {  	v16 =	vshrl.u32 v16, $0x3;
	[hbm4b:s26+s11] =	stream.linear.scatter [tilespmem:s3], [sflag:$0x1], $0x100, $0x38;
	[tilespmem:$0x2130] =	vst v63  }
0x9f: {  	v16 =	vshll.u32 v16, v3;
	s29 =	rddreg [dreg:$0xf]  }
0xa0: {  	v16 =	vbroadcast v16, $0x0;
	[hbm4b:s29+s11] =	stream.linear.scatter [tilespmem:s4], [sflag:$0x1], $0x100, $0x38;
	[tilespmem:$0x2130] =	vst v63  }
0xa1: {  	s28 =	simm.s32 $0xF;
	s30 =	rddreg [dreg:$0x10];
	s29 =	simm.s32 $0xC  }
0xa2: {  	v25 =	vadd.s32 v1, v16;
	[hbm4b:s30+s11] =	stream.linear.scatter [tilespmem:s5], [sflag:$0x1], $0x100, $0x38;
	[tilespmem:$0x2130] =	vst v63  }
0xa3: {  	v26 =	vadd.s32 v4, v16;
	v18 =	vmov s28;
	s28 =	simm.s32 $0xA;
	v19 =	vmov s29;
	s29 =	simm.s32 $0x9;
	s30 =	simm.s32 $0xD  }
0xa4: {  	v27 =	vadd.s32 v5, v16;
	s13 =	simm.s32 $0xE;
	v23 =	vmov s29;
	s29 =	rddreg [dreg:$0x11];
	v20 =	vmov s30;
	s30 =	simm.s32 $0x8  }
0xa5: {  	v28 =	vadd.s32 v6, v16;
	v29 =	vadd.s32 v7, v16;
	v21 =	vmov s28;
	[hbm4b:s29+s11] =	stream.linear.scatter [tilespmem:s6], [sflag:$0x1], $0x100, $0x38;
	[tilespmem:$0x2130] =	vst v63  }
0xa6: {  	v21 =	vshrl.u32 v21, $0x3;
	v17 =	vmov s13;
	s13 =	simm.s32 $0xB;
	v24 =	vmov s30;
	s30 =	rddreg [dreg:$0x12]  }
0xa7: {  	v30 =	vadd.s32 v8, v16;
	v31 =	vadd.s32 v9, v16;
	v21 =	vshll.u32 v21, v3;
	[hbm4b:s30+s11] =	stream.linear.scatter [tilespmem:s7], [sflag:$0x1], $0x100, $0x38;
	[tilespmem:$0x2130] =	vst v63  }
0xa8: {  	v18 =	vshrl.u32 v18, $0x3;
	v21 =	vbroadcast v21, $0x0;
	v22 =	vmov s13;
	s13 =	rddreg [dreg:$0x13]  }
0xa9: {  	v16 =	vadd.s32 v10, v16;
	v18 =	vshll.u32 v18, v3;
	v24 =	vshrl.u32 v24, $0x3;
	[hbm4b:s13+s11] =	stream.linear.scatter [tilespmem:s8], [sflag:$0x1], $0x100, $0x38;
	[tilespmem:$0x2130] =	vst v63  }
0xaa: {  	v21 =	vadd.s32 v5, v21;
	v23 =	vshrl.u32 v23, $0x3;
	v24 =	vshll.u32 v24, v3;
	v25 =	vld.idx.msk [tilespmem:v25+s2+$0x0], $0xffff  }
0xab: {  	v22 =	vshrl.u32 v22, $0x3;
	v23 =	vshll.u32 v23, v3;
	v24 =	vbroadcast v24, $0x0;
	v26 =	vld.idx.msk [tilespmem:v26+s2+$0x0], $0xffff  }
0xac: {  	v17 =	vshrl.u32 v17, $0x3;
	v22 =	vshll.u32 v22, v3;
	v23 =	vbroadcast v23, $0x0;
	v27 =	vld.idx.msk [tilespmem:v27+s2+$0x0], $0xffff  }
0xad: {  	v22 =	vbroadcast v22, $0x0;
	v19 =	vshrl.u32 v19, $0x3;
	v28 =	vld.idx.msk [tilespmem:v28+s2+$0x0], $0xffff;
	v24 =	vadd.s32 v1, v24  }
0xae: {  	v19 =	vshll.u32 v19, v3;
	v20 =	vshrl.u32 v20, $0x3;
	v23 =	vadd.s32 v4, v23;
	v29 =	vld.idx.msk [tilespmem:v29+s2+$0x0], $0xffff  }
0xaf: {  	v17 =	vshll.u32 v17, v3;
	v19 =	vbroadcast v19, $0x0;
	v20 =	vshll.u32 v20, v3;
	v30 =	vld.idx.msk [tilespmem:v30+s2+$0x0], $0xffff  }
0xb0: {  	v32 =	vadd.s32 v6, v22;
	v20 =	vbroadcast v20, $0x0;
	v31 =	vld.idx.msk [tilespmem:v31+s2+$0x0], $0xffff;
	v25 =	vadd.s32 v0, v25  }
0xb1: {  	v33 =	vld.idx.msk [tilespmem:v16+s2+$0x0], $0xffff;
	v22 =	vadd.s32 v26, v25;
	v26 =	vadd.s32 v7, v19;
	v19 =	vbroadcast v17, $0x0  }
0xb2: {  	v34 =	vadd.s32 v8, v20;
	v16 =	vld.idx.msk [tilespmem:v24+s2+$0x0], $0xffff;
	v17 =	vadd.s32 v27, v22;
	v22 =	vbroadcast v18, $0x0  }
0xb3: {  	s30 =	simm.s32 $0x1C;
	v18 =	vadd.s32 v28, v17;
	v17 =	vld.idx.msk [tilespmem:v23+s2+$0x0], $0xffff;
	v20 =	vadd.s32 v9, v19  }
0xb4: {  	s29 =	simm.s32 $0x1F;
	v24 =	vmov s30;
	s30 =	simm.s32 $0x1B;
	v23 =	vadd.s32 v29, v18;
	v18 =	vld.idx.msk [tilespmem:v21+s2+$0x0], $0xffff;
	v22 =	vadd.s32 v10, v22  }
0xb5: {  	s26 =	simm.s32 $0x1E;
	s11 =	simm.s32 $0x10;
	v25 =	vmov s29;
	v27 =	vmov s30;
	v21 =	vadd.s32 v30, v23;
	v23 =	vld.idx.msk [tilespmem:v32+s2+$0x0], $0xffff  }
0xb6: {  	s13 =	simm.s32 $0x1D;
	s29 =	simm.s32 $0x1A;
	v28 =	vmov s11;
	v19 =	vmov s26;
	v30 =	vadd.s32 v31, v21;
	v26 =	vld.idx.msk [tilespmem:v26+s2+$0x0], $0xffff  }
0xb7: {  	s28 =	simm.s32 $0x19;
	s26 =	simm.s32 $0x20;
	v29 =	vmov s13;
	v21 =	vmov s29;
	v31 =	vadd.s32 v33, v30;
	v30 =	vld.idx.msk [tilespmem:v34+s2+$0x0], $0xffff  }
.LBB2_3:
0xb8: {  	p1 =	slt.u32 s26, $0xF0;
	v28 =	vshrl.u32 v28, $0x3;
	s12 =	sadd.s32 $0x8, s11;
	v32 =	vmov s28;
	v16 =	vadd.s32 v16, v31;
	v20 =	vld.idx.msk [tilespmem:v20+s2+$0x0], $0xffff;
	s11 =	smov.u32 s26  }
0xb9: {  	v28 =	vshll.u32 v28, v3;
	v31 =	vmov s12;
	v16 =	vadd.s32 v17, v16;
	v17 =	vld.idx.msk [tilespmem:v22+s2+$0x0], $0xffff  }
0xba: {  	v25 =	vshrl.u32 v25, $0x3;
	v22 =	vbroadcast v28, $0x0;
	v16 =	vadd.s32 v18, v16  }
0xbb: {  	v19 =	vshrl.u32 v19, $0x3;
	v18 =	vshrl.u32 v29, $0x3;
	v16 =	vadd.s32 v23, v16  }
0xbc: {  	v24 =	vshrl.u32 v24, $0x3;
	v23 =	vadd.s32 v1, v22;
	v16 =	vadd.s32 v26, v16  }
0xbd: {  	v27 =	vshrl.u32 v27, $0x3;
	v26 =	vadd.s32 v4, v22;
	v16 =	vadd.s32 v30, v16  }
0xbe: {  	v21 =	vshrl.u32 v21, $0x3;
	v28 =	vadd.s32 v5, v22;
	v16 =	vadd.s32 v20, v16  }
0xbf: {  	v29 =	vshrl.u32 v32, $0x3;
	v20 =	vadd.s32 v6, v22;
	v16 =	vadd.s32 v17, v16  }
0xc0: {  	v25 =	vshll.u32 v25, v3;
	v30 =	vshrl.u32 v31, $0x3;
	v17 =	vadd.s32 v7, v22  }
0xc1: {  	v19 =	vshll.u32 v19, v3;
	v31 =	vadd.s32 v8, v22;
	v30 =	vshll.u32 v30, v3;
	v23 =	vld.idx.msk [tilespmem:v23+s2+$0x0], $0xffff  }
0xc2: {  	v29 =	vshll.u32 v29, v3;
	v32 =	vadd.s32 v9, v22;
	v30 =	vbroadcast v30, $0x0;
	v26 =	vld.idx.msk [tilespmem:v26+s2+$0x0], $0xffff  }
0xc3: {  	v21 =	vshll.u32 v21, v3;
	v29 =	vbroadcast v29, $0x0;
	v22 =	vadd.s32 v10, v22;
	v28 =	vld.idx.msk [tilespmem:v28+s2+$0x0], $0xffff  }
0xc4: {  	v27 =	vshll.u32 v27, v3;
	v21 =	vbroadcast v21, $0x0;
	v30 =	vadd.s32 v1, v30;
	v20 =	vld.idx.msk [tilespmem:v20+s2+$0x0], $0xffff  }
0xc5: {  	v24 =	vshll.u32 v24, v3;
	v27 =	vbroadcast v27, $0x0;
	v33 =	vld.idx.msk [tilespmem:v17+s2+$0x0], $0xffff;
	v17 =	vadd.s32 v4, v29  }
0xc6: {  	v24 =	vbroadcast v24, $0x0;
	v18 =	vshll.u32 v18, v3;
	v21 =	vadd.s32 v5, v21;
	v29 =	vld.idx.msk [tilespmem:v31+s2+$0x0], $0xffff  }
0xc7: {  	v18 =	vbroadcast v18, $0x0;
	v16 =	vadd.s32 v16, v23;
	v23 =	vadd.s32 v6, v27;
	v31 =	vld.idx.msk [tilespmem:v32+s2+$0x0], $0xffff  }
0xc8: {  	v19 =	vbroadcast v19, $0x0;
	v16 =	vadd.s32 v26, v16;
	v26 =	vadd.s32 v7, v24;
	v32 =	vld.idx.msk [tilespmem:v22+s2+$0x0], $0xffff  }
0xc9: {  	v24 =	vbroadcast v25, $0x0;
	v22 =	vadd.s32 v28, v16;
	v16 =	vld.idx.msk [tilespmem:v30+s2+$0x0], $0xffff;
	v30 =	vadd.s32 v8, v18  }
.Ltmp1:
0xca: {  	v18 =	vadd.s32 v20, v22;
	v20 =	vadd.s32 v9, v19;
	v17 =	vld.idx.msk [tilespmem:v17+s2+$0x0], $0xffff;
	(pc) =	sbr.rel @p1 .LBB2_3-.Ltmp1, $4  }
0xcb: {  	s28 =	sadd.s32 $0xF, s26;
	s12 =	sadd.s32 $0xE, s26;
	v28 =	vmov s26;
	v22 =	vadd.s32 v10, v24;
	v27 =	vadd.s32 v33, v18;
	v18 =	vld.idx.msk [tilespmem:v21+s2+$0x0], $0xffff  }
0xcc: {  	s29 =	sadd.s32 $0xC, s26;
	s13 =	sadd.s32 $0xD, s26;
	v25 =	vmov s28;
	v19 =	vmov s12;
	v21 =	vadd.s32 v29, v27;
	v23 =	vld.idx.msk [tilespmem:v23+s2+$0x0], $0xffff  }
0xcd: {  	s30 =	sadd.s32 $0xB, s26;
	s12 =	sadd.s32 $0xA, s26;
	v24 =	vmov s29;
	v29 =	vmov s13;
	v31 =	vadd.s32 v31, v21;
	v26 =	vld.idx.msk [tilespmem:v26+s2+$0x0], $0xffff  }
0xce: {  	s28 =	sadd.s32 $0x9, s11;
	s26 =	sadd.s32 $0x10, s26;
	v27 =	vmov s30;
	v21 =	vmov s12;
	v31 =	vadd.s32 v32, v31;
	v30 =	vld.idx.msk [tilespmem:v30+s2+$0x0], $0xffff  }
0xcf: {  	_ = 	snop  }
0xd0: {  	v28 =	vshrl.u32 v28, $0x3  }
0xd1: {  	v32 =	vmov s28;
	v16 =	vadd.s32 v16, v31;
	v25 =	vshrl.u32 v25, $0x3  }
0xd2: {  	v19 =	vshrl.u32 v19, $0x3;
	v24 =	vshrl.u32 v24, $0x3;
	v28 =	vshll.u32 v28, v3  }
0xd3: {  	s11 =	sadd.s32 $0x8, s11;
	v20 =	vld.idx.msk [tilespmem:v20+s2+$0x0], $0xffff;
	v27 =	vshrl.u32 v27, $0x3;
	v16 =	vadd.s32 v17, v16;
	v17 =	vbroadcast v28, $0x0  }
0xd4: {  	v22 =	vld.idx.msk [tilespmem:v22+s2+$0x0], $0xffff;
	v21 =	vshrl.u32 v21, $0x3;
	v56 =	vmov s11;
	v16 =	vadd.s32 v18, v16  }
0xd5: {  	v58 =	vshrl.u32 v32, $0x3;
	v16 =	vadd.s32 v23, v16;
	v23 =	vadd.s32 v1, v17  }
0xd6: {  	v25 =	vshll.u32 v25, v3;
	v16 =	vadd.s32 v26, v16;
	v57 =	vadd.s32 v4, v17  }
0xd7: {  	v21 =	vshll.u32 v21, v3;
	v28 =	vadd.s32 v5, v17;
	v16 =	vadd.s32 v30, v16  }
0xd8: {  	v19 =	vshll.u32 v19, v3;
	v16 =	vadd.s32 v20, v16;
	v20 =	vadd.s32 v6, v17  }
0xd9: {  	v59 =	vshrl.u32 v56, $0x3;
	v16 =	vadd.s32 v22, v16;
	v22 =	vadd.s32 v7, v17  }
0xda: {  	v18 =	vshrl.u32 v29, $0x3;
	v60 =	vadd.s32 v8, v17;
	v30 =	vshll.u32 v59, v3;
	v23 =	vld.idx.msk [tilespmem:v23+s2+$0x0], $0xffff  }
0xdb: {  	v29 =	vshll.u32 v58, v3;
	v61 =	vadd.s32 v9, v17;
	v30 =	vbroadcast v30, $0x0;
	v26 =	vld.idx.msk [tilespmem:v57+s2+$0x0], $0xffff  }
0xdc: {  	v27 =	vshll.u32 v27, v3;
	v29 =	vbroadcast v29, $0x0;
	v17 =	vadd.s32 v10, v17;
	v28 =	vld.idx.msk [tilespmem:v28+s2+$0x0], $0xffff  }
0xdd: {  	v24 =	vshll.u32 v24, v3;
	v21 =	vbroadcast v21, $0x0;
	v30 =	vadd.s32 v1, v30;
	v20 =	vld.idx.msk [tilespmem:v20+s2+$0x0], $0xffff  }
0xde: {  	v27 =	vbroadcast v27, $0x0;
	v24 =	vbroadcast v24, $0x0;
	v29 =	vadd.s32 v4, v29;
	v22 =	vld.idx.msk [tilespmem:v22+s2+$0x0], $0xffff  }
0xdf: {  	v18 =	vshll.u32 v18, v3;
	v21 =	vadd.s32 v5, v21;
	v31 =	vld.idx.msk [tilespmem:v60+s2+$0x0], $0xffff;
	v16 =	vadd.s32 v16, v23  }
0xe0: {  	v27 =	vadd.s32 v6, v27;
	v18 =	vbroadcast v18, $0x0;
	v23 =	vld.idx.msk [tilespmem:v61+s2+$0x0], $0xffff;
	v16 =	vadd.s32 v26, v16  }
0xe1: {  	v19 =	vbroadcast v19, $0x0;
	v24 =	vadd.s32 v7, v24;
	v17 =	vld.idx.msk [tilespmem:v17+s2+$0x0], $0xffff;
	v16 =	vadd.s32 v28, v16  }
0xe2: {  	v25 =	vbroadcast v25, $0x0;
	v18 =	vadd.s32 v8, v18;
	v62 =	vld.idx.msk [tilespmem:v30+s2+$0x0], $0xffff;
	v16 =	vadd.s32 v20, v16  }
0xe3: {  	v19 =	vadd.s32 v9, v19;
	v20 =	vld.idx.msk [tilespmem:v29+s2+$0x0], $0xffff;
	v16 =	vadd.s32 v22, v16  }
0xe4: {  	v21 =	vld.idx.msk [tilespmem:v21+s2+$0x0], $0xffff;
	v22 =	vadd.s32 v10, v25;
	v16 =	vadd.s32 v31, v16  }
0xe5: {  	v63 =	vld.idx.msk [tilespmem:v27+s2+$0x0], $0xffff;
	v16 =	vadd.s32 v23, v16  }
0xe6: {  	v23 =	vld.idx.msk [tilespmem:v24+s2+$0x0], $0xffff;
	v16 =	vadd.s32 v17, v16  }
0xe7: {  	v17 =	vld.idx.msk [tilespmem:v18+s2+$0x0], $0xffff;
	v16 =	vadd.s32 v62, v16  }
0xe8: {  	v18 =	vld.idx.msk [tilespmem:v19+s2+$0x0], $0xffff;
	v16 =	vadd.s32 v20, v16  }
0xe9: {  	v19 =	vld.idx.msk [tilespmem:v22+s2+$0x0], $0xffff;
	v16 =	vadd.s32 v21, v16  }
0xea: {  	v16 =	vadd.s32 v63, v16  }
0xeb: {  	v16 =	vadd.s32 v23, v16  }
0xec: {  	v16 =	vadd.s32 v17, v16  }
0xed: {  	v16 =	vadd.s32 v18, v16  }
0xee: {  	[tilespmem:$0x2100] =	vst v0;
	v17 =	vadd.s32 v19, v16  }
0xef: {  	[tilespmem:$0x2110] =	vst v17  }
0xf0: {  	v16 =	vld.idx.msk [tilespmem:v11+s9+$0x0], $0xffff;
	_ =	sdelay $0x4  }
0xf1: {  	v16 =	vadd.s32 v17, v16  }
0xf2: {  	[tilespmem:$0x2110] =	vst v16  }
0xf3: {  	v18 =	vld.idx.msk [tilespmem:v12+s9+$0x0], $0xffff;
	_ =	sdelay $0x4  }
0xf4: {  	v16 =	vadd.s32 v16, v18  }
0xf5: {  	s28 =	simm.s32 $0x0;
	[tilespmem:$0x2110] =	vst v16  }
0xf6: {  	v19 =	vmov s28;
	v18 =	vld.idx.msk [tilespmem:v13+s9+$0x0], $0xffff  }
0xf7: {  	v19 =	vshrl.u32 v19, $0x3  }
0xf8: {  	v19 =	vshll.u32 v19, v3  }
0xf9: {  	v19 =	vbroadcast v19, $0x0;
	_ =	sdelay $0x1  }
0xfa: {  	v16 =	vadd.s32 v16, v18;
	v18 =	vadd.s32 v1, v19  }
0xfb: {  	[tilespmem:$0x2110] =	vst v16  }
0xfc: {  	v20 =	vld.idx.msk [tilespmem:v14+s9+$0x0], $0xffff;
	_ =	sdelay $0x2  }
0xfd: {  	v21 =	vadd.s32 v4, v19;
	v22 =	vld.idx.msk [tilespmem:v18+s2+$0x0], $0xffff;
	_ =	sdelay $0x1  }
0xfe: {  	v17 =	vsub.s32 v2, v17;
	v16 =	vadd.s32 v16, v20;
	v20 =	vadd.s32 v5, v19  }
0xff: {  	v17 =	vadd.s32 v16, v17  }
0x100: {  	[tilespmem:v18+s25+$0x0] =	vst.idx.msk $0xffff, v17  }
0x101: {  	v18 =	vld.idx.msk [tilespmem:v21+s2+$0x0], $0xffff;
	v17 =	vadd.s32 v17, v22  }
0x102: {  	[tilespmem:v21+s25+$0x0] =	vst.idx.msk $0xffff, v17  }
0x103: {  	v21 =	vadd.s32 v6, v19;
	v22 =	vld.idx.msk [tilespmem:v20+s2+$0x0], $0xffff;
	_ =	sdelay $0x1  }
0x104: {  	v23 =	vadd.s32 v7, v19  }
0x105: {  	v17 =	vadd.s32 v17, v18  }
0x106: {  	[tilespmem:v20+s25+$0x0] =	vst.idx.msk $0xffff, v17  }
0x107: {  	v18 =	vld.idx.msk [tilespmem:v21+s2+$0x0], $0xffff;
	v17 =	vadd.s32 v17, v22  }
0x108: {  	[tilespmem:v21+s25+$0x0] =	vst.idx.msk $0xffff, v17  }
0x109: {  	v20 =	vadd.s32 v8, v19;
	v21 =	vld.idx.msk [tilespmem:v23+s2+$0x0], $0xffff;
	_ =	sdelay $0x1  }
0x10a: {  	v22 =	vadd.s32 v9, v19  }
0x10b: {  	s29 =	simm.s32 $0x8;
	v17 =	vadd.s32 v17, v18  }
0x10c: {  	v18 =	vmov s29;
	[tilespmem:v23+s25+$0x0] =	vst.idx.msk $0xffff, v17  }
0x10d: {  	v18 =	vshrl.u32 v18, $0x3;
	v23 =	vld.idx.msk [tilespmem:v20+s2+$0x0], $0xffff;
	v17 =	vadd.s32 v17, v21  }
0x10e: {  	v18 =	vshll.u32 v18, v3;
	[tilespmem:v20+s25+$0x0] =	vst.idx.msk $0xffff, v17  }
0x10f: {  	v19 =	vadd.s32 v10, v19;
	v18 =	vbroadcast v18, $0x0;
	v20 =	vld.idx.msk [tilespmem:v22+s2+$0x0], $0xffff  }
0x110: {  	s30 =	simm.s32 $0x9  }
0x111: {  	v21 =	vmov s30;
	v18 =	vadd.s32 v1, v18  }
0x112: {  	s12 =	simm.s32 $0xA;
	v21 =	vshrl.u32 v21, $0x3;
	v17 =	vadd.s32 v17, v23  }
0x113: {  	v21 =	vshll.u32 v21, v3;
	[tilespmem:v22+s25+$0x0] =	vst.idx.msk $0xffff, v17;
	v22 =	vmov s12  }
0x114: {  	v21 =	vbroadcast v21, $0x0;
	v23 =	vld.idx.msk [tilespmem:v19+s2+$0x0], $0xffff;
	v17 =	vadd.s32 v17, v20;
	v20 =	vshrl.u32 v22, $0x3  }
0x115: {  	[tilespmem:v19+s25+$0x0] =	vst.idx.msk $0xffff, v17;
	v19 =	vshll.u32 v20, v3  }
0x116: {  	v20 =	vadd.s32 v4, v21;
	v21 =	vld.idx.msk [tilespmem:v18+s2+$0x0], $0xffff;
	v19 =	vbroadcast v19, $0x0  }
0x117: {  	s13 =	simm.s32 $0xB  }
0x118: {  	v22 =	vmov s13;
	v19 =	vadd.s32 v5, v19  }
0x119: {  	s26 =	simm.s32 $0xC;
	v22 =	vshrl.u32 v22, $0x3;
	v17 =	vadd.s32 v17, v23  }
0x11a: {  	[tilespmem:v18+s25+$0x0] =	vst.idx.msk $0xffff, v17;
	v18 =	vshll.u32 v22, v3;
	v22 =	vmov s26  }
0x11b: {  	v23 =	vld.idx.msk [tilespmem:v20+s2+$0x0], $0xffff;
	v18 =	vbroadcast v18, $0x0;
	v17 =	vadd.s32 v17, v21;
	v21 =	vshrl.u32 v22, $0x3  }
0x11c: {  	[tilespmem:v20+s25+$0x0] =	vst.idx.msk $0xffff, v17;
	v20 =	vshll.u32 v21, v3  }
0x11d: {  	v18 =	vadd.s32 v6, v18;
	v21 =	vld.idx.msk [tilespmem:v19+s2+$0x0], $0xffff;
	v20 =	vbroadcast v20, $0x0  }
0x11e: {  	s28 =	simm.s32 $0xD  }
0x11f: {  	v22 =	vmov s28;
	v20 =	vadd.s32 v7, v20  }
0x120: {  	s29 =	simm.s32 $0xE;
	v22 =	vshrl.u32 v22, $0x3;
	v17 =	vadd.s32 v17, v23  }
0x121: {  	[tilespmem:v19+s25+$0x0] =	vst.idx.msk $0xffff, v17;
	v19 =	vshll.u32 v22, v3;
	v22 =	vmov s29  }
0x122: {  	v23 =	vld.idx.msk [tilespmem:v18+s2+$0x0], $0xffff;
	v19 =	vbroadcast v19, $0x0;
	v17 =	vadd.s32 v17, v21;
	v21 =	vshrl.u32 v22, $0x3  }
0x123: {  	[tilespmem:v18+s25+$0x0] =	vst.idx.msk $0xffff, v17;
	v18 =	vshll.u32 v21, v3  }
0x124: {  	v19 =	vadd.s32 v8, v19;
	v21 =	vld.idx.msk [tilespmem:v20+s2+$0x0], $0xffff;
	v18 =	vbroadcast v18, $0x0  }
0x125: {  	s30 =	simm.s32 $0xF  }
0x126: {  	v22 =	vmov s30;
	v18 =	vadd.s32 v9, v18  }
0x127: {  	v22 =	vshrl.u32 v22, $0x3;
	v17 =	vadd.s32 v17, v23  }
0x128: {  	[tilespmem:v20+s25+$0x0] =	vst.idx.msk $0xffff, v17;
	v20 =	vshll.u32 v22, v3  }
0x129: {  	v22 =	vld.idx.msk [tilespmem:v19+s2+$0x0], $0xffff;
	v20 =	vbroadcast v20, $0x0;
	v17 =	vadd.s32 v17, v21  }
0x12a: {  	s26 =	simm.s32 $0x10;
	[tilespmem:v19+s25+$0x0] =	vst.idx.msk $0xffff, v17  }
0x12b: {  	v23 =	vadd.s32 v10, v20;
	v19 =	vld.idx.msk [tilespmem:v18+s2+$0x0], $0xffff;
	v20 =	vmov s26  }
0x12c: {  	v20 =	vshrl.u32 v20, $0x3  }
0x12d: {  	v20 =	vshll.u32 v20, v3  }
0x12e: {  	v21 =	vadd.s32 v17, v22;
	v17 =	vbroadcast v20, $0x0  }
0x12f: {  	[tilespmem:v18+s25+$0x0] =	vst.idx.msk $0xffff, v21  }
0x130: {  	v20 =	vld.idx.msk [tilespmem:v23+s2+$0x0], $0xffff;
	v21 =	vadd.s32 v21, v19;
	v19 =	vadd.s32 v1, v17;
	_ =	sdelay $0x1  }
0x131: {  	v18 =	vadd.s32 v4, v17;
	_ =	sdelay $0x1  }
0x132: {  	s11 =	simm.s32 $0x20;
	[tilespmem:v23+s25+$0x0] =	vst.idx.msk $0xffff, v21  }
.LBB2_5:
0x133: {  	p1 =	slt.u32 s11, $0xF0;
	v22 =	vld.idx.msk [tilespmem:v19+s2+$0x0], $0xffff;
	v20 =	vadd.s32 v21, v20;
	s28 =	smov.u32 s11;
	s11 =	sadd.s32 $0x10, s11  }
0x134: {  	[tilespmem:v19+s25+$0x0] =	vst.idx.msk $0xffff, v20  }
0x135: {  	v19 =	vld.idx.msk [tilespmem:v18+s2+$0x0], $0xffff  }
0x136: {  	v21 =	vadd.s32 v5, v17;
	_ =	sdelay $0x1  }
0x137: {  	v23 =	vadd.s32 v6, v17  }
0x138: {  	v20 =	vadd.s32 v20, v22  }
0x139: {  	[tilespmem:v18+s25+$0x0] =	vst.idx.msk $0xffff, v20  }
0x13a: {  	v18 =	vadd.s32 v20, v19;
	v19 =	vld.idx.msk [tilespmem:v21+s2+$0x0], $0xffff  }
0x13b: {  	[tilespmem:v21+s25+$0x0] =	vst.idx.msk $0xffff, v18  }
0x13c: {  	v20 =	vld.idx.msk [tilespmem:v23+s2+$0x0], $0xffff  }
0x13d: {  	v21 =	vadd.s32 v7, v17;
	_ =	sdelay $0x1  }
0x13e: {  	v22 =	vadd.s32 v8, v17  }
0x13f: {  	v18 =	vadd.s32 v18, v19  }
0x140: {  	[tilespmem:v23+s25+$0x0] =	vst.idx.msk $0xffff, v18  }
0x141: {  	v18 =	vadd.s32 v18, v20;
	v19 =	vld.idx.msk [tilespmem:v21+s2+$0x0], $0xffff  }
0x142: {  	[tilespmem:v21+s25+$0x0] =	vst.idx.msk $0xffff, v18  }
0x143: {  	v20 =	vld.idx.msk [tilespmem:v22+s2+$0x0], $0xffff  }
0x144: {  	v21 =	vadd.s32 v9, v17;
	_ =	sdelay $0x1  }
0x145: {  	s12 =	sadd.s32 $0x8, s26;
	v17 =	vadd.s32 v10, v17  }
0x146: {  	v18 =	vadd.s32 v18, v19;
	v19 =	vmov s12  }
0x147: {  	s12 =	sadd.s32 $0x9, s26;
	v19 =	vshrl.u32 v19, $0x3;
	[tilespmem:v22+s25+$0x0] =	vst.idx.msk $0xffff, v18  }
0x148: {  	v18 =	vadd.s32 v18, v20;
	v19 =	vshll.u32 v19, v3;
	v22 =	vmov s12;
	v20 =	vld.idx.msk [tilespmem:v21+s2+$0x0], $0xffff  }
0x149: {  	v19 =	vbroadcast v19, $0x0;
	[tilespmem:v21+s25+$0x0] =	vst.idx.msk $0xffff, v18;
	v21 =	vshrl.u32 v22, $0x3  }
0x14a: {  	v22 =	vld.idx.msk [tilespmem:v17+s2+$0x0], $0xffff;
	v21 =	vshll.u32 v21, v3  }
0x14b: {  	v19 =	vadd.s32 v1, v19;
	v21 =	vbroadcast v21, $0x0;
	_ =	sdelay $0x1  }
0x14c: {  	s12 =	sadd.s32 $0xA, s26;
	v21 =	vadd.s32 v4, v21  }
0x14d: {  	v18 =	vadd.s32 v18, v20;
	v20 =	vmov s12  }
0x14e: {  	s12 =	sadd.s32 $0xB, s26;
	[tilespmem:v17+s25+$0x0] =	vst.idx.msk $0xffff, v18;
	v17 =	vshrl.u32 v20, $0x3  }
0x14f: {  	v18 =	vadd.s32 v18, v22;
	v22 =	vmov s12;
	v20 =	vld.idx.msk [tilespmem:v19+s2+$0x0], $0xffff;
	v17 =	vshll.u32 v17, v3  }
0x150: {  	[tilespmem:v19+s25+$0x0] =	vst.idx.msk $0xffff, v18;
	v17 =	vbroadcast v17, $0x0;
	v19 =	vshrl.u32 v22, $0x3  }
0x151: {  	v22 =	vld.idx.msk [tilespmem:v21+s2+$0x0], $0xffff;
	v19 =	vshll.u32 v19, v3  }
0x152: {  	v17 =	vadd.s32 v5, v17;
	v19 =	vbroadcast v19, $0x0;
	_ =	sdelay $0x1  }
0x153: {  	s12 =	sadd.s32 $0xC, s26;
	v19 =	vadd.s32 v6, v19  }
0x154: {  	v18 =	vadd.s32 v18, v20;
	v20 =	vmov s12  }
0x155: {  	s12 =	sadd.s32 $0xD, s26;
	v20 =	vshrl.u32 v20, $0x3;
	[tilespmem:v21+s25+$0x0] =	vst.idx.msk $0xffff, v18  }
0x156: {  	v18 =	vadd.s32 v18, v22;
	v20 =	vshll.u32 v20, v3;
	v22 =	vmov s12;
	v21 =	vld.idx.msk [tilespmem:v17+s2+$0x0], $0xffff  }
0x157: {  	[tilespmem:v17+s25+$0x0] =	vst.idx.msk $0xffff, v18;
	v17 =	vbroadcast v20, $0x0;
	v20 =	vshrl.u32 v22, $0x3  }
0x158: {  	v22 =	vld.idx.msk [tilespmem:v19+s2+$0x0], $0xffff;
	v20 =	vshll.u32 v20, v3  }
0x159: {  	v17 =	vadd.s32 v7, v17;
	v20 =	vbroadcast v20, $0x0;
	_ =	sdelay $0x1  }
0x15a: {  	s12 =	sadd.s32 $0xE, s26;
	v20 =	vadd.s32 v8, v20  }
0x15b: {  	v18 =	vadd.s32 v18, v21;
	v21 =	vmov s12  }
0x15c: {  	s12 =	sadd.s32 $0xF, s26;
	s26 =	smov.u32 s28;
	[tilespmem:v19+s25+$0x0] =	vst.idx.msk $0xffff, v18;
	v19 =	vshrl.u32 v21, $0x3  }
0x15d: {  	v18 =	vadd.s32 v18, v22;
	v22 =	vmov s12;
	v21 =	vld.idx.msk [tilespmem:v17+s2+$0x0], $0xffff;
	v19 =	vshll.u32 v19, v3  }
0x15e: {  	[tilespmem:v17+s25+$0x0] =	vst.idx.msk $0xffff, v18;
	v17 =	vbroadcast v19, $0x0;
	v19 =	vshrl.u32 v22, $0x3  }
0x15f: {  	v22 =	vld.idx.msk [tilespmem:v20+s2+$0x0], $0xffff;
	v19 =	vshll.u32 v19, v3  }
0x160: {  	v23 =	vadd.s32 v9, v17;
	v17 =	vbroadcast v19, $0x0;
	_ =	sdelay $0x1  }
0x161: {  	v24 =	vadd.s32 v10, v17  }
0x162: {  	v17 =	vmov s26;
	v18 =	vadd.s32 v18, v21  }
0x163: {  	v17 =	vshrl.u32 v17, $0x3;
	[tilespmem:v20+s25+$0x0] =	vst.idx.msk $0xffff, v18  }
0x164: {  	v17 =	vshll.u32 v17, v3;
	v21 =	vadd.s32 v18, v22;
	v22 =	vld.idx.msk [tilespmem:v23+s2+$0x0], $0xffff  }
0x165: {  	v17 =	vbroadcast v17, $0x0;
	[tilespmem:v23+s25+$0x0] =	vst.idx.msk $0xffff, v21  }
0x166: {  	v20 =	vld.idx.msk [tilespmem:v24+s2+$0x0], $0xffff  }
.Ltmp2:
0x167: {  	v19 =	vadd.s32 v1, v17;
	(pc) =	sbr.rel @p1 .LBB2_5-.Ltmp2, $4  }
0x168: {  	_ = 	snop  }
0x169: {  	v18 =	vadd.s32 v4, v17  }
0x16a: {  	v21 =	vadd.s32 v21, v22  }
0x16b: {  	[tilespmem:v24+s25+$0x0] =	vst.idx.msk $0xffff, v21  }
0x16c: {  	_ =	sdelay $0x3  }
0x16d: {  	v22 =	vld.idx.msk [tilespmem:v19+s2+$0x0], $0xffff;
	_ =	sdelay $0x1  }
0x16e: {  	v23 =	vadd.s32 v5, v17;
	_ =	sdelay $0x1  }
0x16f: {  	v20 =	vadd.s32 v21, v20  }
0x170: {  	[tilespmem:v19+s25+$0x0] =	vst.idx.msk $0xffff, v20;
	v20 =	vadd.s32 v20, v22  }
0x171: {  	v19 =	vld.idx.msk [tilespmem:v18+s2+$0x0], $0xffff;
	[tilespmem:v18+s25+$0x0] =	vst.idx.msk $0xffff, v20  }
0x172: {  	v34 =	vld.idx.msk [tilespmem:v23+s2+$0x0], $0xffff  }
0x173: {  	v33 =	vadd.s32 v6, v17  }
0x174: {  	v35 =	vadd.s32 v7, v17;
	_ =	sdelay $0x1  }
0x175: {  	v19 =	vadd.s32 v20, v19  }
0x176: {  	[tilespmem:v23+s25+$0x0] =	vst.idx.msk $0xffff, v19;
	v19 =	vadd.s32 v19, v34  }
0x177: {  	v36 =	vld.idx.msk [tilespmem:v33+s2+$0x0], $0xffff;
	[tilespmem:v33+s25+$0x0] =	vst.idx.msk $0xffff, v19  }
0x178: {  	v38 =	vld.idx.msk [tilespmem:v35+s2+$0x0], $0xffff  }
0x179: {  	v37 =	vadd.s32 v8, v17  }
0x17a: {  	v39 =	vadd.s32 v9, v17  }
0x17b: {  	s11 =	sadd.s32 $0x8, s26  }
0x17c: {  	v40 =	vmov s11;
	v19 =	vadd.s32 v19, v36  }
0x17d: {  	v20 =	vshrl.u32 v40, $0x3;
	[tilespmem:v35+s25+$0x0] =	vst.idx.msk $0xffff, v19;
	v19 =	vadd.s32 v19, v38  }
0x17e: {  	v41 =	vshll.u32 v20, v3;
	v22 =	vld.idx.msk [tilespmem:v37+s2+$0x0], $0xffff;
	[tilespmem:v37+s25+$0x0] =	vst.idx.msk $0xffff, v19  }
0x17f: {  	v18 =	vbroadcast v41, $0x0;
	v42 =	vld.idx.msk [tilespmem:v39+s2+$0x0], $0xffff  }
0x180: {  	v17 =	vadd.s32 v10, v17  }
0x181: {  	s28 =	sadd.s32 $0x9, s26;
	v18 =	vadd.s32 v1, v18  }
0x182: {  	s29 =	sadd.s32 $0xA, s26;
	v43 =	vmov s28  }
0x183: {  	v44 =	vmov s29;
	v21 =	vshrl.u32 v43, $0x3;
	v19 =	vadd.s32 v19, v22  }
0x184: {  	v45 =	vshrl.u32 v44, $0x3;
	v21 =	vshll.u32 v21, v3;
	[tilespmem:v39+s25+$0x0] =	vst.idx.msk $0xffff, v19;
	v19 =	vadd.s32 v19, v42  }
0x185: {  	v21 =	vbroadcast v21, $0x0;
	v23 =	vld.idx.msk [tilespmem:v17+s2+$0x0], $0xffff;
	[tilespmem:v17+s25+$0x0] =	vst.idx.msk $0xffff, v19;
	v17 =	vshll.u32 v45, v3  }
0x186: {  	v47 =	vld.idx.msk [tilespmem:v18+s2+$0x0], $0xffff;
	v17 =	vbroadcast v17, $0x0  }
0x187: {  	v46 =	vadd.s32 v4, v21  }
0x188: {  	s30 =	sadd.s32 $0xB, s26;
	v17 =	vadd.s32 v5, v17  }
0x189: {  	s12 =	sadd.s32 $0xC, s26;
	v48 =	vmov s30  }
0x18a: {  	v50 =	vmov s12;
	v22 =	vshrl.u32 v48, $0x3;
	v19 =	vadd.s32 v19, v23  }
0x18b: {  	v52 =	vshrl.u32 v50, $0x3;
	v49 =	vshll.u32 v22, v3;
	[tilespmem:v18+s25+$0x0] =	vst.idx.msk $0xffff, v19;
	v19 =	vadd.s32 v19, v47  }
0x18c: {  	v53 =	vshll.u32 v52, v3;
	v18 =	vbroadcast v49, $0x0;
	v51 =	vld.idx.msk [tilespmem:v46+s2+$0x0], $0xffff;
	[tilespmem:v46+s25+$0x0] =	vst.idx.msk $0xffff, v19  }
0x18d: {  	v20 =	vbroadcast v53, $0x0;
	v54 =	vld.idx.msk [tilespmem:v17+s2+$0x0], $0xffff  }
0x18e: {  	v18 =	vadd.s32 v6, v18  }
0x18f: {  	s13 =	sadd.s32 $0xD, s26;
	v20 =	vadd.s32 v7, v20  }
0x190: {  	v55 =	vmov s13;
	s28 =	sadd.s32 $0xE, s26  }
0x191: {  	v56 =	vmov s28;
	v22 =	vshrl.u32 v55, $0x3;
	v19 =	vadd.s32 v19, v51  }
0x192: {  	v58 =	vshrl.u32 v56, $0x3;
	[tilespmem:v17+s25+$0x0] =	vst.idx.msk $0xffff, v19;
	v17 =	vshll.u32 v22, v3;
	v19 =	vadd.s32 v19, v54  }
0x193: {  	v59 =	vshll.u32 v58, v3;
	v57 =	vld.idx.msk [tilespmem:v18+s2+$0x0], $0xffff;
	v17 =	vbroadcast v17, $0x0;
	[tilespmem:v18+s25+$0x0] =	vst.idx.msk $0xffff, v19  }
0x194: {  	v18 =	vbroadcast v59, $0x0;
	v60 =	vld.idx.msk [tilespmem:v20+s2+$0x0], $0xffff  }
0x195: {  	v17 =	vadd.s32 v8, v17  }
0x196: {  	s29 =	sadd.s32 $0xF, s26;
	v18 =	vadd.s32 v9, v18  }
0x197: {  	v61 =	vmov s29  }
0x198: {  	v62 =	vshrl.u32 v61, $0x3;
	v19 =	vadd.s32 v19, v57  }
0x199: {  	[tilespmem:v20+s25+$0x0] =	vst.idx.msk $0xffff, v19;
	v20 =	vshll.u32 v62, v3;
	v19 =	vadd.s32 v19, v60  }
0x19a: {  	v63 =	vld.idx.msk [tilespmem:v17+s2+$0x0], $0xffff;
	v20 =	vbroadcast v20, $0x0;
	[tilespmem:v17+s25+$0x0] =	vst.idx.msk $0xffff, v19  }
0x19b: {  	v17 =	vld.idx.msk [tilespmem:v18+s2+$0x0], $0xffff  }
0x19c: {  	v20 =	vadd.s32 v10, v20;
	_ =	sdelay $0x2  }
0x19d: {  	v19 =	vadd.s32 v19, v63  }
0x19e: {  	[tilespmem:v18+s25+$0x0] =	vst.idx.msk $0xffff, v19;
	v17 =	vadd.s32 v19, v17  }
0x19f: {  	[tilespmem:v20+s25+$0x0] =	vst.idx.msk $0xffff, v17  }
0x1a0: {  	[tilespmem:$0x2110] =	vst v16  }
0x1a1: {  	v16 =	vld.idx.msk [tilespmem:v15+s9+$0x0], $0xffff;
	_ =	sdelay $0x4  }
0x1a2: {  	s30 =	rddreg [dreg:$0x14];
	s12 =	simm.s32 $0x2120;
	[tilespmem:$0x2120] =	vst v16  }
0x1a3: {  	[hbm4b:s30+s2] =	stream.linear.scatter [tilespmem:s12], [sflag:$0x1], $0x1, $0x38;
	[tilespmem:$0x2130] =	vst v63  }
0x1a4: {  	_ = 	snop  }
0x1a5: {  	[hbm4b:s18+s2] =	stream.linear.scatter [tilespmem:s25], [sflag:$0x1], $0x100, $0x38;
	[tilespmem:$0x2130] =	vst v63  }
0x1a6: {  	s13 =	simm.s32 $0x1188;
	s26 =	sld [smem:$0x7FD]  }
0x1a7: {  	[hbm4b:s16+s2] =	stream.linear.scatter [tilespmem:s13], [sflag:$0x1], $0x100, $0x38;
	[tilespmem:$0x2130] =	vst v63  }
0x1a8: {  	s28 =	simm.s32 $0x1290;
	s29 =	sld [smem:$0x7FB]  }
0x1a9: {  	[hbm4b:s26+s2] =	stream.linear.scatter [tilespmem:s28], [sflag:$0x1], $0x100, $0x38;
	[tilespmem:$0x2130] =	vst v63  }
0x1aa: {  	s30 =	simm.s32 $0x1398;
	s12 =	sld [smem:$0x7F9]  }
0x1ab: {  	[hbm4b:s29+s2] =	stream.linear.scatter [tilespmem:s30], [sflag:$0x1], $0x100, $0x38;
	[tilespmem:$0x2130] =	vst v63  }
0x1ac: {  	s13 =	simm.s32 $0x14A0;
	s26 =	sld [smem:$0x7F7]  }
0x1ad: {  	[hbm4b:s12+s2] =	stream.linear.scatter [tilespmem:s13], [sflag:$0x1], $0x100, $0x38;
	[tilespmem:$0x2130] =	vst v63  }
0x1ae: {  	s28 =	simm.s32 $0x15A8;
	s29 =	sld [smem:$0x7F5]  }
0x1af: {  	[hbm4b:s26+s2] =	stream.linear.scatter [tilespmem:s28], [sflag:$0x1], $0x100, $0x38;
	[tilespmem:$0x2130] =	vst v63  }
0x1b0: {  	s30 =	simm.s32 $0x16B0;
	s12 =	sld [smem:$0x7F3]  }
0x1b1: {  	[hbm4b:s29+s2] =	stream.linear.scatter [tilespmem:s30], [sflag:$0x1], $0x100, $0x38;
	[tilespmem:$0x2130] =	vst v63  }
0x1b2: {  	s13 =	simm.s32 $0x17B8;
	s26 =	sld [smem:$0x7F1]  }
0x1b3: {  	[hbm4b:s12+s2] =	stream.linear.scatter [tilespmem:s13], [sflag:$0x1], $0x100, $0x38;
	[tilespmem:$0x2130] =	vst v63  }
0x1b4: {  	s28 =	simm.s32 $0x18C0  }
0x1b5: {  	[hbm4b:s26+s2] =	stream.linear.scatter [tilespmem:s28], [sflag:$0x1], $0x100, $0x38;
	[tilespmem:$0x2130] =	vst v63  }
0x1b6: {  	s29 =	rddreg [dreg:$0x1f];
	s30 =	simm.s32 $0x19C8  }
0x1b7: {  	[hbm4b:s29+s2] =	stream.linear.scatter [tilespmem:s30], [sflag:$0x1], $0x100, $0x38;
	[tilespmem:$0x2130] =	vst v63  }
0x1b8: {  	s12 =	rddreg [dreg:$0x1d];
	s13 =	simm.s32 $0x1AD0  }
0x1b9: {  	[hbm4b:s12+s2] =	stream.linear.scatter [tilespmem:s13], [sflag:$0x1], $0x100, $0x38;
	[tilespmem:$0x2130] =	vst v63  }
0x1ba: {  	s26 =	rddreg [dreg:$0x1b];
	s28 =	simm.s32 $0x1BD8  }
0x1bb: {  	[hbm4b:s26+s2] =	stream.linear.scatter [tilespmem:s28], [sflag:$0x1], $0x100, $0x38;
	[tilespmem:$0x2130] =	vst v63  }
0x1bc: {  	s29 =	rddreg [dreg:$0x19];
	s30 =	simm.s32 $0x1CE0  }
0x1bd: {  	[hbm4b:s29+s2] =	stream.linear.scatter [tilespmem:s30], [sflag:$0x1], $0x100, $0x38;
	[tilespmem:$0x2130] =	vst v63  }
0x1be: {  	s13 =	rddreg [dreg:$0x17];
	s26 =	simm.s32 $0x1DE8  }
0x1bf: {  	[hbm4b:s13+s2] =	stream.linear.scatter [tilespmem:s26], [sflag:$0x1], $0x100, $0x38;
	[tilespmem:$0x2130] =	vst v63  }
0x1c0: {  	s28 =	rddreg [dreg:$0x15];
	s29 =	simm.s32 $0x1EF0  }
0x1c1: {  	[hbm4b:s28+s2] =	stream.linear.scatter [tilespmem:s29], [sflag:$0x1], $0x100, $0x38;
	[tilespmem:$0x2130] =	vst v63  }
0x1c2: {  	s30 =	simm.s32 $0x1FF8  }
0x1c3: {  	v16 =	vadd.s32 @!p0 v2, v16;
	[hbm4b:s21+s2] =	stream.linear.scatter [tilespmem:s30], [sflag:$0x1], $0x100, $0x38;
	[tilespmem:$0x2130] =	vst v63  }
0x1c4: {  	s11 =	simm.s32 @!p0 $0x0;
	s12 =	simm.s32 @!p0 $0x2100;
	[tilespmem:$0x2100] =	vst @!p0 v16  }
0x1c5: {  	[hbm4b:s22+s11] =	stream.linear.scatter @!p0 [tilespmem:s12], [sflag:$0x2], $0x1, $0x38;
	[tilespmem:$0x2130] =	vst v63  }
0x1c6: {  	s11 =	simm.s32 @!p0 $0x2  }
0x1c7: {  	_ =	swait.ge @!p0 [sflag:s11], $0x1  }
0x1c8: {  	[sflag:s11] =	ssyncset.done @!p0 $0x0  }
0x1c9: {  	[sflag:s11] =	ssyncadd.s32 @!p0 $0xFFFFFFFF  }
0x1ca: {  	_ =	swait.ge [sflag:s24], $0x100  }
0x1cb: {  	[sflag:s24] =	ssyncset.done $0x0  }
0x1cc: {  	[sflag:s24] =	ssyncadd.s32 $0xFFFFFF00  }
0x1cd: {  	_ =	swait.ge [sflag:s24], $0x100  }
0x1ce: {  	[sflag:s24] =	ssyncset.done $0x0  }
0x1cf: {  	[sflag:s24] =	ssyncadd.s32 $0xFFFFFF00  }
0x1d0: {  	_ =	swait.ge [sflag:s24], $0x100  }
0x1d1: {  	[sflag:s24] =	ssyncset.done $0x0  }
0x1d2: {  	[sflag:s24] =	ssyncadd.s32 $0xFFFFFF00  }
0x1d3: {  	_ =	swait.ge [sflag:s24], $0x100  }
0x1d4: {  	[sflag:s24] =	ssyncset.done $0x0  }
0x1d5: {  	[sflag:s24] =	ssyncadd.s32 $0xFFFFFF00  }
0x1d6: {  	_ =	swait.ge [sflag:s24], $0x100  }
0x1d7: {  	[sflag:s24] =	ssyncset.done $0x0  }
0x1d8: {  	[sflag:s24] =	ssyncadd.s32 $0xFFFFFF00  }
0x1d9: {  	_ =	swait.ge [sflag:s24], $0x100  }
0x1da: {  	[sflag:s24] =	ssyncset.done $0x0  }
0x1db: {  	[sflag:s24] =	ssyncadd.s32 $0xFFFFFF00  }
0x1dc: {  	_ =	swait.ge [sflag:s24], $0x100  }
0x1dd: {  	[sflag:s24] =	ssyncset.done $0x0  }
0x1de: {  	[sflag:s24] =	ssyncadd.s32 $0xFFFFFF00  }
0x1df: {  	_ =	swait.ge [sflag:s24], $0x100  }
0x1e0: {  	[sflag:s24] =	ssyncset.done $0x0  }
0x1e1: {  	[sflag:s24] =	ssyncadd.s32 $0xFFFFFF00  }
0x1e2: {  	_ =	swait.ge [sflag:s24], $0x100  }
0x1e3: {  	[sflag:s24] =	ssyncset.done $0x0  }
0x1e4: {  	[sflag:s24] =	ssyncadd.s32 $0xFFFFFF00  }
0x1e5: {  	_ =	swait.ge [sflag:s24], $0x100  }
0x1e6: {  	[sflag:s24] =	ssyncset.done $0x0  }
0x1e7: {  	[sflag:s24] =	ssyncadd.s32 $0xFFFFFF00  }
0x1e8: {  	_ =	swait.ge [sflag:s24], $0x100  }
0x1e9: {  	[sflag:s24] =	ssyncset.done $0x0  }
0x1ea: {  	[sflag:s24] =	ssyncadd.s32 $0xFFFFFF00  }
0x1eb: {  	_ =	swait.ge [sflag:s24], $0x100  }
0x1ec: {  	[sflag:s24] =	ssyncset.done $0x0  }
0x1ed: {  	[sflag:s24] =	ssyncadd.s32 $0xFFFFFF00  }
0x1ee: {  	_ =	swait.ge [sflag:s24], $0x100  }
0x1ef: {  	[sflag:s24] =	ssyncset.done $0x0  }
0x1f0: {  	[sflag:s24] =	ssyncadd.s32 $0xFFFFFF00  }
0x1f1: {  	_ =	swait.ge [sflag:s24], $0x100  }
0x1f2: {  	[sflag:s24] =	ssyncset.done $0x0  }
0x1f3: {  	[sflag:s24] =	ssyncadd.s32 $0xFFFFFF00  }
0x1f4: {  	_ =	swait.ge [sflag:s24], $0x100  }
0x1f5: {  	[sflag:s24] =	ssyncset.done $0x0  }
0x1f6: {  	[sflag:s24] =	ssyncadd.s32 $0xFFFFFF00  }
0x1f7: {  	_ =	swait.ge [sflag:s24], $0x100  }
0x1f8: {  	[sflag:s24] =	ssyncset.done $0x0  }
0x1f9: {  	[sflag:s24] =	ssyncadd.s32 $0xFFFFFF00  }
0x1fa: {  	_ =	swait.ge [sflag:s24], $0x1  }
0x1fb: {  	[sflag:s24] =	ssyncset.done $0x0  }
0x1fc: {  	[sflag:s24] =	ssyncadd.s32 $0xFFFFFFFF  }
0x1fd: {  	_ =	swait.ge [sflag:s24], $0x100  }
0x1fe: {  	[sflag:s24] =	ssyncset.done $0x0  }
0x1ff: {  	[sflag:s24] =	ssyncadd.s32 $0xFFFFFF00  }
0x200: {  	_ =	swait.ge [sflag:s24], $0x100  }
0x201: {  	[sflag:s24] =	ssyncset.done $0x0  }
0x202: {  	[sflag:s24] =	ssyncadd.s32 $0xFFFFFF00  }
0x203: {  	_ =	swait.ge [sflag:s24], $0x100  }
0x204: {  	[sflag:s24] =	ssyncset.done $0x0  }
0x205: {  	[sflag:s24] =	ssyncadd.s32 $0xFFFFFF00  }
0x206: {  	_ =	swait.ge [sflag:s24], $0x100  }
0x207: {  	[sflag:s24] =	ssyncset.done $0x0  }
0x208: {  	[sflag:s24] =	ssyncadd.s32 $0xFFFFFF00  }
0x209: {  	_ =	swait.ge [sflag:s24], $0x100  }
0x20a: {  	[sflag:s24] =	ssyncset.done $0x0  }
0x20b: {  	[sflag:s24] =	ssyncadd.s32 $0xFFFFFF00  }
0x20c: {  	_ =	swait.ge [sflag:s24], $0x100  }
0x20d: {  	[sflag:s24] =	ssyncset.done $0x0  }
0x20e: {  	[sflag:s24] =	ssyncadd.s32 $0xFFFFFF00  }
0x20f: {  	_ =	swait.ge [sflag:s24], $0x100  }
0x210: {  	[sflag:s24] =	ssyncset.done $0x0  }
0x211: {  	[sflag:s24] =	ssyncadd.s32 $0xFFFFFF00  }
0x212: {  	_ =	swait.ge [sflag:s24], $0x100  }
0x213: {  	[sflag:s24] =	ssyncset.done $0x0  }
0x214: {  	[sflag:s24] =	ssyncadd.s32 $0xFFFFFF00  }
0x215: {  	_ =	swait.ge [sflag:s24], $0x100  }
0x216: {  	[sflag:s24] =	ssyncset.done $0x0  }
0x217: {  	[sflag:s24] =	ssyncadd.s32 $0xFFFFFF00  }
0x218: {  	_ =	swait.ge [sflag:s24], $0x100  }
0x219: {  	[sflag:s24] =	ssyncset.done $0x0  }
0x21a: {  	[sflag:s24] =	ssyncadd.s32 $0xFFFFFF00  }
0x21b: {  	_ =	swait.ge [sflag:s24], $0x100  }
0x21c: {  	[sflag:s24] =	ssyncset.done $0x0  }
0x21d: {  	[sflag:s24] =	ssyncadd.s32 $0xFFFFFF00  }
0x21e: {  	_ =	swait.ge [sflag:s24], $0x100  }
0x21f: {  	[sflag:s24] =	ssyncset.done $0x0  }
0x220: {  	[sflag:s24] =	ssyncadd.s32 $0xFFFFFF00  }
0x221: {  	_ =	swait.ge [sflag:s24], $0x100  }
0x222: {  	[sflag:s24] =	ssyncset.done $0x0  }
0x223: {  	[sflag:s24] =	ssyncadd.s32 $0xFFFFFF00  }
0x224: {  	_ =	swait.ge [sflag:s24], $0x100  }
0x225: {  	[sflag:s24] =	ssyncset.done $0x0  }
0x226: {  	s10 =	sadd.s32 $0x1, s10;
	[sflag:s24] =	ssyncadd.s32 $0xFFFFFF00  }
0x227: {  	p1 =	sne.s32 s10, s23;
	_ =	swait.ge [sflag:s24], $0x100  }
.Ltmp3:
0x228: {  	[sflag:s24] =	ssyncset.done $0x0;
	(pc) =	sbr.rel @p1 .LBB2_2-.Ltmp3, $4  }
0x229: {  	[sflag:s24] =	ssyncadd.s32 $0xFFFFFF00  }
0x22a: {  	_ =	swait.ge [sflag:s24], $0x100  }
0x22b: {  	[sflag:s24] =	ssyncset.done $0x0  }
0x22c: {  	[sflag:s24] =	ssyncadd.s32 $0xFFFFFF00  }
.LBB2_7:
0x22d: {  	_ =	sfence.sel $0x180000  }
0x22e: {  	[bflag:$0x0] =	sbarrier.arrive $0xFFFF  }
0x22f: {  	_ =	strace $0x90000047  }
0x230: {  	s0 =	stileid.u32;
	[bflag:$0x2] =	sbarrier.arrive $0xFFFF  }
0x231: {  	p0 =	sne.s32 s0, $0x0;
	s0 =	rddreg [dreg:$0x3]  }
0x232: {  	s0 =	sadd.s32 @!p0 $0x100000, s0  }
0x233: {  	[sflag:s0] =	ssyncadd.tile.s32 @!p0 $0x1;
	_ =	shalt  }
.Lfunc_end2:
_tile_overlayer_lowered:
.L_overlay_start_2:
0x234: {  	(tag) =	ssettag $0x2  }
0x235: {  	s0 =	rddreg [dreg:$0x0];
	s2 =	stileid.u32  }
0x236: {  	s1 =	rddreg [dreg:$0x1];
	p0 =	sne.s32 s2, $0x0  }
0x237: {  	s3 =	rddreg [dreg:$0x2];
	[bflag:$0x3] =	sbarrier.arrive $0xFFFF;
	s2 =	simm.s32 @!p0 $0x1C02  }
0x238: {  	[timem:s3], [sflag:s2] =	dma.local @!p0 [hbm:s0], s1  }
0x239: {  	s0 =	simm.s32 @!p0 $0x2  }
0x23a: {  	_ =	swait.ge @!p0 [sflag:s0], s1  }
0x23b: {  	s1 =	ssub.s32 @!p0 $0x0, s1;
	[sflag:s0] =	ssyncset.done @!p0 $0x0  }
0x23c: {  	[sflag:s0] =	ssyncadd.s32 @!p0 s1  }
0x23d: {  	[bflag:$0x3] =	sbarrier.arrive $0xFFFF  }
0x23e: {  	_ =	shalt  }

</sc_bundles>
